<compile_context>
chip_gen: v7x
topology: tpu7x:2x2x1
jax: 0.10.2.dev20260603
libtpu: 0.0.44.dev20260713+nightly
codegen_flags: <defaults>
</compile_context>

<pallas_src>
import jax
import jax.numpy as jnp
from jax import lax
from jax.experimental import pallas as pl
from jax.experimental.pallas import tpu as pltpu
from jax.experimental.pallas import tpu_sc as plsc

VOCAB_SIZE = 100000
EMBEDDING_SIZE = 64
BATCH = 4096
SEQ_LEN = 200

NUM_WORKERS = 32
SEQS_PER_WORKER = BATCH // NUM_WORKERS
NBUF = 4
HALF = EMBEDDING_SIZE // 2


def _embed_kernel(idx_hbm, table_hbm, pe_hbm, out_hbm,
                  pe_v,
                  ix0, ix1, ix2, ix3,
                  rows0, rows1, rows2, rows3,
                  i0, i1, i2, i3, g0, g1, g2, g3, w0, w1, w2, w3):
    nc = 2
    wid = lax.axis_index("s") * nc + lax.axis_index("c")
    base_seq = wid * SEQS_PER_WORKER

    pltpu.sync_copy(pe_hbm, pe_v)

    idx_bufs = (ix0, ix1, ix2, ix3)
    row_bufs = (rows0, rows1, rows2, rows3)
    i_sems = (i0, i1, i2, i3)
    g_sems = (g0, g1, g2, g3)
    w_sems = (w0, w1, w2, w3)

    def idx_fetch(c, b):
        s = base_seq + c
        pltpu.async_copy(idx_hbm.at[pl.ds(s * SEQ_LEN, SEQ_LEN)],
                         idx_bufs[b], i_sems[b])

    def idx_wait(b):
        pltpu.make_async_copy(idx_hbm.at[pl.ds(0, SEQ_LEN)],
                              idx_bufs[b], i_sems[b]).wait()

    def fetch(b):
        pltpu.async_copy(table_hbm.at[idx_bufs[b]], row_bufs[b], g_sems[b])

    def gather_wait(b):
        pltpu.make_async_copy(table_hbm.at[idx_bufs[b]], row_bufs[b],
                              g_sems[b]).wait()

    def wb_wait(b):
        pltpu.make_async_copy(row_bufs[b], out_hbm.at[base_seq],
                              w_sems[b]).wait()

    def add_pe(b):
        rows = row_bufs[b]

        def body(r, _):
            for h in range(8):
                a = h // 4
                sl = pl.ds((h % 4) * 16, 16)
                plsc.addupdate(rows.at[2 * r + a, sl],
                               pe_v[r, pl.ds(h * 16, 16)])
            return ()

        lax.fori_loop(0, SEQ_LEN // 2, body, (), unroll=4)

    for b in range(NBUF):
        idx_fetch(b, b)
    for b in range(2):
        idx_wait(b)
        fetch(b)

    def outer(p, _):
        for b in range(NBUF):
            c = p * NBUF + b
            gather_wait(b)

            @pl.when(c + 4 < SEQS_PER_WORKER)
            def _():
                idx_fetch(c + 4, b)

            tb = (b + 2) % NBUF

            @pl.when(c >= 2)
            def _():
                wb_wait(tb)

            @pl.when(c + 2 < SEQS_PER_WORKER)
            def _():
                idx_wait(tb)
                fetch(tb)

            add_pe(b)
            pltpu.async_copy(row_bufs[b], out_hbm.at[base_seq + c],
                             w_sems[b])
        return ()

    lax.fori_loop(0, SEQS_PER_WORKER // NBUF, outer, ())

    wb_wait(2)
    wb_wait(3)


@jax.jit
def _run(idx_flat, table, pe_packed):
    mesh = plsc.VectorSubcoreMesh(core_axis_name="c", subcore_axis_name="s")
    fn = pl.kernel(
        _embed_kernel,
        mesh=mesh,
        compiler_params=pltpu.CompilerParams(use_tc_tiling_on_sc=False),
        out_type=jax.ShapeDtypeStruct((BATCH, SEQ_LEN, EMBEDDING_SIZE),
                                      jnp.float32),
        scratch_types=[
            pltpu.VMEM((SEQ_LEN // 2, 2 * EMBEDDING_SIZE), jnp.float32),
        ] + [
            pltpu.VMEM((SEQ_LEN,), jnp.int32) for _ in range(NBUF)
        ] + [
            pltpu.VMEM((SEQ_LEN, EMBEDDING_SIZE), jnp.float32)
            for _ in range(NBUF)
        ] + [pltpu.SemaphoreType.DMA for _ in range(3 * NBUF)],
    )
    return fn(idx_flat, table, pe_packed)


def kernel(inputs, word_embedding, position_embedding):
    idx_flat = inputs.astype(jnp.int32).reshape(BATCH * SEQ_LEN)
    pe_packed = position_embedding[:SEQ_LEN].reshape(SEQ_LEN // 2,
                                                     2 * EMBEDDING_SIZE)
    return _run(idx_flat, word_embedding, pe_packed)

# --- scband reference (transcript-rebuilt; emitter-appended) ---
"""Pipeline reference for scband-embedding-90099823936176 (READ-ONLY COPY).

The authoritative reference and input builder live on the scoring server;
editing this copy changes nothing except your own understanding.
"""

import jax, jax.numpy as jnp
import numpy as np

VOCAB_SIZE = 100000
EMBEDDING_SIZE = 64
MAX_POSITION_LENGTH = 512
BATCH = 4096
SEQ_LEN = 200

def setup_inputs(seed: int = 0) -> dict:
    key = jax.random.key(seed)
    k1, k2, k3 = jax.random.split(key, 3)
    inputs = jax.random.randint(k1, (BATCH, SEQ_LEN), 0, VOCAB_SIZE, dtype=jnp.int64 if jax.config.jax_enable_x64 else jnp.int32)
    word_embedding = jax.random.normal(k2, (VOCAB_SIZE, EMBEDDING_SIZE), dtype=jnp.float32) * 0.02
    position_embedding = jax.random.normal(k3, (MAX_POSITION_LENGTH, EMBEDDING_SIZE), dtype=jnp.float32) * 0.02
    return {"inputs": inputs, "word_embedding": word_embedding, "position_embedding": position_embedding}

def reference(inputs, word_embedding, position_embedding):
    # gather path (use_one_hot_keys=False), start=None -> 0
    B, L = inputs.shape
    x = jnp.take(word_embedding, inputs, axis=0)  # [B, L, E]
    start = 0
    end = start + L
    pe = position_embedding[start:end]  # [L, E]
    x = x + pe
    return x

if __name__ == "__main__":
    import jax
    _d = setup_inputs()
    print(jax.jit(kernel)(*tuple(_d.values())))

</pallas_src>

<mosaic_0001>
#map = affine_map<(d0, d1) -> (0)>
#map1 = affine_map<(d0, d1) -> (0, 0)>
#map2 = affine_map<(d0, d1) -> (0, 0, 0)>
module attributes {stable_mosaic.version = 14 : i64} {
  func.func @_embed_kernel(%arg0: i32, %arg1: i32, %arg2: memref<819200xi32, #tpu.memory_space<hbm>>, %arg3: memref<100000x64xf32, #tpu.memory_space<hbm>>, %arg4: memref<100x128xf32, #tpu.memory_space<hbm>>, %arg5: memref<4096x200x64xf32, #tpu.memory_space<hbm>>, %arg6: memref<100x128xf32, #tpu.memory_space<vmem>>, %arg7: memref<200xi32, #tpu.memory_space<vmem>>, %arg8: memref<200xi32, #tpu.memory_space<vmem>>, %arg9: memref<200xi32, #tpu.memory_space<vmem>>, %arg10: memref<200xi32, #tpu.memory_space<vmem>>, %arg11: memref<200x64xf32, #tpu.memory_space<vmem>>, %arg12: memref<200x64xf32, #tpu.memory_space<vmem>>, %arg13: memref<200x64xf32, #tpu.memory_space<vmem>>, %arg14: memref<200x64xf32, #tpu.memory_space<vmem>>, %arg15: memref<!tpu.dma_semaphore, #tpu.memory_space<semaphore_mem>>, %arg16: memref<!tpu.dma_semaphore, #tpu.memory_space<semaphore_mem>>, %arg17: memref<!tpu.dma_semaphore, #tpu.memory_space<semaphore_mem>>, %arg18: memref<!tpu.dma_semaphore, #tpu.memory_space<semaphore_mem>>, %arg19: memref<!tpu.dma_semaphore, #tpu.memory_space<semaphore_mem>>, %arg20: memref<!tpu.dma_semaphore, #tpu.memory_space<semaphore_mem>>, %arg21: memref<!tpu.dma_semaphore, #tpu.memory_space<semaphore_mem>>, %arg22: memref<!tpu.dma_semaphore, #tpu.memory_space<semaphore_mem>>, %arg23: memref<!tpu.dma_semaphore, #tpu.memory_space<semaphore_mem>>, %arg24: memref<!tpu.dma_semaphore, #tpu.memory_space<semaphore_mem>>, %arg25: memref<!tpu.dma_semaphore, #tpu.memory_space<semaphore_mem>>, %arg26: memref<!tpu.dma_semaphore, #tpu.memory_space<semaphore_mem>>) attributes {dimension_semantics = [#tpu.dimension_semantics<core_parallel>, #tpu.dimension_semantics<subcore_parallel>], iteration_bounds = array<i64: 2, 16>, scalar_prefetch = 0 : i64, scratch_operands = 21 : i64, tpu.core_type = #tpu.core_type<sc_vector_subcore>, window_params = [{transform_indices = #map}, {transform_indices = #map1}, {transform_indices = #map1}, {transform_indices = #map2}]} {
    %mul3A = arith.constant 2 : i32
    %mul3A_0 = arith.muli %arg1, %mul3A : i32
    %add3A = arith.addi %mul3A_0, %arg0 : i32
    %mul3A_1 = arith.constant 128 : i32
    %mul3A_2 = arith.muli %add3A, %mul3A_1 : i32
    "tpu.region"() ({
      %run_scoped3A = tpu.sem_alloc : memref<!tpu.dma_semaphore, #tpu.memory_space<semaphore_mem>>
      tpu.enqueue_dma source(%arg4 : memref<100x128xf32, #tpu.memory_space<hbm>>) target(%arg6 : memref<100x128xf32, #tpu.memory_space<vmem>>) target_semaphore(%run_scoped3A : memref<!tpu.dma_semaphore, #tpu.memory_space<semaphore_mem>>)
      tpu.wait_dma2 semaphore(%run_scoped3A : memref<!tpu.dma_semaphore, #tpu.memory_space<semaphore_mem>>) src(%arg4 : memref<100x128xf32, #tpu.memory_space<hbm>>) dst(%arg6 : memref<100x128xf32, #tpu.memory_space<vmem>>)
      tpu.yield
    }) : () -> ()
    %add3A_3 = arith.constant 0 : i32
    %add3A_4 = arith.addi %mul3A_2, %add3A_3 : i32
    %mul3A_5 = arith.constant 200 : i32
    %mul3A_6 = arith.muli %add3A_4, %mul3A_5 : i32
    %dma_start3A = tpu.memref_slice %arg2[%mul3A_6] : memref<819200xi32, #tpu.memory_space<hbm>> -> memref<200xi32, #tpu.memory_space<hbm>>
    %dma_start3A_7 = tpu.memref_slice %arg2[%mul3A_6] : memref<819200xi32, #tpu.memory_space<hbm>> -> memref<200xi32, #tpu.memory_space<hbm>>
    tpu.enqueue_dma source(%dma_start3A_7 : memref<200xi32, #tpu.memory_space<hbm>>) target(%arg7 : memref<200xi32, #tpu.memory_space<vmem>>) target_semaphore(%arg15 : memref<!tpu.dma_semaphore, #tpu.memory_space<semaphore_mem>>)
    %add3A_8 = arith.constant 1 : i32
    %add3A_9 = arith.addi %mul3A_2, %add3A_8 : i32
    %mul3A_10 = arith.constant 200 : i32
    %mul3A_11 = arith.muli %add3A_9, %mul3A_10 : i32
    %dma_start3A_12 = tpu.memref_slice %arg2[%mul3A_11] : memref<819200xi32, #tpu.memory_space<hbm>> -> memref<200xi32, #tpu.memory_space<hbm>>
    %dma_start3A_13 = tpu.memref_slice %arg2[%mul3A_11] : memref<819200xi32, #tpu.memory_space<hbm>> -> memref<200xi32, #tpu.memory_space<hbm>>
    tpu.enqueue_dma source(%dma_start3A_13 : memref<200xi32, #tpu.memory_space<hbm>>) target(%arg8 : memref<200xi32, #tpu.memory_space<vmem>>) target_semaphore(%arg16 : memref<!tpu.dma_semaphore, #tpu.memory_space<semaphore_mem>>)
    %add3A_14 = arith.constant 2 : i32
    %add3A_15 = arith.addi %mul3A_2, %add3A_14 : i32
    %mul3A_16 = arith.constant 200 : i32
    %mul3A_17 = arith.muli %add3A_15, %mul3A_16 : i32
    %dma_start3A_18 = tpu.memref_slice %arg2[%mul3A_17] : memref<819200xi32, #tpu.memory_space<hbm>> -> memref<200xi32, #tpu.memory_space<hbm>>
    %dma_start3A_19 = tpu.memref_slice %arg2[%mul3A_17] : memref<819200xi32, #tpu.memory_space<hbm>> -> memref<200xi32, #tpu.memory_space<hbm>>
    tpu.enqueue_dma source(%dma_start3A_19 : memref<200xi32, #tpu.memory_space<hbm>>) target(%arg9 : memref<200xi32, #tpu.memory_space<vmem>>) target_semaphore(%arg17 : memref<!tpu.dma_semaphore, #tpu.memory_space<semaphore_mem>>)
    %add3A_20 = arith.constant 3 : i32
    %add3A_21 = arith.addi %mul3A_2, %add3A_20 : i32
    %mul3A_22 = arith.constant 200 : i32
    %mul3A_23 = arith.muli %add3A_21, %mul3A_22 : i32
    %dma_start3A_24 = tpu.memref_slice %arg2[%mul3A_23] : memref<819200xi32, #tpu.memory_space<hbm>> -> memref<200xi32, #tpu.memory_space<hbm>>
    %dma_start3A_25 = tpu.memref_slice %arg2[%mul3A_23] : memref<819200xi32, #tpu.memory_space<hbm>> -> memref<200xi32, #tpu.memory_space<hbm>>
    tpu.enqueue_dma source(%dma_start3A_25 : memref<200xi32, #tpu.memory_space<hbm>>) target(%arg10 : memref<200xi32, #tpu.memory_space<vmem>>) target_semaphore(%arg18 : memref<!tpu.dma_semaphore, #tpu.memory_space<semaphore_mem>>)
    %dma_wait3A = arith.constant 0 : i32
    %dma_wait3A_26 = tpu.memref_slice %arg2[%dma_wait3A] : memref<819200xi32, #tpu.memory_space<hbm>> -> memref<200xi32, #tpu.memory_space<hbm>>
    %dma_wait3A_27 = arith.constant 0 : i32
    %dma_wait3A_28 = tpu.memref_slice %arg2[%dma_wait3A_27] : memref<819200xi32, #tpu.memory_space<hbm>> -> memref<200xi32, #tpu.memory_space<hbm>>
    tpu.wait_dma2 semaphore(%arg15 : memref<!tpu.dma_semaphore, #tpu.memory_space<semaphore_mem>>) src(%dma_wait3A_28 : memref<200xi32, #tpu.memory_space<hbm>>) dst(%arg7 : memref<200xi32, #tpu.memory_space<vmem>>)
    %dma_start3A_29 = arith.constant 0 : i32
    %dma_start3A_30 = arith.constant 0 : i32
    %dma_start3A_31 = tpu.memref_slice %arg3[%dma_start3A_29, %dma_start3A_30] : memref<100000x64xf32, #tpu.memory_space<hbm>> -> memref<100000x64xf32, #tpu.memory_space<hbm>>
    tpu.enqueue_indirect_dma source(%dma_start3A_31 : memref<100000x64xf32, #tpu.memory_space<hbm>>) target(%arg11 : memref<200x64xf32, #tpu.memory_space<vmem>>) offsets(%arg7 : memref<200xi32, #tpu.memory_space<vmem>>) semaphore(%arg19 : memref<!tpu.dma_semaphore, #tpu.memory_space<semaphore_mem>>)
    %dma_wait3A_32 = arith.constant 0 : i32
    %dma_wait3A_33 = tpu.memref_slice %arg2[%dma_wait3A_32] : memref<819200xi32, #tpu.memory_space<hbm>> -> memref<200xi32, #tpu.memory_space<hbm>>
    %dma_wait3A_34 = arith.constant 0 : i32
    %dma_wait3A_35 = tpu.memref_slice %arg2[%dma_wait3A_34] : memref<819200xi32, #tpu.memory_space<hbm>> -> memref<200xi32, #tpu.memory_space<hbm>>
    tpu.wait_dma2 semaphore(%arg16 : memref<!tpu.dma_semaphore, #tpu.memory_space<semaphore_mem>>) src(%dma_wait3A_35 : memref<200xi32, #tpu.memory_space<hbm>>) dst(%arg8 : memref<200xi32, #tpu.memory_space<vmem>>)
    %dma_start3A_36 = arith.constant 0 : i32
    %dma_start3A_37 = arith.constant 0 : i32
    %dma_start3A_38 = tpu.memref_slice %arg3[%dma_start3A_36, %dma_start3A_37] : memref<100000x64xf32, #tpu.memory_space<hbm>> -> memref<100000x64xf32, #tpu.memory_space<hbm>>
    tpu.enqueue_indirect_dma source(%dma_start3A_38 : memref<100000x64xf32, #tpu.memory_space<hbm>>) target(%arg12 : memref<200x64xf32, #tpu.memory_space<vmem>>) offsets(%arg8 : memref<200xi32, #tpu.memory_space<vmem>>) semaphore(%arg20 : memref<!tpu.dma_semaphore, #tpu.memory_space<semaphore_mem>>)
    %scan3A = arith.constant 0 : i32
    %scan3A_39 = arith.constant 32 : i32
    %scan3A_40 = arith.addi %scan3A, %scan3A_39 : i32
    %scan3A_41 = arith.constant 1 : i32
    scf.for %scan3A_59 = %scan3A to %scan3A_40 step %scan3A_41  : i32 {
      %mul3A_60 = arith.constant 4 : i32
      %mul3A_61 = arith.muli %scan3A_59, %mul3A_60 : i32
      %add3A_62 = arith.constant 0 : i32
      %add3A_63 = arith.addi %mul3A_61, %add3A_62 : i32
      %dma_wait3A_64 = arith.constant 0 : i32
      %dma_wait3A_65 = arith.constant 0 : i32
      %dma_wait3A_66 = tpu.memref_slice %arg3[%dma_wait3A_64, %dma_wait3A_65] : memref<100000x64xf32, #tpu.memory_space<hbm>> -> memref<100000x64xf32, #tpu.memory_space<hbm>>
      tpu.wait_indirect_dma semaphore(%arg19 : memref<!tpu.dma_semaphore, #tpu.memory_space<semaphore_mem>>) src(%dma_wait3A_66 : memref<100000x64xf32, #tpu.memory_space<hbm>>) dst(%arg11 : memref<200x64xf32, #tpu.memory_space<vmem>>)
      %add3A_67 = arith.constant 4 : i32
      %add3A_68 = arith.addi %add3A_63, %add3A_67 : i32
      %lt3A = arith.constant 128 : i32
      %lt3A_69 = arith.cmpi slt, %add3A_68, %lt3A : i32
      %convert_element_type3A = arith.extui %lt3A_69 : i1 to i32
      %cond3A = arith.constant 0 : i32
      %cond3A_70 = arith.cmpi ne, %convert_element_type3A, %cond3A : i32
      scf.if %cond3A_70 {
        %add3A_216 = arith.constant 4 : i32
        %add3A_217 = arith.addi %add3A_63, %add3A_216 : i32
        %add3A_218 = arith.addi %mul3A_2, %add3A_217 : i32
        %mul3A_219 = arith.constant 200 : i32
        %mul3A_220 = arith.muli %add3A_218, %mul3A_219 : i32
        %dma_start3A_221 = tpu.memref_slice %arg2[%mul3A_220] : memref<819200xi32, #tpu.memory_space<hbm>> -> memref<200xi32, #tpu.memory_space<hbm>>
        %dma_start3A_222 = tpu.memref_slice %arg2[%mul3A_220] : memref<819200xi32, #tpu.memory_space<hbm>> -> memref<200xi32, #tpu.memory_space<hbm>>
        tpu.enqueue_dma source(%dma_start3A_222 : memref<200xi32, #tpu.memory_space<hbm>>) target(%arg7 : memref<200xi32, #tpu.memory_space<vmem>>) target_semaphore(%arg15 : memref<!tpu.dma_semaphore, #tpu.memory_space<semaphore_mem>>)
      } else {
      }
      %ge3A = arith.constant 2 : i32
      %ge3A_71 = arith.cmpi sge, %add3A_63, %ge3A : i32
      %convert_element_type3A_72 = arith.extui %ge3A_71 : i1 to i32
      %cond3A_73 = arith.constant 0 : i32
      %cond3A_74 = arith.cmpi ne, %convert_element_type3A_72, %cond3A_73 : i32
      scf.if %cond3A_74 {
        %dma_wait3A_216 = arith.constant 0 : i32
        %dma_wait3A_217 = arith.constant 0 : i32
        %dma_wait3A_218 = tpu.memref_slice %arg5[%mul3A_2, %dma_wait3A_216, %dma_wait3A_217] : memref<4096x200x64xf32, #tpu.memory_space<hbm>> -> memref<1x200x64xf32, #tpu.memory_space<hbm>>
        %dma_wait3A_219 = tpu.memref_squeeze %dma_wait3A_218 : memref<1x200x64xf32, #tpu.memory_space<hbm>> -> memref<200x64xf32, #tpu.memory_space<hbm>>
        %dma_wait3A_220 = arith.constant 0 : i32
        %dma_wait3A_221 = arith.constant 0 : i32
        %dma_wait3A_222 = tpu.memref_slice %arg5[%mul3A_2, %dma_wait3A_220, %dma_wait3A_221] : memref<4096x200x64xf32, #tpu.memory_space<hbm>> -> memref<1x200x64xf32, #tpu.memory_space<hbm>>
        %dma_wait3A_223 = tpu.memref_squeeze %dma_wait3A_222 : memref<1x200x64xf32, #tpu.memory_space<hbm>> -> memref<200x64xf32, #tpu.memory_space<hbm>>
        tpu.wait_dma2 semaphore(%arg25 : memref<!tpu.dma_semaphore, #tpu.memory_space<semaphore_mem>>) src(%arg13 : memref<200x64xf32, #tpu.memory_space<vmem>>) dst(%dma_wait3A_223 : memref<200x64xf32, #tpu.memory_space<hbm>>)
      } else {
      }
      %add3A_75 = arith.constant 2 : i32
      %add3A_76 = arith.addi %add3A_63, %add3A_75 : i32
      %lt3A_77 = arith.constant 128 : i32
      %lt3A_78 = arith.cmpi slt, %add3A_76, %lt3A_77 : i32
      %convert_element_type3A_79 = arith.extui %lt3A_78 : i1 to i32
      %cond3A_80 = arith.constant 0 : i32
      %cond3A_81 = arith.cmpi ne, %convert_element_type3A_79, %cond3A_80 : i32
      scf.if %cond3A_81 {
        %dma_wait3A_216 = arith.constant 0 : i32
        %dma_wait3A_217 = tpu.memref_slice %arg2[%dma_wait3A_216] : memref<819200xi32, #tpu.memory_space<hbm>> -> memref<200xi32, #tpu.memory_space<hbm>>
        %dma_wait3A_218 = arith.constant 0 : i32
        %dma_wait3A_219 = tpu.memref_slice %arg2[%dma_wait3A_218] : memref<819200xi32, #tpu.memory_space<hbm>> -> memref<200xi32, #tpu.memory_space<hbm>>
        tpu.wait_dma2 semaphore(%arg17 : memref<!tpu.dma_semaphore, #tpu.memory_space<semaphore_mem>>) src(%dma_wait3A_219 : memref<200xi32, #tpu.memory_space<hbm>>) dst(%arg9 : memref<200xi32, #tpu.memory_space<vmem>>)
        %dma_start3A_220 = arith.constant 0 : i32
        %dma_start3A_221 = arith.constant 0 : i32
        %dma_start3A_222 = tpu.memref_slice %arg3[%dma_start3A_220, %dma_start3A_221] : memref<100000x64xf32, #tpu.memory_space<hbm>> -> memref<100000x64xf32, #tpu.memory_space<hbm>>
        tpu.enqueue_indirect_dma source(%dma_start3A_222 : memref<100000x64xf32, #tpu.memory_space<hbm>>) target(%arg13 : memref<200x64xf32, #tpu.memory_space<vmem>>) offsets(%arg9 : memref<200xi32, #tpu.memory_space<vmem>>) semaphore(%arg21 : memref<!tpu.dma_semaphore, #tpu.memory_space<semaphore_mem>>)
      } else {
      }
      %scan3A_82 = arith.constant 0 : i32
      %scan3A_83 = arith.constant 100 : i32
      %scan3A_84 = arith.addi %scan3A_82, %scan3A_83 : i32
      %scan3A_85 = arith.constant 4 : i32
      scf.for %scan3A_216 = %scan3A_82 to %scan3A_84 step %scan3A_85  : i32 {
        %mul3A_217 = arith.constant 2 : i32
        %mul3A_218 = arith.muli %mul3A_217, %scan3A_216 : i32
        %add3A_219 = arith.constant 0 : i32
        %add3A_220 = arith.addi %mul3A_218, %add3A_219 : i32
        %get3A = arith.index_cast %scan3A_216 : i32 to index
        %get3A_221 = arith.constant 0 : index
        %get3A_222 = tpu.vector_load %arg6[%get3A, %get3A_221] {strides = array<i32>} : memref<100x128xf32, #tpu.memory_space<vmem>>, vector<1x16xf32>,
        %get3A_223 = vector.shape_cast %get3A_222 : vector<1x16xf32> to vector<16xf32>
        %swap3A = arith.index_cast %add3A_220 : i32 to index
        %swap3A_224 = arith.constant 0 : index
        %swap3A_225 = tpu.vector_load %arg11[%swap3A, %swap3A_224] {strides = array<i32>} : memref<200x64xf32, #tpu.memory_space<vmem>>, vector<1x16xf32>,
        %swap3A_226 = vector.shape_cast %swap3A_225 : vector<1x16xf32> to vector<16xf32>
        %swap3A_227 = vector.shape_cast %get3A_223 : vector<16xf32> to vector<1x16xf32>
        tpu.vector_store %arg11[%swap3A, %swap3A_224], %swap3A_227 {add = true, strides = array<i32>} : memref<200x64xf32, #tpu.memory_space<vmem>>, vector<1x16xf32>,
        %mul3A_228 = arith.constant 2 : i32
        %mul3A_229 = arith.muli %mul3A_228, %scan3A_216 : i32
        %add3A_230 = arith.constant 0 : i32
        %add3A_231 = arith.addi %mul3A_229, %add3A_230 : i32
        %get3A_232 = arith.index_cast %scan3A_216 : i32 to index
        %get3A_233 = arith.constant 16 : index
        %get3A_234 = tpu.vector_load %arg6[%get3A_232, %get3A_233] {strides = array<i32>} : memref<100x128xf32, #tpu.memory_space<vmem>>, vector<1x16xf32>,
        %get3A_235 = vector.shape_cast %get3A_234 : vector<1x16xf32> to vector<16xf32>
        %swap3A_236 = arith.index_cast %add3A_231 : i32 to index
        %swap3A_237 = arith.constant 16 : index
        %swap3A_238 = tpu.vector_load %arg11[%swap3A_236, %swap3A_237] {strides = array<i32>} : memref<200x64xf32, #tpu.memory_space<vmem>>, vector<1x16xf32>,
        %swap3A_239 = vector.shape_cast %swap3A_238 : vector<1x16xf32> to vector<16xf32>
        %swap3A_240 = vector.shape_cast %get3A_235 : vector<16xf32> to vector<1x16xf32>
        tpu.vector_store %arg11[%swap3A_236, %swap3A_237], %swap3A_240 {add = true, strides = array<i32>} : memref<200x64xf32, #tpu.memory_space<vmem>>, vector<1x16xf32>,
        %mul3A_241 = arith.constant 2 : i32
        %mul3A_242 = arith.muli %mul3A_241, %scan3A_216 : i32
        %add3A_243 = arith.constant 0 : i32
        %add3A_244 = arith.addi %mul3A_242, %add3A_243 : i32
        %get3A_245 = arith.index_cast %scan3A_216 : i32 to index
        %get3A_246 = arith.constant 32 : index
        %get3A_247 = tpu.vector_load %arg6[%get3A_245, %get3A_246] {strides = array<i32>} : memref<100x128xf32, #tpu.memory_space<vmem>>, vector<1x16xf32>,
        %get3A_248 = vector.shape_cast %get3A_247 : vector<1x16xf32> to vector<16xf32>
        %swap3A_249 = arith.index_cast %add3A_244 : i32 to index
        %swap3A_250 = arith.constant 32 : index
        %swap3A_251 = tpu.vector_load %arg11[%swap3A_249, %swap3A_250] {strides = array<i32>} : memref<200x64xf32, #tpu.memory_space<vmem>>, vector<1x16xf32>,
        %swap3A_252 = vector.shape_cast %swap3A_251 : vector<1x16xf32> to vector<16xf32>
        %swap3A_253 = vector.shape_cast %get3A_248 : vector<16xf32> to vector<1x16xf32>
        tpu.vector_store %arg11[%swap3A_249, %swap3A_250], %swap3A_253 {add = true, strides = array<i32>} : memref<200x64xf32, #tpu.memory_space<vmem>>, vector<1x16xf32>,
        %mul3A_254 = arith.constant 2 : i32
        %mul3A_255 = arith.muli %mul3A_254, %scan3A_216 : i32
        %add3A_256 = arith.constant 0 : i32
        %add3A_257 = arith.addi %mul3A_255, %add3A_256 : i32
        %get3A_258 = arith.index_cast %scan3A_216 : i32 to index
        %get3A_259 = arith.constant 48 : index
        %get3A_260 = tpu.vector_load %arg6[%get3A_258, %get3A_259] {strides = array<i32>} : memref<100x128xf32, #tpu.memory_space<vmem>>, vector<1x16xf32>,
        %get3A_261 = vector.shape_cast %get3A_260 : vector<1x16xf32> to vector<16xf32>
        %swap3A_262 = arith.index_cast %add3A_257 : i32 to index
        %swap3A_263 = arith.constant 48 : index
        %swap3A_264 = tpu.vector_load %arg11[%swap3A_262, %swap3A_263] {strides = array<i32>} : memref<200x64xf32, #tpu.memory_space<vmem>>, vector<1x16xf32>,
        %swap3A_265 = vector.shape_cast %swap3A_264 : vector<1x16xf32> to vector<16xf32>
        %swap3A_266 = vector.shape_cast %get3A_261 : vector<16xf32> to vector<1x16xf32>
        tpu.vector_store %arg11[%swap3A_262, %swap3A_263], %swap3A_266 {add = true, strides = array<i32>} : memref<200x64xf32, #tpu.memory_space<vmem>>, vector<1x16xf32>,
        %mul3A_267 = arith.constant 2 : i32
        %mul3A_268 = arith.muli %mul3A_267, %scan3A_216 : i32
        %add3A_269 = arith.constant 1 : i32
        %add3A_270 = arith.addi %mul3A_268, %add3A_269 : i32
        %get3A_271 = arith.index_cast %scan3A_216 : i32 to index
        %get3A_272 = arith.constant 64 : index
        %get3A_273 = tpu.vector_load %arg6[%get3A_271, %get3A_272] {strides = array<i32>} : memref<100x128xf32, #tpu.memory_space<vmem>>, vector<1x16xf32>,
        %get3A_274 = vector.shape_cast %get3A_273 : vector<1x16xf32> to vector<16xf32>
        %swap3A_275 = arith.index_cast %add3A_270 : i32 to index
        %swap3A_276 = arith.constant 0 : index
        %swap3A_277 = tpu.vector_load %arg11[%swap3A_275, %swap3A_276] {strides = array<i32>} : memref<200x64xf32, #tpu.memory_space<vmem>>, vector<1x16xf32>,
        %swap3A_278 = vector.shape_cast %swap3A_277 : vector<1x16xf32> to vector<16xf32>
        %swap3A_279 = vector.shape_cast %get3A_274 : vector<16xf32> to vector<1x16xf32>
        tpu.vector_store %arg11[%swap3A_275, %swap3A_276], %swap3A_279 {add = true, strides = array<i32>} : memref<200x64xf32, #tpu.memory_space<vmem>>, vector<1x16xf32>,
        %mul3A_280 = arith.constant 2 : i32
        %mul3A_281 = arith.muli %mul3A_280, %scan3A_216 : i32
        %add3A_282 = arith.constant 1 : i32
        %add3A_283 = arith.addi %mul3A_281, %add3A_282 : i32
        %get3A_284 = arith.index_cast %scan3A_216 : i32 to index
        %get3A_285 = arith.constant 80 : index
        %get3A_286 = tpu.vector_load %arg6[%get3A_284, %get3A_285] {strides = array<i32>} : memref<100x128xf32, #tpu.memory_space<vmem>>, vector<1x16xf32>,
        %get3A_287 = vector.shape_cast %get3A_286 : vector<1x16xf32> to vector<16xf32>
        %swap3A_288 = arith.index_cast %add3A_283 : i32 to index
        %swap3A_289 = arith.constant 16 : index
        %swap3A_290 = tpu.vector_load %arg11[%swap3A_288, %swap3A_289] {strides = array<i32>} : memref<200x64xf32, #tpu.memory_space<vmem>>, vector<1x16xf32>,
        %swap3A_291 = vector.shape_cast %swap3A_290 : vector<1x16xf32> to vector<16xf32>
        %swap3A_292 = vector.shape_cast %get3A_287 : vector<16xf32> to vector<1x16xf32>
        tpu.vector_store %arg11[%swap3A_288, %swap3A_289], %swap3A_292 {add = true, strides = array<i32>} : memref<200x64xf32, #tpu.memory_space<vmem>>, vector<1x16xf32>,
        %mul3A_293 = arith.constant 2 : i32
        %mul3A_294 = arith.muli %mul3A_293, %scan3A_216 : i32
        %add3A_295 = arith.constant 1 : i32
        %add3A_296 = arith.addi %mul3A_294, %add3A_295 : i32
        %get3A_297 = arith.index_cast %scan3A_216 : i32 to index
        %get3A_298 = arith.constant 96 : index
        %get3A_299 = tpu.vector_load %arg6[%get3A_297, %get3A_298] {strides = array<i32>} : memref<100x128xf32, #tpu.memory_space<vmem>>, vector<1x16xf32>,
        %get3A_300 = vector.shape_cast %get3A_299 : vector<1x16xf32> to vector<16xf32>
        %swap3A_301 = arith.index_cast %add3A_296 : i32 to index
        %swap3A_302 = arith.constant 32 : index
        %swap3A_303 = tpu.vector_load %arg11[%swap3A_301, %swap3A_302] {strides = array<i32>} : memref<200x64xf32, #tpu.memory_space<vmem>>, vector<1x16xf32>,
        %swap3A_304 = vector.shape_cast %swap3A_303 : vector<1x16xf32> to vector<16xf32>
        %swap3A_305 = vector.shape_cast %get3A_300 : vector<16xf32> to vector<1x16xf32>
        tpu.vector_store %arg11[%swap3A_301, %swap3A_302], %swap3A_305 {add = true, strides = array<i32>} : memref<200x64xf32, #tpu.memory_space<vmem>>, vector<1x16xf32>,
        %mul3A_306 = arith.constant 2 : i32
        %mul3A_307 = arith.muli %mul3A_306, %scan3A_216 : i32
        %add3A_308 = arith.constant 1 : i32
        %add3A_309 = arith.addi %mul3A_307, %add3A_308 : i32
        %get3A_310 = arith.index_cast %scan3A_216 : i32 to index
        %get3A_311 = arith.constant 112 : index
        %get3A_312 = tpu.vector_load %arg6[%get3A_310, %get3A_311] {strides = array<i32>} : memref<100x128xf32, #tpu.memory_space<vmem>>, vector<1x16xf32>,
        %get3A_313 = vector.shape_cast %get3A_312 : vector<1x16xf32> to vector<16xf32>
        %swap3A_314 = arith.index_cast %add3A_309 : i32 to index
        %swap3A_315 = arith.constant 48 : index
        %swap3A_316 = tpu.vector_load %arg11[%swap3A_314, %swap3A_315] {strides = array<i32>} : memref<200x64xf32, #tpu.memory_space<vmem>>, vector<1x16xf32>,
        %swap3A_317 = vector.shape_cast %swap3A_316 : vector<1x16xf32> to vector<16xf32>
        %swap3A_318 = vector.shape_cast %get3A_313 : vector<16xf32> to vector<1x16xf32>
        tpu.vector_store %arg11[%swap3A_314, %swap3A_315], %swap3A_318 {add = true, strides = array<i32>} : memref<200x64xf32, #tpu.memory_space<vmem>>, vector<1x16xf32>,
        %scan3A_319 = arith.constant 1 : i32
        %scan3A_320 = arith.addi %scan3A_216, %scan3A_319 : i32
        %mul3A_321 = arith.constant 2 : i32
        %mul3A_322 = arith.muli %mul3A_321, %scan3A_320 : i32
        %add3A_323 = arith.constant 0 : i32
        %add3A_324 = arith.addi %mul3A_322, %add3A_323 : i32
        %get3A_325 = arith.index_cast %scan3A_320 : i32 to index
        %get3A_326 = arith.constant 0 : index
        %get3A_327 = tpu.vector_load %arg6[%get3A_325, %get3A_326] {strides = array<i32>} : memref<100x128xf32, #tpu.memory_space<vmem>>, vector<1x16xf32>,
        %get3A_328 = vector.shape_cast %get3A_327 : vector<1x16xf32> to vector<16xf32>
        %swap3A_329 = arith.index_cast %add3A_324 : i32 to index
        %swap3A_330 = arith.constant 0 : index
        %swap3A_331 = tpu.vector_load %arg11[%swap3A_329, %swap3A_330] {strides = array<i32>} : memref<200x64xf32, #tpu.memory_space<vmem>>, vector<1x16xf32>,
        %swap3A_332 = vector.shape_cast %swap3A_331 : vector<1x16xf32> to vector<16xf32>
        %swap3A_333 = vector.shape_cast %get3A_328 : vector<16xf32> to vector<1x16xf32>
        tpu.vector_store %arg11[%swap3A_329, %swap3A_330], %swap3A_333 {add = true, strides = array<i32>} : memref<200x64xf32, #tpu.memory_space<vmem>>, vector<1x16xf32>,
        %mul3A_334 = arith.constant 2 : i32
        %mul3A_335 = arith.muli %mul3A_334, %scan3A_320 : i32
        %add3A_336 = arith.constant 0 : i32
        %add3A_337 = arith.addi %mul3A_335, %add3A_336 : i32
        %get3A_338 = arith.index_cast %scan3A_320 : i32 to index
        %get3A_339 = arith.constant 16 : index
        %get3A_340 = tpu.vector_load %arg6[%get3A_338, %get3A_339] {strides = array<i32>} : memref<100x128xf32, #tpu.memory_space<vmem>>, vector<1x16xf32>,
        %get3A_341 = vector.shape_cast %get3A_340 : vector<1x16xf32> to vector<16xf32>
        %swap3A_342 = arith.index_cast %add3A_337 : i32 to index
        %swap3A_343 = arith.constant 16 : index
        %swap3A_344 = tpu.vector_load %arg11[%swap3A_342, %swap3A_343] {strides = array<i32>} : memref<200x64xf32, #tpu.memory_space<vmem>>, vector<1x16xf32>,
        %swap3A_345 = vector.shape_cast %swap3A_344 : vector<1x16xf32> to vector<16xf32>
        %swap3A_346 = vector.shape_cast %get3A_341 : vector<16xf32> to vector<1x16xf32>
        tpu.vector_store %arg11[%swap3A_342, %swap3A_343], %swap3A_346 {add = true, strides = array<i32>} : memref<200x64xf32, #tpu.memory_space<vmem>>, vector<1x16xf32>,
        %mul3A_347 = arith.constant 2 : i32
        %mul3A_348 = arith.muli %mul3A_347, %scan3A_320 : i32
        %add3A_349 = arith.constant 0 : i32
        %add3A_350 = arith.addi %mul3A_348, %add3A_349 : i32
        %get3A_351 = arith.index_cast %scan3A_320 : i32 to index
        %get3A_352 = arith.constant 32 : index
        %get3A_353 = tpu.vector_load %arg6[%get3A_351, %get3A_352] {strides = array<i32>} : memref<100x128xf32, #tpu.memory_space<vmem>>, vector<1x16xf32>,
        %get3A_354 = vector.shape_cast %get3A_353 : vector<1x16xf32> to vector<16xf32>
        %swap3A_355 = arith.index_cast %add3A_350 : i32 to index
        %swap3A_356 = arith.constant 32 : index
        %swap3A_357 = tpu.vector_load %arg11[%swap3A_355, %swap3A_356] {strides = array<i32>} : memref<200x64xf32, #tpu.memory_space<vmem>>, vector<1x16xf32>,
        %swap3A_358 = vector.shape_cast %swap3A_357 : vector<1x16xf32> to vector<16xf32>
        %swap3A_359 = vector.shape_cast %get3A_354 : vector<16xf32> to vector<1x16xf32>
        tpu.vector_store %arg11[%swap3A_355, %swap3A_356], %swap3A_359 {add = true, strides = array<i32>} : memref<200x64xf32, #tpu.memory_space<vmem>>, vector<1x16xf32>,
        %mul3A_360 = arith.constant 2 : i32
        %mul3A_361 = arith.muli %mul3A_360, %scan3A_320 : i32
        %add3A_362 = arith.constant 0 : i32
        %add3A_363 = arith.addi %mul3A_361, %add3A_362 : i32
        %get3A_364 = arith.index_cast %scan3A_320 : i32 to index
        %get3A_365 = arith.constant 48 : index
        %get3A_366 = tpu.vector_load %arg6[%get3A_364, %get3A_365] {strides = array<i32>} : memref<100x128xf32, #tpu.memory_space<vmem>>, vector<1x16xf32>,
        %get3A_367 = vector.shape_cast %get3A_366 : vector<1x16xf32> to vector<16xf32>
        %swap3A_368 = arith.index_cast %add3A_363 : i32 to index
        %swap3A_369 = arith.constant 48 : index
        %swap3A_370 = tpu.vector_load %arg11[%swap3A_368, %swap3A_369] {strides = array<i32>} : memref<200x64xf32, #tpu.memory_space<vmem>>, vector<1x16xf32>,
        %swap3A_371 = vector.shape_cast %swap3A_370 : vector<1x16xf32> to vector<16xf32>
        %swap3A_372 = vector.shape_cast %get3A_367 : vector<16xf32> to vector<1x16xf32>
        tpu.vector_store %arg11[%swap3A_368, %swap3A_369], %swap3A_372 {add = true, strides = array<i32>} : memref<200x64xf32, #tpu.memory_space<vmem>>, vector<1x16xf32>,
        %mul3A_373 = arith.constant 2 : i32
        %mul3A_374 = arith.muli %mul3A_373, %scan3A_320 : i32
        %add3A_375 = arith.constant 1 : i32
        %add3A_376 = arith.addi %mul3A_374, %add3A_375 : i32
        %get3A_377 = arith.index_cast %scan3A_320 : i32 to index
        %get3A_378 = arith.constant 64 : index
        %get3A_379 = tpu.vector_load %arg6[%get3A_377, %get3A_378] {strides = array<i32>} : memref<100x128xf32, #tpu.memory_space<vmem>>, vector<1x16xf32>,
        %get3A_380 = vector.shape_cast %get3A_379 : vector<1x16xf32> to vector<16xf32>
        %swap3A_381 = arith.index_cast %add3A_376 : i32 to index
        %swap3A_382 = arith.constant 0 : index
        %swap3A_383 = tpu.vector_load %arg11[%swap3A_381, %swap3A_382] {strides = array<i32>} : memref<200x64xf32, #tpu.memory_space<vmem>>, vector<1x16xf32>,
        %swap3A_384 = vector.shape_cast %swap3A_383 : vector<1x16xf32> to vector<16xf32>
        %swap3A_385 = vector.shape_cast %get3A_380 : vector<16xf32> to vector<1x16xf32>
        tpu.vector_store %arg11[%swap3A_381, %swap3A_382], %swap3A_385 {add = true, strides = array<i32>} : memref<200x64xf32, #tpu.memory_space<vmem>>, vector<1x16xf32>,
        %mul3A_386 = arith.constant 2 : i32
        %mul3A_387 = arith.muli %mul3A_386, %scan3A_320 : i32
        %add3A_388 = arith.constant 1 : i32
        %add3A_389 = arith.addi %mul3A_387, %add3A_388 : i32
        %get3A_390 = arith.index_cast %scan3A_320 : i32 to index
        %get3A_391 = arith.constant 80 : index
        %get3A_392 = tpu.vector_load %arg6[%get3A_390, %get3A_391] {strides = array<i32>} : memref<100x128xf32, #tpu.memory_space<vmem>>, vector<1x16xf32>,
        %get3A_393 = vector.shape_cast %get3A_392 : vector<1x16xf32> to vector<16xf32>
        %swap3A_394 = arith.index_cast %add3A_389 : i32 to index
        %swap3A_395 = arith.constant 16 : index
        %swap3A_396 = tpu.vector_load %arg11[%swap3A_394, %swap3A_395] {strides = array<i32>} : memref<200x64xf32, #tpu.memory_space<vmem>>, vector<1x16xf32>,
        %swap3A_397 = vector.shape_cast %swap3A_396 : vector<1x16xf32> to vector<16xf32>
        %swap3A_398 = vector.shape_cast %get3A_393 : vector<16xf32> to vector<1x16xf32>
        tpu.vector_store %arg11[%swap3A_394, %swap3A_395], %swap3A_398 {add = true, strides = array<i32>} : memref<200x64xf32, #tpu.memory_space<vmem>>, vector<1x16xf32>,
        %mul3A_399 = arith.constant 2 : i32
        %mul3A_400 = arith.muli %mul3A_399, %scan3A_320 : i32
        %add3A_401 = arith.constant 1 : i32
        %add3A_402 = arith.addi %mul3A_400, %add3A_401 : i32
        %get3A_403 = arith.index_cast %scan3A_320 : i32 to index
        %get3A_404 = arith.constant 96 : index
        %get3A_405 = tpu.vector_load %arg6[%get3A_403, %get3A_404] {strides = array<i32>} : memref<100x128xf32, #tpu.memory_space<vmem>>, vector<1x16xf32>,
        %get3A_406 = vector.shape_cast %get3A_405 : vector<1x16xf32> to vector<16xf32>
        %swap3A_407 = arith.index_cast %add3A_402 : i32 to index
        %swap3A_408 = arith.constant 32 : index
        %swap3A_409 = tpu.vector_load %arg11[%swap3A_407, %swap3A_408] {strides = array<i32>} : memref<200x64xf32, #tpu.memory_space<vmem>>, vector<1x16xf32>,
        %swap3A_410 = vector.shape_cast %swap3A_409 : vector<1x16xf32> to vector<16xf32>
        %swap3A_411 = vector.shape_cast %get3A_406 : vector<16xf32> to vector<1x16xf32>
        tpu.vector_store %arg11[%swap3A_407, %swap3A_408], %swap3A_411 {add = true, strides = array<i32>} : memref<200x64xf32, #tpu.memory_space<vmem>>, vector<1x16xf32>,
        %mul3A_412 = arith.constant 2 : i32
        %mul3A_413 = arith.muli %mul3A_412, %scan3A_320 : i32
        %add3A_414 = arith.constant 1 : i32
        %add3A_415 = arith.addi %mul3A_413, %add3A_414 : i32
        %get3A_416 = arith.index_cast %scan3A_320 : i32 to index
        %get3A_417 = arith.constant 112 : index
        %get3A_418 = tpu.vector_load %arg6[%get3A_416, %get3A_417] {strides = array<i32>} : memref<100x128xf32, #tpu.memory_space<vmem>>, vector<1x16xf32>,
        %get3A_419 = vector.shape_cast %get3A_418 : vector<1x16xf32> to vector<16xf32>
        %swap3A_420 = arith.index_cast %add3A_415 : i32 to index
        %swap3A_421 = arith.constant 48 : index
        %swap3A_422 = tpu.vector_load %arg11[%swap3A_420, %swap3A_421] {strides = array<i32>} : memref<200x64xf32, #tpu.memory_space<vmem>>, vector<1x16xf32>,
        %swap3A_423 = vector.shape_cast %swap3A_422 : vector<1x16xf32> to vector<16xf32>
        %swap3A_424 = vector.shape_cast %get3A_419 : vector<16xf32> to vector<1x16xf32>
        tpu.vector_store %arg11[%swap3A_420, %swap3A_421], %swap3A_424 {add = true, strides = array<i32>} : memref<200x64xf32, #tpu.memory_space<vmem>>, vector<1x16xf32>,
        %scan3A_425 = arith.constant 2 : i32
        %scan3A_426 = arith.addi %scan3A_216, %scan3A_425 : i32
        %mul3A_427 = arith.constant 2 : i32
        %mul3A_428 = arith.muli %mul3A_427, %scan3A_426 : i32
        %add3A_429 = arith.constant 0 : i32
        %add3A_430 = arith.addi %mul3A_428, %add3A_429 : i32
        %get3A_431 = arith.index_cast %scan3A_426 : i32 to index
        %get3A_432 = arith.constant 0 : index
        %get3A_433 = tpu.vector_load %arg6[%get3A_431, %get3A_432] {strides = array<i32>} : memref<100x128xf32, #tpu.memory_space<vmem>>, vector<1x16xf32>,
        %get3A_434 = vector.shape_cast %get3A_433 : vector<1x16xf32> to vector<16xf32>
        %swap3A_435 = arith.index_cast %add3A_430 : i32 to index
        %swap3A_436 = arith.constant 0 : index
        %swap3A_437 = tpu.vector_load %arg11[%swap3A_435, %swap3A_436] {strides = array<i32>} : memref<200x64xf32, #tpu.memory_space<vmem>>, vector<1x16xf32>,
        %swap3A_438 = vector.shape_cast %swap3A_437 : vector<1x16xf32> to vector<16xf32>
        %swap3A_439 = vector.shape_cast %get3A_434 : vector<16xf32> to vector<1x16xf32>
        tpu.vector_store %arg11[%swap3A_435, %swap3A_436], %swap3A_439 {add = true, strides = array<i32>} : memref<200x64xf32, #tpu.memory_space<vmem>>, vector<1x16xf32>,
        %mul3A_440 = arith.constant 2 : i32
        %mul3A_441 = arith.muli %mul3A_440, %scan3A_426 : i32
        %add3A_442 = arith.constant 0 : i32
        %add3A_443 = arith.addi %mul3A_441, %add3A_442 : i32
        %get3A_444 = arith.index_cast %scan3A_426 : i32 to index
        %get3A_445 = arith.constant 16 : index
        %get3A_446 = tpu.vector_load %arg6[%get3A_444, %get3A_445] {strides = array<i32>} : memref<100x128xf32, #tpu.memory_space<vmem>>, vector<1x16xf32>,
        %get3A_447 = vector.shape_cast %get3A_446 : vector<1x16xf32> to vector<16xf32>
        %swap3A_448 = arith.index_cast %add3A_443 : i32 to index
        %swap3A_449 = arith.constant 16 : index
        %swap3A_450 = tpu.vector_load %arg11[%swap3A_448, %swap3A_449] {strides = array<i32>} : memref<200x64xf32, #tpu.memory_space<vmem>>, vector<1x16xf32>,
        %swap3A_451 = vector.shape_cast %swap3A_450 : vector<1x16xf32> to vector<16xf32>
        %swap3A_452 = vector.shape_cast %get3A_447 : vector<16xf32> to vector<1x16xf32>
        tpu.vector_store %arg11[%swap3A_448, %swap3A_449], %swap3A_452 {add = true, strides = array<i32>} : memref<200x64xf32, #tpu.memory_space<vmem>>, vector<1x16xf32>,
        %mul3A_453 = arith.constant 2 : i32
        %mul3A_454 = arith.muli %mul3A_453, %scan3A_426 : i32
        %add3A_455 = arith.constant 0 : i32
        %add3A_456 = arith.addi %mul3A_454, %add3A_455 : i32
        %get3A_457 = arith.index_cast %scan3A_426 : i32 to index
        %get3A_458 = arith.constant 32 : index
        %get3A_459 = tpu.vector_load %arg6[%get3A_457, %get3A_458] {strides = array<i32>} : memref<100x128xf32, #tpu.memory_space<vmem>>, vector<1x16xf32>,
        %get3A_460 = vector.shape_cast %get3A_459 : vector<1x16xf32> to vector<16xf32>
        %swap3A_461 = arith.index_cast %add3A_456 : i32 to index
        %swap3A_462 = arith.constant 32 : index
        %swap3A_463 = tpu.vector_load %arg11[%swap3A_461, %swap3A_462] {strides = array<i32>} : memref<200x64xf32, #tpu.memory_space<vmem>>, vector<1x16xf32>,
        %swap3A_464 = vector.shape_cast %swap3A_463 : vector<1x16xf32> to vector<16xf32>
        %swap3A_465 = vector.shape_cast %get3A_460 : vector<16xf32> to vector<1x16xf32>
        tpu.vector_store %arg11[%swap3A_461, %swap3A_462], %swap3A_465 {add = true, strides = array<i32>} : memref<200x64xf32, #tpu.memory_space<vmem>>, vector<1x16xf32>,
        %mul3A_466 = arith.constant 2 : i32
        %mul3A_467 = arith.muli %mul3A_466, %scan3A_426 : i32
        %add3A_468 = arith.constant 0 : i32
        %add3A_469 = arith.addi %mul3A_467, %add3A_468 : i32
        %get3A_470 = arith.index_cast %scan3A_426 : i32 to index
        %get3A_471 = arith.constant 48 : index
        %get3A_472 = tpu.vector_load %arg6[%get3A_470, %get3A_471] {strides = array<i32>} : memref<100x128xf32, #tpu.memory_space<vmem>>, vector<1x16xf32>,
        %get3A_473 = vector.shape_cast %get3A_472 : vector<1x16xf32> to vector<16xf32>
        %swap3A_474 = arith.index_cast %add3A_469 : i32 to index
        %swap3A_475 = arith.constant 48 : index
        %swap3A_476 = tpu.vector_load %arg11[%swap3A_474, %swap3A_475] {strides = array<i32>} : memref<200x64xf32, #tpu.memory_space<vmem>>, vector<1x16xf32>,
        %swap3A_477 = vector.shape_cast %swap3A_476 : vector<1x16xf32> to vector<16xf32>
        %swap3A_478 = vector.shape_cast %get3A_473 : vector<16xf32> to vector<1x16xf32>
        tpu.vector_store %arg11[%swap3A_474, %swap3A_475], %swap3A_478 {add = true, strides = array<i32>} : memref<200x64xf32, #tpu.memory_space<vmem>>, vector<1x16xf32>,
        %mul3A_479 = arith.constant 2 : i32
        %mul3A_480 = arith.muli %mul3A_479, %scan3A_426 : i32
        %add3A_481 = arith.constant 1 : i32
        %add3A_482 = arith.addi %mul3A_480, %add3A_481 : i32
        %get3A_483 = arith.index_cast %scan3A_426 : i32 to index
        %get3A_484 = arith.constant 64 : index
        %get3A_485 = tpu.vector_load %arg6[%get3A_483, %get3A_484] {strides = array<i32>} : memref<100x128xf32, #tpu.memory_space<vmem>>, vector<1x16xf32>,
        %get3A_486 = vector.shape_cast %get3A_485 : vector<1x16xf32> to vector<16xf32>
        %swap3A_487 = arith.index_cast %add3A_482 : i32 to index
        %swap3A_488 = arith.constant 0 : index
        %swap3A_489 = tpu.vector_load %arg11[%swap3A_487, %swap3A_488] {strides = array<i32>} : memref<200x64xf32, #tpu.memory_space<vmem>>, vector<1x16xf32>,
        %swap3A_490 = vector.shape_cast %swap3A_489 : vector<1x16xf32> to vector<16xf32>
        %swap3A_491 = vector.shape_cast %get3A_486 : vector<16xf32> to vector<1x16xf32>
        tpu.vector_store %arg11[%swap3A_487, %swap3A_488], %swap3A_491 {add = true, strides = array<i32>} : memref<200x64xf32, #tpu.memory_space<vmem>>, vector<1x16xf32>,
        %mul3A_492 = arith.constant 2 : i32
        %mul3A_493 = arith.muli %mul3A_492, %scan3A_426 : i32
        %add3A_494 = arith.constant 1 : i32
        %add3A_495 = arith.addi %mul3A_493, %add3A_494 : i32
        %get3A_496 = arith.index_cast %scan3A_426 : i32 to index
        %get3A_497 = arith.constant 80 : index
        %get3A_498 = tpu.vector_load %arg6[%get3A_496, %get3A_497] {strides = array<i32>} : memref<100x128xf32, #tpu.memory_space<vmem>>, vector<1x16xf32>,
        %get3A_499 = vector.shape_cast %get3A_498 : vector<1x16xf32> to vector<16xf32>
        %swap3A_500 = arith.index_cast %add3A_495 : i32 to index
        %swap3A_501 = arith.constant 16 : index
        %swap3A_502 = tpu.vector_load %arg11[%swap3A_500, %swap3A_501] {strides = array<i32>} : memref<200x64xf32, #tpu.memory_space<vmem>>, vector<1x16xf32>,
        %swap3A_503 = vector.shape_cast %swap3A_502 : vector<1x16xf32> to vector<16xf32>
        %swap3A_504 = vector.shape_cast %get3A_499 : vector<16xf32> to vector<1x16xf32>
        tpu.vector_store %arg11[%swap3A_500, %swap3A_501], %swap3A_504 {add = true, strides = array<i32>} : memref<200x64xf32, #tpu.memory_space<vmem>>, vector<1x16xf32>,
        %mul3A_505 = arith.constant 2 : i32
        %mul3A_506 = arith.muli %mul3A_505, %scan3A_426 : i32
        %add3A_507 = arith.constant 1 : i32
        %add3A_508 = arith.addi %mul3A_506, %add3A_507 : i32
        %get3A_509 = arith.index_cast %scan3A_426 : i32 to index
        %get3A_510 = arith.constant 96 : index
        %get3A_511 = tpu.vector_load %arg6[%get3A_509, %get3A_510] {strides = array<i32>} : memref<100x128xf32, #tpu.memory_space<vmem>>, vector<1x16xf32>,
        %get3A_512 = vector.shape_cast %get3A_511 : vector<1x16xf32> to vector<16xf32>
        %swap3A_513 = arith.index_cast %add3A_508 : i32 to index
        %swap3A_514 = arith.constant 32 : index
        %swap3A_515 = tpu.vector_load %arg11[%swap3A_513, %swap3A_514] {strides = array<i32>} : memref<200x64xf32, #tpu.memory_space<vmem>>, vector<1x16xf32>,
        %swap3A_516 = vector.shape_cast %swap3A_515 : vector<1x16xf32> to vector<16xf32>
        %swap3A_517 = vector.shape_cast %get3A_512 : vector<16xf32> to vector<1x16xf32>
        tpu.vector_store %arg11[%swap3A_513, %swap3A_514], %swap3A_517 {add = true, strides = array<i32>} : memref<200x64xf32, #tpu.memory_space<vmem>>, vector<1x16xf32>,
        %mul3A_518 = arith.constant 2 : i32
        %mul3A_519 = arith.muli %mul3A_518, %scan3A_426 : i32
        %add3A_520 = arith.constant 1 : i32
        %add3A_521 = arith.addi %mul3A_519, %add3A_520 : i32
        %get3A_522 = arith.index_cast %scan3A_426 : i32 to index
        %get3A_523 = arith.constant 112 : index
        %get3A_524 = tpu.vector_load %arg6[%get3A_522, %get3A_523] {strides = array<i32>} : memref<100x128xf32, #tpu.memory_space<vmem>>, vector<1x16xf32>,
        %get3A_525 = vector.shape_cast %get3A_524 : vector<1x16xf32> to vector<16xf32>
        %swap3A_526 = arith.index_cast %add3A_521 : i32 to index
        %swap3A_527 = arith.constant 48 : index
        %swap3A_528 = tpu.vector_load %arg11[%swap3A_526, %swap3A_527] {strides = array<i32>} : memref<200x64xf32, #tpu.memory_space<vmem>>, vector<1x16xf32>,
        %swap3A_529 = vector.shape_cast %swap3A_528 : vector<1x16xf32> to vector<16xf32>
        %swap3A_530 = vector.shape_cast %get3A_525 : vector<16xf32> to vector<1x16xf32>
        tpu.vector_store %arg11[%swap3A_526, %swap3A_527], %swap3A_530 {add = true, strides = array<i32>} : memref<200x64xf32, #tpu.memory_space<vmem>>, vector<1x16xf32>,
        %scan3A_531 = arith.constant 3 : i32
        %scan3A_532 = arith.addi %scan3A_216, %scan3A_531 : i32
        %mul3A_533 = arith.constant 2 : i32
        %mul3A_534 = arith.muli %mul3A_533, %scan3A_532 : i32
        %add3A_535 = arith.constant 0 : i32
        %add3A_536 = arith.addi %mul3A_534, %add3A_535 : i32
        %get3A_537 = arith.index_cast %scan3A_532 : i32 to index
        %get3A_538 = arith.constant 0 : index
        %get3A_539 = tpu.vector_load %arg6[%get3A_537, %get3A_538] {strides = array<i32>} : memref<100x128xf32, #tpu.memory_space<vmem>>, vector<1x16xf32>,
        %get3A_540 = vector.shape_cast %get3A_539 : vector<1x16xf32> to vector<16xf32>
        %swap3A_541 = arith.index_cast %add3A_536 : i32 to index
        %swap3A_542 = arith.constant 0 : index
        %swap3A_543 = tpu.vector_load %arg11[%swap3A_541, %swap3A_542] {strides = array<i32>} : memref<200x64xf32, #tpu.memory_space<vmem>>, vector<1x16xf32>,
        %swap3A_544 = vector.shape_cast %swap3A_543 : vector<1x16xf32> to vector<16xf32>
        %swap3A_545 = vector.shape_cast %get3A_540 : vector<16xf32> to vector<1x16xf32>
        tpu.vector_store %arg11[%swap3A_541, %swap3A_542], %swap3A_545 {add = true, strides = array<i32>} : memref<200x64xf32, #tpu.memory_space<vmem>>, vector<1x16xf32>,
        %mul3A_546 = arith.constant 2 : i32
        %mul3A_547 = arith.muli %mul3A_546, %scan3A_532 : i32
        %add3A_548 = arith.constant 0 : i32
        %add3A_549 = arith.addi %mul3A_547, %add3A_548 : i32
        %get3A_550 = arith.index_cast %scan3A_532 : i32 to index
        %get3A_551 = arith.constant 16 : index
        %get3A_552 = tpu.vector_load %arg6[%get3A_550, %get3A_551] {strides = array<i32>} : memref<100x128xf32, #tpu.memory_space<vmem>>, vector<1x16xf32>,
        %get3A_553 = vector.shape_cast %get3A_552 : vector<1x16xf32> to vector<16xf32>
        %swap3A_554 = arith.index_cast %add3A_549 : i32 to index
        %swap3A_555 = arith.constant 16 : index
        %swap3A_556 = tpu.vector_load %arg11[%swap3A_554, %swap3A_555] {strides = array<i32>} : memref<200x64xf32, #tpu.memory_space<vmem>>, vector<1x16xf32>,
        %swap3A_557 = vector.shape_cast %swap3A_556 : vector<1x16xf32> to vector<16xf32>
        %swap3A_558 = vector.shape_cast %get3A_553 : vector<16xf32> to vector<1x16xf32>
        tpu.vector_store %arg11[%swap3A_554, %swap3A_555], %swap3A_558 {add = true, strides = array<i32>} : memref<200x64xf32, #tpu.memory_space<vmem>>, vector<1x16xf32>,
        %mul3A_559 = arith.constant 2 : i32
        %mul3A_560 = arith.muli %mul3A_559, %scan3A_532 : i32
        %add3A_561 = arith.constant 0 : i32
        %add3A_562 = arith.addi %mul3A_560, %add3A_561 : i32
        %get3A_563 = arith.index_cast %scan3A_532 : i32 to index
        %get3A_564 = arith.constant 32 : index
        %get3A_565 = tpu.vector_load %arg6[%get3A_563, %get3A_564] {strides = array<i32>} : memref<100x128xf32, #tpu.memory_space<vmem>>, vector<1x16xf32>,
        %get3A_566 = vector.shape_cast %get3A_565 : vector<1x16xf32> to vector<16xf32>
        %swap3A_567 = arith.index_cast %add3A_562 : i32 to index
        %swap3A_568 = arith.constant 32 : index
        %swap3A_569 = tpu.vector_load %arg11[%swap3A_567, %swap3A_568] {strides = array<i32>} : memref<200x64xf32, #tpu.memory_space<vmem>>, vector<1x16xf32>,
        %swap3A_570 = vector.shape_cast %swap3A_569 : vector<1x16xf32> to vector<16xf32>
        %swap3A_571 = vector.shape_cast %get3A_566 : vector<16xf32> to vector<1x16xf32>
        tpu.vector_store %arg11[%swap3A_567, %swap3A_568], %swap3A_571 {add = true, strides = array<i32>} : memref<200x64xf32, #tpu.memory_space<vmem>>, vector<1x16xf32>,
        %mul3A_572 = arith.constant 2 : i32
        %mul3A_573 = arith.muli %mul3A_572, %scan3A_532 : i32
        %add3A_574 = arith.constant 0 : i32
        %add3A_575 = arith.addi %mul3A_573, %add3A_574 : i32
        %get3A_576 = arith.index_cast %scan3A_532 : i32 to index
        %get3A_577 = arith.constant 48 : index
        %get3A_578 = tpu.vector_load %arg6[%get3A_576, %get3A_577] {strides = array<i32>} : memref<100x128xf32, #tpu.memory_space<vmem>>, vector<1x16xf32>,
        %get3A_579 = vector.shape_cast %get3A_578 : vector<1x16xf32> to vector<16xf32>
        %swap3A_580 = arith.index_cast %add3A_575 : i32 to index
        %swap3A_581 = arith.constant 48 : index
        %swap3A_582 = tpu.vector_load %arg11[%swap3A_580, %swap3A_581] {strides = array<i32>} : memref<200x64xf32, #tpu.memory_space<vmem>>, vector<1x16xf32>,
        %swap3A_583 = vector.shape_cast %swap3A_582 : vector<1x16xf32> to vector<16xf32>
        %swap3A_584 = vector.shape_cast %get3A_579 : vector<16xf32> to vector<1x16xf32>
        tpu.vector_store %arg11[%swap3A_580, %swap3A_581], %swap3A_584 {add = true, strides = array<i32>} : memref<200x64xf32, #tpu.memory_space<vmem>>, vector<1x16xf32>,
        %mul3A_585 = arith.constant 2 : i32
        %mul3A_586 = arith.muli %mul3A_585, %scan3A_532 : i32
        %add3A_587 = arith.constant 1 : i32
        %add3A_588 = arith.addi %mul3A_586, %add3A_587 : i32
        %get3A_589 = arith.index_cast %scan3A_532 : i32 to index
        %get3A_590 = arith.constant 64 : index
        %get3A_591 = tpu.vector_load %arg6[%get3A_589, %get3A_590] {strides = array<i32>} : memref<100x128xf32, #tpu.memory_space<vmem>>, vector<1x16xf32>,
        %get3A_592 = vector.shape_cast %get3A_591 : vector<1x16xf32> to vector<16xf32>
        %swap3A_593 = arith.index_cast %add3A_588 : i32 to index
        %swap3A_594 = arith.constant 0 : index
        %swap3A_595 = tpu.vector_load %arg11[%swap3A_593, %swap3A_594] {strides = array<i32>} : memref<200x64xf32, #tpu.memory_space<vmem>>, vector<1x16xf32>,
        %swap3A_596 = vector.shape_cast %swap3A_595 : vector<1x16xf32> to vector<16xf32>
        %swap3A_597 = vector.shape_cast %get3A_592 : vector<16xf32> to vector<1x16xf32>
        tpu.vector_store %arg11[%swap3A_593, %swap3A_594], %swap3A_597 {add = true, strides = array<i32>} : memref<200x64xf32, #tpu.memory_space<vmem>>, vector<1x16xf32>,
        %mul3A_598 = arith.constant 2 : i32
        %mul3A_599 = arith.muli %mul3A_598, %scan3A_532 : i32
        %add3A_600 = arith.constant 1 : i32
        %add3A_601 = arith.addi %mul3A_599, %add3A_600 : i32
        %get3A_602 = arith.index_cast %scan3A_532 : i32 to index
        %get3A_603 = arith.constant 80 : index
        %get3A_604 = tpu.vector_load %arg6[%get3A_602, %get3A_603] {strides = array<i32>} : memref<100x128xf32, #tpu.memory_space<vmem>>, vector<1x16xf32>,
        %get3A_605 = vector.shape_cast %get3A_604 : vector<1x16xf32> to vector<16xf32>
        %swap3A_606 = arith.index_cast %add3A_601 : i32 to index
        %swap3A_607 = arith.constant 16 : index
        %swap3A_608 = tpu.vector_load %arg11[%swap3A_606, %swap3A_607] {strides = array<i32>} : memref<200x64xf32, #tpu.memory_space<vmem>>, vector<1x16xf32>,
        %swap3A_609 = vector.shape_cast %swap3A_608 : vector<1x16xf32> to vector<16xf32>
        %swap3A_610 = vector.shape_cast %get3A_605 : vector<16xf32> to vector<1x16xf32>
        tpu.vector_store %arg11[%swap3A_606, %swap3A_607], %swap3A_610 {add = true, strides = array<i32>} : memref<200x64xf32, #tpu.memory_space<vmem>>, vector<1x16xf32>,
        %mul3A_611 = arith.constant 2 : i32
        %mul3A_612 = arith.muli %mul3A_611, %scan3A_532 : i32
        %add3A_613 = arith.constant 1 : i32
        %add3A_614 = arith.addi %mul3A_612, %add3A_613 : i32
        %get3A_615 = arith.index_cast %scan3A_532 : i32 to index
        %get3A_616 = arith.constant 96 : index
        %get3A_617 = tpu.vector_load %arg6[%get3A_615, %get3A_616] {strides = array<i32>} : memref<100x128xf32, #tpu.memory_space<vmem>>, vector<1x16xf32>,
        %get3A_618 = vector.shape_cast %get3A_617 : vector<1x16xf32> to vector<16xf32>
        %swap3A_619 = arith.index_cast %add3A_614 : i32 to index
        %swap3A_620 = arith.constant 32 : index
        %swap3A_621 = tpu.vector_load %arg11[%swap3A_619, %swap3A_620] {strides = array<i32>} : memref<200x64xf32, #tpu.memory_space<vmem>>, vector<1x16xf32>,
        %swap3A_622 = vector.shape_cast %swap3A_621 : vector<1x16xf32> to vector<16xf32>
        %swap3A_623 = vector.shape_cast %get3A_618 : vector<16xf32> to vector<1x16xf32>
        tpu.vector_store %arg11[%swap3A_619, %swap3A_620], %swap3A_623 {add = true, strides = array<i32>} : memref<200x64xf32, #tpu.memory_space<vmem>>, vector<1x16xf32>,
        %mul3A_624 = arith.constant 2 : i32
        %mul3A_625 = arith.muli %mul3A_624, %scan3A_532 : i32
        %add3A_626 = arith.constant 1 : i32
        %add3A_627 = arith.addi %mul3A_625, %add3A_626 : i32
        %get3A_628 = arith.index_cast %scan3A_532 : i32 to index
        %get3A_629 = arith.constant 112 : index
        %get3A_630 = tpu.vector_load %arg6[%get3A_628, %get3A_629] {strides = array<i32>} : memref<100x128xf32, #tpu.memory_space<vmem>>, vector<1x16xf32>,
        %get3A_631 = vector.shape_cast %get3A_630 : vector<1x16xf32> to vector<16xf32>
        %swap3A_632 = arith.index_cast %add3A_627 : i32 to index
        %swap3A_633 = arith.constant 48 : index
        %swap3A_634 = tpu.vector_load %arg11[%swap3A_632, %swap3A_633] {strides = array<i32>} : memref<200x64xf32, #tpu.memory_space<vmem>>, vector<1x16xf32>,
        %swap3A_635 = vector.shape_cast %swap3A_634 : vector<1x16xf32> to vector<16xf32>
        %swap3A_636 = vector.shape_cast %get3A_631 : vector<16xf32> to vector<1x16xf32>
        tpu.vector_store %arg11[%swap3A_632, %swap3A_633], %swap3A_636 {add = true, strides = array<i32>} : memref<200x64xf32, #tpu.memory_space<vmem>>, vector<1x16xf32>,
      }
      %scan3A_86 = arith.constant 100 : i32
      %add3A_87 = arith.addi %mul3A_2, %add3A_63 : i32
      %dma_start3A_88 = arith.constant 0 : i32
      %dma_start3A_89 = arith.constant 0 : i32
      %dma_start3A_90 = tpu.memref_slice %arg5[%add3A_87, %dma_start3A_88, %dma_start3A_89] : memref<4096x200x64xf32, #tpu.memory_space<hbm>> -> memref<1x200x64xf32, #tpu.memory_space<hbm>>
      %dma_start3A_91 = tpu.memref_squeeze %dma_start3A_90 : memref<1x200x64xf32, #tpu.memory_space<hbm>> -> memref<200x64xf32, #tpu.memory_space<hbm>>
      %dma_start3A_92 = arith.constant 0 : i32
      %dma_start3A_93 = arith.constant 0 : i32
      %dma_start3A_94 = tpu.memref_slice %arg5[%add3A_87, %dma_start3A_92, %dma_start3A_93] : memref<4096x200x64xf32, #tpu.memory_space<hbm>> -> memref<1x200x64xf32, #tpu.memory_space<hbm>>
      %dma_start3A_95 = tpu.memref_squeeze %dma_start3A_94 : memref<1x200x64xf32, #tpu.memory_space<hbm>> -> memref<200x64xf32, #tpu.memory_space<hbm>>
      tpu.enqueue_dma source(%arg11 : memref<200x64xf32, #tpu.memory_space<vmem>>) target(%dma_start3A_95 : memref<200x64xf32, #tpu.memory_space<hbm>>) target_semaphore(%arg23 : memref<!tpu.dma_semaphore, #tpu.memory_space<semaphore_mem>>)
      %mul3A_96 = arith.constant 4 : i32
      %mul3A_97 = arith.muli %scan3A_59, %mul3A_96 : i32
      %add3A_98 = arith.constant 1 : i32
      %add3A_99 = arith.addi %mul3A_97, %add3A_98 : i32
      %dma_wait3A_100 = arith.constant 0 : i32
      %dma_wait3A_101 = arith.constant 0 : i32
      %dma_wait3A_102 = tpu.memref_slice %arg3[%dma_wait3A_100, %dma_wait3A_101] : memref<100000x64xf32, #tpu.memory_space<hbm>> -> memref<100000x64xf32, #tpu.memory_space<hbm>>
      tpu.wait_indirect_dma semaphore(%arg20 : memref<!tpu.dma_semaphore, #tpu.memory_space<semaphore_mem>>) src(%dma_wait3A_102 : memref<100000x64xf32, #tpu.memory_space<hbm>>) dst(%arg12 : memref<200x64xf32, #tpu.memory_space<vmem>>)
      %add3A_103 = arith.constant 4 : i32
      %add3A_104 = arith.addi %add3A_99, %add3A_103 : i32
      %lt3A_105 = arith.constant 128 : i32
      %lt3A_106 = arith.cmpi slt, %add3A_104, %lt3A_105 : i32
      %convert_element_type3A_107 = arith.extui %lt3A_106 : i1 to i32
      %cond3A_108 = arith.constant 0 : i32
      %cond3A_109 = arith.cmpi ne, %convert_element_type3A_107, %cond3A_108 : i32
      scf.if %cond3A_109 {
        %add3A_216 = arith.constant 4 : i32
        %add3A_217 = arith.addi %add3A_99, %add3A_216 : i32
        %add3A_218 = arith.addi %mul3A_2, %add3A_217 : i32
        %mul3A_219 = arith.constant 200 : i32
        %mul3A_220 = arith.muli %add3A_218, %mul3A_219 : i32
        %dma_start3A_221 = tpu.memref_slice %arg2[%mul3A_220] : memref<819200xi32, #tpu.memory_space<hbm>> -> memref<200xi32, #tpu.memory_space<hbm>>
        %dma_start3A_222 = tpu.memref_slice %arg2[%mul3A_220] : memref<819200xi32, #tpu.memory_space<hbm>> -> memref<200xi32, #tpu.memory_space<hbm>>
        tpu.enqueue_dma source(%dma_start3A_222 : memref<200xi32, #tpu.memory_space<hbm>>) target(%arg8 : memref<200xi32, #tpu.memory_space<vmem>>) target_semaphore(%arg16 : memref<!tpu.dma_semaphore, #tpu.memory_space<semaphore_mem>>)
      } else {
      }
      %ge3A_110 = arith.constant 2 : i32
      %ge3A_111 = arith.cmpi sge, %add3A_99, %ge3A_110 : i32
      %convert_element_type3A_112 = arith.extui %ge3A_111 : i1 to i32
      %cond3A_113 = arith.constant 0 : i32
      %cond3A_114 = arith.cmpi ne, %convert_element_type3A_112, %cond3A_113 : i32
      scf.if %cond3A_114 {
        %dma_wait3A_216 = arith.constant 0 : i32
        %dma_wait3A_217 = arith.constant 0 : i32
        %dma_wait3A_218 = tpu.memref_slice %arg5[%mul3A_2, %dma_wait3A_216, %dma_wait3A_217] : memref<4096x200x64xf32, #tpu.memory_space<hbm>> -> memref<1x200x64xf32, #tpu.memory_space<hbm>>
        %dma_wait3A_219 = tpu.memref_squeeze %dma_wait3A_218 : memref<1x200x64xf32, #tpu.memory_space<hbm>> -> memref<200x64xf32, #tpu.memory_space<hbm>>
        %dma_wait3A_220 = arith.constant 0 : i32
        %dma_wait3A_221 = arith.constant 0 : i32
        %dma_wait3A_222 = tpu.memref_slice %arg5[%mul3A_2, %dma_wait3A_220, %dma_wait3A_221] : memref<4096x200x64xf32, #tpu.memory_space<hbm>> -> memref<1x200x64xf32, #tpu.memory_space<hbm>>
        %dma_wait3A_223 = tpu.memref_squeeze %dma_wait3A_222 : memref<1x200x64xf32, #tpu.memory_space<hbm>> -> memref<200x64xf32, #tpu.memory_space<hbm>>
        tpu.wait_dma2 semaphore(%arg26 : memref<!tpu.dma_semaphore, #tpu.memory_space<semaphore_mem>>) src(%arg14 : memref<200x64xf32, #tpu.memory_space<vmem>>) dst(%dma_wait3A_223 : memref<200x64xf32, #tpu.memory_space<hbm>>)
      } else {
      }
      %add3A_115 = arith.constant 2 : i32
      %add3A_116 = arith.addi %add3A_99, %add3A_115 : i32
      %lt3A_117 = arith.constant 128 : i32
      %lt3A_118 = arith.cmpi slt, %add3A_116, %lt3A_117 : i32
      %convert_element_type3A_119 = arith.extui %lt3A_118 : i1 to i32
      %cond3A_120 = arith.constant 0 : i32
      %cond3A_121 = arith.cmpi ne, %convert_element_type3A_119, %cond3A_120 : i32
      scf.if %cond3A_121 {
        %dma_wait3A_216 = arith.constant 0 : i32
        %dma_wait3A_217 = tpu.memref_slice %arg2[%dma_wait3A_216] : memref<819200xi32, #tpu.memory_space<hbm>> -> memref<200xi32, #tpu.memory_space<hbm>>
        %dma_wait3A_218 = arith.constant 0 : i32
        %dma_wait3A_219 = tpu.memref_slice %arg2[%dma_wait3A_218] : memref<819200xi32, #tpu.memory_space<hbm>> -> memref<200xi32, #tpu.memory_space<hbm>>
        tpu.wait_dma2 semaphore(%arg18 : memref<!tpu.dma_semaphore, #tpu.memory_space<semaphore_mem>>) src(%dma_wait3A_219 : memref<200xi32, #tpu.memory_space<hbm>>) dst(%arg10 : memref<200xi32, #tpu.memory_space<vmem>>)
        %dma_start3A_220 = arith.constant 0 : i32
        %dma_start3A_221 = arith.constant 0 : i32
        %dma_start3A_222 = tpu.memref_slice %arg3[%dma_start3A_220, %dma_start3A_221] : memref<100000x64xf32, #tpu.memory_space<hbm>> -> memref<100000x64xf32, #tpu.memory_space<hbm>>
        tpu.enqueue_indirect_dma source(%dma_start3A_222 : memref<100000x64xf32, #tpu.memory_space<hbm>>) target(%arg14 : memref<200x64xf32, #tpu.memory_space<vmem>>) offsets(%arg10 : memref<200xi32, #tpu.memory_space<vmem>>) semaphore(%arg22 : memref<!tpu.dma_semaphore, #tpu.memory_space<semaphore_mem>>)
      } else {
      }
      %scan3A_122 = arith.constant 0 : i32
      %scan3A_123 = arith.constant 100 : i32
      %scan3A_124 = arith.addi %scan3A_122, %scan3A_123 : i32
      %scan3A_125 = arith.constant 4 : i32
      scf.for %scan3A_216 = %scan3A_122 to %scan3A_124 step %scan3A_125  : i32 {
        %mul3A_217 = arith.constant 2 : i32
        %mul3A_218 = arith.muli %mul3A_217, %scan3A_216 : i32
        %add3A_219 = arith.constant 0 : i32
        %add3A_220 = arith.addi %mul3A_218, %add3A_219 : i32
        %get3A = arith.index_cast %scan3A_216 : i32 to index
        %get3A_221 = arith.constant 0 : index
        %get3A_222 = tpu.vector_load %arg6[%get3A, %get3A_221] {strides = array<i32>} : memref<100x128xf32, #tpu.memory_space<vmem>>, vector<1x16xf32>,
        %get3A_223 = vector.shape_cast %get3A_222 : vector<1x16xf32> to vector<16xf32>
        %swap3A = arith.index_cast %add3A_220 : i32 to index
        %swap3A_224 = arith.constant 0 : index
        %swap3A_225 = tpu.vector_load %arg12[%swap3A, %swap3A_224] {strides = array<i32>} : memref<200x64xf32, #tpu.memory_space<vmem>>, vector<1x16xf32>,
        %swap3A_226 = vector.shape_cast %swap3A_225 : vector<1x16xf32> to vector<16xf32>
        %swap3A_227 = vector.shape_cast %get3A_223 : vector<16xf32> to vector<1x16xf32>
        tpu.vector_store %arg12[%swap3A, %swap3A_224], %swap3A_227 {add = true, strides = array<i32>} : memref<200x64xf32, #tpu.memory_space<vmem>>, vector<1x16xf32>,
        %mul3A_228 = arith.constant 2 : i32
        %mul3A_229 = arith.muli %mul3A_228, %scan3A_216 : i32
        %add3A_230 = arith.constant 0 : i32
        %add3A_231 = arith.addi %mul3A_229, %add3A_230 : i32
        %get3A_232 = arith.index_cast %scan3A_216 : i32 to index
        %get3A_233 = arith.constant 16 : index
        %get3A_234 = tpu.vector_load %arg6[%get3A_232, %get3A_233] {strides = array<i32>} : memref<100x128xf32, #tpu.memory_space<vmem>>, vector<1x16xf32>,
        %get3A_235 = vector.shape_cast %get3A_234 : vector<1x16xf32> to vector<16xf32>
        %swap3A_236 = arith.index_cast %add3A_231 : i32 to index
        %swap3A_237 = arith.constant 16 : index
        %swap3A_238 = tpu.vector_load %arg12[%swap3A_236, %swap3A_237] {strides = array<i32>} : memref<200x64xf32, #tpu.memory_space<vmem>>, vector<1x16xf32>,
        %swap3A_239 = vector.shape_cast %swap3A_238 : vector<1x16xf32> to vector<16xf32>
        %swap3A_240 = vector.shape_cast %get3A_235 : vector<16xf32> to vector<1x16xf32>
        tpu.vector_store %arg12[%swap3A_236, %swap3A_237], %swap3A_240 {add = true, strides = array<i32>} : memref<200x64xf32, #tpu.memory_space<vmem>>, vector<1x16xf32>,
        %mul3A_241 = arith.constant 2 : i32
        %mul3A_242 = arith.muli %mul3A_241, %scan3A_216 : i32
        %add3A_243 = arith.constant 0 : i32
        %add3A_244 = arith.addi %mul3A_242, %add3A_243 : i32
        %get3A_245 = arith.index_cast %scan3A_216 : i32 to index
        %get3A_246 = arith.constant 32 : index
        %get3A_247 = tpu.vector_load %arg6[%get3A_245, %get3A_246] {strides = array<i32>} : memref<100x128xf32, #tpu.memory_space<vmem>>, vector<1x16xf32>,
        %get3A_248 = vector.shape_cast %get3A_247 : vector<1x16xf32> to vector<16xf32>
        %swap3A_249 = arith.index_cast %add3A_244 : i32 to index
        %swap3A_250 = arith.constant 32 : index
        %swap3A_251 = tpu.vector_load %arg12[%swap3A_249, %swap3A_250] {strides = array<i32>} : memref<200x64xf32, #tpu.memory_space<vmem>>, vector<1x16xf32>,
        %swap3A_252 = vector.shape_cast %swap3A_251 : vector<1x16xf32> to vector<16xf32>
        %swap3A_253 = vector.shape_cast %get3A_248 : vector<16xf32> to vector<1x16xf32>
        tpu.vector_store %arg12[%swap3A_249, %swap3A_250], %swap3A_253 {add = true, strides = array<i32>} : memref<200x64xf32, #tpu.memory_space<vmem>>, vector<1x16xf32>,
        %mul3A_254 = arith.constant 2 : i32
        %mul3A_255 = arith.muli %mul3A_254, %scan3A_216 : i32
        %add3A_256 = arith.constant 0 : i32
        %add3A_257 = arith.addi %mul3A_255, %add3A_256 : i32
        %get3A_258 = arith.index_cast %scan3A_216 : i32 to index
        %get3A_259 = arith.constant 48 : index
        %get3A_260 = tpu.vector_load %arg6[%get3A_258, %get3A_259] {strides = array<i32>} : memref<100x128xf32, #tpu.memory_space<vmem>>, vector<1x16xf32>,
        %get3A_261 = vector.shape_cast %get3A_260 : vector<1x16xf32> to vector<16xf32>
        %swap3A_262 = arith.index_cast %add3A_257 : i32 to index
        %swap3A_263 = arith.constant 48 : index
        %swap3A_264 = tpu.vector_load %arg12[%swap3A_262, %swap3A_263] {strides = array<i32>} : memref<200x64xf32, #tpu.memory_space<vmem>>, vector<1x16xf32>,
        %swap3A_265 = vector.shape_cast %swap3A_264 : vector<1x16xf32> to vector<16xf32>
        %swap3A_266 = vector.shape_cast %get3A_261 : vector<16xf32> to vector<1x16xf32>
        tpu.vector_store %arg12[%swap3A_262, %swap3A_263], %swap3A_266 {add = true, strides = array<i32>} : memref<200x64xf32, #tpu.memory_space<vmem>>, vector<1x16xf32>,
        %mul3A_267 = arith.constant 2 : i32
        %mul3A_268 = arith.muli %mul3A_267, %scan3A_216 : i32
        %add3A_269 = arith.constant 1 : i32
        %add3A_270 = arith.addi %mul3A_268, %add3A_269 : i32
        %get3A_271 = arith.index_cast %scan3A_216 : i32 to index
        %get3A_272 = arith.constant 64 : index
        %get3A_273 = tpu.vector_load %arg6[%get3A_271, %get3A_272] {strides = array<i32>} : memref<100x128xf32, #tpu.memory_space<vmem>>, vector<1x16xf32>,
        %get3A_274 = vector.shape_cast %get3A_273 : vector<1x16xf32> to vector<16xf32>
        %swap3A_275 = arith.index_cast %add3A_270 : i32 to index
        %swap3A_276 = arith.constant 0 : index
        %swap3A_277 = tpu.vector_load %arg12[%swap3A_275, %swap3A_276] {strides = array<i32>} : memref<200x64xf32, #tpu.memory_space<vmem>>, vector<1x16xf32>,
        %swap3A_278 = vector.shape_cast %swap3A_277 : vector<1x16xf32> to vector<16xf32>
        %swap3A_279 = vector.shape_cast %get3A_274 : vector<16xf32> to vector<1x16xf32>
        tpu.vector_store %arg12[%swap3A_275, %swap3A_276], %swap3A_279 {add = true, strides = array<i32>} : memref<200x64xf32, #tpu.memory_space<vmem>>, vector<1x16xf32>,
        %mul3A_280 = arith.constant 2 : i32
        %mul3A_281 = arith.muli %mul3A_280, %scan3A_216 : i32
        %add3A_282 = arith.constant 1 : i32
        %add3A_283 = arith.addi %mul3A_281, %add3A_282 : i32
        %get3A_284 = arith.index_cast %scan3A_216 : i32 to index
        %get3A_285 = arith.constant 80 : index
        %get3A_286 = tpu.vector_load %arg6[%get3A_284, %get3A_285] {strides = array<i32>} : memref<100x128xf32, #tpu.memory_space<vmem>>, vector<1x16xf32>,
        %get3A_287 = vector.shape_cast %get3A_286 : vector<1x16xf32> to vector<16xf32>
        %swap3A_288 = arith.index_cast %add3A_283 : i32 to index
        %swap3A_289 = arith.constant 16 : index
        %swap3A_290 = tpu.vector_load %arg12[%swap3A_288, %swap3A_289] {strides = array<i32>} : memref<200x64xf32, #tpu.memory_space<vmem>>, vector<1x16xf32>,
        %swap3A_291 = vector.shape_cast %swap3A_290 : vector<1x16xf32> to vector<16xf32>
        %swap3A_292 = vector.shape_cast %get3A_287 : vector<16xf32> to vector<1x16xf32>
        tpu.vector_store %arg12[%swap3A_288, %swap3A_289], %swap3A_292 {add = true, strides = array<i32>} : memref<200x64xf32, #tpu.memory_space<vmem>>, vector<1x16xf32>,
        %mul3A_293 = arith.constant 2 : i32
        %mul3A_294 = arith.muli %mul3A_293, %scan3A_216 : i32
        %add3A_295 = arith.constant 1 : i32
        %add3A_296 = arith.addi %mul3A_294, %add3A_295 : i32
        %get3A_297 = arith.index_cast %scan3A_216 : i32 to index
        %get3A_298 = arith.constant 96 : index
        %get3A_299 = tpu.vector_load %arg6[%get3A_297, %get3A_298] {strides = array<i32>} : memref<100x128xf32, #tpu.memory_space<vmem>>, vector<1x16xf32>,
        %get3A_300 = vector.shape_cast %get3A_299 : vector<1x16xf32> to vector<16xf32>
        %swap3A_301 = arith.index_cast %add3A_296 : i32 to index
        %swap3A_302 = arith.constant 32 : index
        %swap3A_303 = tpu.vector_load %arg12[%swap3A_301, %swap3A_302] {strides = array<i32>} : memref<200x64xf32, #tpu.memory_space<vmem>>, vector<1x16xf32>,
        %swap3A_304 = vector.shape_cast %swap3A_303 : vector<1x16xf32> to vector<16xf32>
        %swap3A_305 = vector.shape_cast %get3A_300 : vector<16xf32> to vector<1x16xf32>
        tpu.vector_store %arg12[%swap3A_301, %swap3A_302], %swap3A_305 {add = true, strides = array<i32>} : memref<200x64xf32, #tpu.memory_space<vmem>>, vector<1x16xf32>,
        %mul3A_306 = arith.constant 2 : i32
        %mul3A_307 = arith.muli %mul3A_306, %scan3A_216 : i32
        %add3A_308 = arith.constant 1 : i32
        %add3A_309 = arith.addi %mul3A_307, %add3A_308 : i32
        %get3A_310 = arith.index_cast %scan3A_216 : i32 to index
        %get3A_311 = arith.constant 112 : index
        %get3A_312 = tpu.vector_load %arg6[%get3A_310, %get3A_311] {strides = array<i32>} : memref<100x128xf32, #tpu.memory_space<vmem>>, vector<1x16xf32>,
        %get3A_313 = vector.shape_cast %get3A_312 : vector<1x16xf32> to vector<16xf32>
        %swap3A_314 = arith.index_cast %add3A_309 : i32 to index
        %swap3A_315 = arith.constant 48 : index
        %swap3A_316 = tpu.vector_load %arg12[%swap3A_314, %swap3A_315] {strides = array<i32>} : memref<200x64xf32, #tpu.memory_space<vmem>>, vector<1x16xf32>,
        %swap3A_317 = vector.shape_cast %swap3A_316 : vector<1x16xf32> to vector<16xf32>
        %swap3A_318 = vector.shape_cast %get3A_313 : vector<16xf32> to vector<1x16xf32>
        tpu.vector_store %arg12[%swap3A_314, %swap3A_315], %swap3A_318 {add = true, strides = array<i32>} : memref<200x64xf32, #tpu.memory_space<vmem>>, vector<1x16xf32>,
        %scan3A_319 = arith.constant 1 : i32
        %scan3A_320 = arith.addi %scan3A_216, %scan3A_319 : i32
        %mul3A_321 = arith.constant 2 : i32
        %mul3A_322 = arith.muli %mul3A_321, %scan3A_320 : i32
        %add3A_323 = arith.constant 0 : i32
        %add3A_324 = arith.addi %mul3A_322, %add3A_323 : i32
        %get3A_325 = arith.index_cast %scan3A_320 : i32 to index
        %get3A_326 = arith.constant 0 : index
        %get3A_327 = tpu.vector_load %arg6[%get3A_325, %get3A_326] {strides = array<i32>} : memref<100x128xf32, #tpu.memory_space<vmem>>, vector<1x16xf32>,
        %get3A_328 = vector.shape_cast %get3A_327 : vector<1x16xf32> to vector<16xf32>
        %swap3A_329 = arith.index_cast %add3A_324 : i32 to index
        %swap3A_330 = arith.constant 0 : index
        %swap3A_331 = tpu.vector_load %arg12[%swap3A_329, %swap3A_330] {strides = array<i32>} : memref<200x64xf32, #tpu.memory_space<vmem>>, vector<1x16xf32>,
        %swap3A_332 = vector.shape_cast %swap3A_331 : vector<1x16xf32> to vector<16xf32>
        %swap3A_333 = vector.shape_cast %get3A_328 : vector<16xf32> to vector<1x16xf32>
        tpu.vector_store %arg12[%swap3A_329, %swap3A_330], %swap3A_333 {add = true, strides = array<i32>} : memref<200x64xf32, #tpu.memory_space<vmem>>, vector<1x16xf32>,
        %mul3A_334 = arith.constant 2 : i32
        %mul3A_335 = arith.muli %mul3A_334, %scan3A_320 : i32
        %add3A_336 = arith.constant 0 : i32
        %add3A_337 = arith.addi %mul3A_335, %add3A_336 : i32
        %get3A_338 = arith.index_cast %scan3A_320 : i32 to index
        %get3A_339 = arith.constant 16 : index
        %get3A_340 = tpu.vector_load %arg6[%get3A_338, %get3A_339] {strides = array<i32>} : memref<100x128xf32, #tpu.memory_space<vmem>>, vector<1x16xf32>,
        %get3A_341 = vector.shape_cast %get3A_340 : vector<1x16xf32> to vector<16xf32>
        %swap3A_342 = arith.index_cast %add3A_337 : i32 to index
        %swap3A_343 = arith.constant 16 : index
        %swap3A_344 = tpu.vector_load %arg12[%swap3A_342, %swap3A_343] {strides = array<i32>} : memref<200x64xf32, #tpu.memory_space<vmem>>, vector<1x16xf32>,
        %swap3A_345 = vector.shape_cast %swap3A_344 : vector<1x16xf32> to vector<16xf32>
        %swap3A_346 = vector.shape_cast %get3A_341 : vector<16xf32> to vector<1x16xf32>
        tpu.vector_store %arg12[%swap3A_342, %swap3A_343], %swap3A_346 {add = true, strides = array<i32>} : memref<200x64xf32, #tpu.memory_space<vmem>>, vector<1x16xf32>,
        %mul3A_347 = arith.constant 2 : i32
        %mul3A_348 = arith.muli %mul3A_347, %scan3A_320 : i32
        %add3A_349 = arith.constant 0 : i32
        %add3A_350 = arith.addi %mul3A_348, %add3A_349 : i32
        %get3A_351 = arith.index_cast %scan3A_320 : i32 to index
        %get3A_352 = arith.constant 32 : index
        %get3A_353 = tpu.vector_load %arg6[%get3A_351, %get3A_352] {strides = array<i32>} : memref<100x128xf32, #tpu.memory_space<vmem>>, vector<1x16xf32>,
        %get3A_354 = vector.shape_cast %get3A_353 : vector<1x16xf32> to vector<16xf32>
        %swap3A_355 = arith.index_cast %add3A_350 : i32 to index
        %swap3A_356 = arith.constant 32 : index
        %swap3A_357 = tpu.vector_load %arg12[%swap3A_355, %swap3A_356] {strides = array<i32>} : memref<200x64xf32, #tpu.memory_space<vmem>>, vector<1x16xf32>,
        %swap3A_358 = vector.shape_cast %swap3A_357 : vector<1x16xf32> to vector<16xf32>
        %swap3A_359 = vector.shape_cast %get3A_354 : vector<16xf32> to vector<1x16xf32>
        tpu.vector_store %arg12[%swap3A_355, %swap3A_356], %swap3A_359 {add = true, strides = array<i32>} : memref<200x64xf32, #tpu.memory_space<vmem>>, vector<1x16xf32>,
        %mul3A_360 = arith.constant 2 : i32
        %mul3A_361 = arith.muli %mul3A_360, %scan3A_320 : i32
        %add3A_362 = arith.constant 0 : i32
        %add3A_363 = arith.addi %mul3A_361, %add3A_362 : i32
        %get3A_364 = arith.index_cast %scan3A_320 : i32 to index
        %get3A_365 = arith.constant 48 : index
        %get3A_366 = tpu.vector_load %arg6[%get3A_364, %get3A_365] {strides = array<i32>} : memref<100x128xf32, #tpu.memory_space<vmem>>, vector<1x16xf32>,
        %get3A_367 = vector.shape_cast %get3A_366 : vector<1x16xf32> to vector<16xf32>
        %swap3A_368 = arith.index_cast %add3A_363 : i32 to index
        %swap3A_369 = arith.constant 48 : index
        %swap3A_370 = tpu.vector_load %arg12[%swap3A_368, %swap3A_369] {strides = array<i32>} : memref<200x64xf32, #tpu.memory_space<vmem>>, vector<1x16xf32>,
        %swap3A_371 = vector.shape_cast %swap3A_370 : vector<1x16xf32> to vector<16xf32>
        %swap3A_372 = vector.shape_cast %get3A_367 : vector<16xf32> to vector<1x16xf32>
        tpu.vector_store %arg12[%swap3A_368, %swap3A_369], %swap3A_372 {add = true, strides = array<i32>} : memref<200x64xf32, #tpu.memory_space<vmem>>, vector<1x16xf32>,
        %mul3A_373 = arith.constant 2 : i32
        %mul3A_374 = arith.muli %mul3A_373, %scan3A_320 : i32
        %add3A_375 = arith.constant 1 : i32
        %add3A_376 = arith.addi %mul3A_374, %add3A_375 : i32
        %get3A_377 = arith.index_cast %scan3A_320 : i32 to index
        %get3A_378 = arith.constant 64 : index
        %get3A_379 = tpu.vector_load %arg6[%get3A_377, %get3A_378] {strides = array<i32>} : memref<100x128xf32, #tpu.memory_space<vmem>>, vector<1x16xf32>,
        %get3A_380 = vector.shape_cast %get3A_379 : vector<1x16xf32> to vector<16xf32>
        %swap3A_381 = arith.index_cast %add3A_376 : i32 to index
        %swap3A_382 = arith.constant 0 : index
        %swap3A_383 = tpu.vector_load %arg12[%swap3A_381, %swap3A_382] {strides = array<i32>} : memref<200x64xf32, #tpu.memory_space<vmem>>, vector<1x16xf32>,
        %swap3A_384 = vector.shape_cast %swap3A_383 : vector<1x16xf32> to vector<16xf32>
        %swap3A_385 = vector.shape_cast %get3A_380 : vector<16xf32> to vector<1x16xf32>
        tpu.vector_store %arg12[%swap3A_381, %swap3A_382], %swap3A_385 {add = true, strides = array<i32>} : memref<200x64xf32, #tpu.memory_space<vmem>>, vector<1x16xf32>,
        %mul3A_386 = arith.constant 2 : i32
        %mul3A_387 = arith.muli %mul3A_386, %scan3A_320 : i32
        %add3A_388 = arith.constant 1 : i32
        %add3A_389 = arith.addi %mul3A_387, %add3A_388 : i32
        %get3A_390 = arith.index_cast %scan3A_320 : i32 to index
        %get3A_391 = arith.constant 80 : index
        %get3A_392 = tpu.vector_load %arg6[%get3A_390, %get3A_391] {strides = array<i32>} : memref<100x128xf32, #tpu.memory_space<vmem>>, vector<1x16xf32>,
        %get3A_393 = vector.shape_cast %get3A_392 : vector<1x16xf32> to vector<16xf32>
        %swap3A_394 = arith.index_cast %add3A_389 : i32 to index
        %swap3A_395 = arith.constant 16 : index
        %swap3A_396 = tpu.vector_load %arg12[%swap3A_394, %swap3A_395] {strides = array<i32>} : memref<200x64xf32, #tpu.memory_space<vmem>>, vector<1x16xf32>,
        %swap3A_397 = vector.shape_cast %swap3A_396 : vector<1x16xf32> to vector<16xf32>
        %swap3A_398 = vector.shape_cast %get3A_393 : vector<16xf32> to vector<1x16xf32>
        tpu.vector_store %arg12[%swap3A_394, %swap3A_395], %swap3A_398 {add = true, strides = array<i32>} : memref<200x64xf32, #tpu.memory_space<vmem>>, vector<1x16xf32>,
        %mul3A_399 = arith.constant 2 : i32
        %mul3A_400 = arith.muli %mul3A_399, %scan3A_320 : i32
        %add3A_401 = arith.constant 1 : i32
        %add3A_402 = arith.addi %mul3A_400, %add3A_401 : i32
        %get3A_403 = arith.index_cast %scan3A_320 : i32 to index
        %get3A_404 = arith.constant 96 : index
        %get3A_405 = tpu.vector_load %arg6[%get3A_403, %get3A_404] {strides = array<i32>} : memref<100x128xf32, #tpu.memory_space<vmem>>, vector<1x16xf32>,
        %get3A_406 = vector.shape_cast %get3A_405 : vector<1x16xf32> to vector<16xf32>
        %swap3A_407 = arith.index_cast %add3A_402 : i32 to index
        %swap3A_408 = arith.constant 32 : index
        %swap3A_409 = tpu.vector_load %arg12[%swap3A_407, %swap3A_408] {strides = array<i32>} : memref<200x64xf32, #tpu.memory_space<vmem>>, vector<1x16xf32>,
        %swap3A_410 = vector.shape_cast %swap3A_409 : vector<1x16xf32> to vector<16xf32>
        %swap3A_411 = vector.shape_cast %get3A_406 : vector<16xf32> to vector<1x16xf32>
        tpu.vector_store %arg12[%swap3A_407, %swap3A_408], %swap3A_411 {add = true, strides = array<i32>} : memref<200x64xf32, #tpu.memory_space<vmem>>, vector<1x16xf32>,
        %mul3A_412 = arith.constant 2 : i32
        %mul3A_413 = arith.muli %mul3A_412, %scan3A_320 : i32
        %add3A_414 = arith.constant 1 : i32
        %add3A_415 = arith.addi %mul3A_413, %add3A_414 : i32
        %get3A_416 = arith.index_cast %scan3A_320 : i32 to index
        %get3A_417 = arith.constant 112 : index
        %get3A_418 = tpu.vector_load %arg6[%get3A_416, %get3A_417] {strides = array<i32>} : memref<100x128xf32, #tpu.memory_space<vmem>>, vector<1x16xf32>,
        %get3A_419 = vector.shape_cast %get3A_418 : vector<1x16xf32> to vector<16xf32>
        %swap3A_420 = arith.index_cast %add3A_415 : i32 to index
        %swap3A_421 = arith.constant 48 : index
        %swap3A_422 = tpu.vector_load %arg12[%swap3A_420, %swap3A_421] {strides = array<i32>} : memref<200x64xf32, #tpu.memory_space<vmem>>, vector<1x16xf32>,
        %swap3A_423 = vector.shape_cast %swap3A_422 : vector<1x16xf32> to vector<16xf32>
        %swap3A_424 = vector.shape_cast %get3A_419 : vector<16xf32> to vector<1x16xf32>
        tpu.vector_store %arg12[%swap3A_420, %swap3A_421], %swap3A_424 {add = true, strides = array<i32>} : memref<200x64xf32, #tpu.memory_space<vmem>>, vector<1x16xf32>,
        %scan3A_425 = arith.constant 2 : i32
        %scan3A_426 = arith.addi %scan3A_216, %scan3A_425 : i32
        %mul3A_427 = arith.constant 2 : i32
        %mul3A_428 = arith.muli %mul3A_427, %scan3A_426 : i32
        %add3A_429 = arith.constant 0 : i32
        %add3A_430 = arith.addi %mul3A_428, %add3A_429 : i32
        %get3A_431 = arith.index_cast %scan3A_426 : i32 to index
        %get3A_432 = arith.constant 0 : index
        %get3A_433 = tpu.vector_load %arg6[%get3A_431, %get3A_432] {strides = array<i32>} : memref<100x128xf32, #tpu.memory_space<vmem>>, vector<1x16xf32>,
        %get3A_434 = vector.shape_cast %get3A_433 : vector<1x16xf32> to vector<16xf32>
        %swap3A_435 = arith.index_cast %add3A_430 : i32 to index
        %swap3A_436 = arith.constant 0 : index
        %swap3A_437 = tpu.vector_load %arg12[%swap3A_435, %swap3A_436] {strides = array<i32>} : memref<200x64xf32, #tpu.memory_space<vmem>>, vector<1x16xf32>,
        %swap3A_438 = vector.shape_cast %swap3A_437 : vector<1x16xf32> to vector<16xf32>
        %swap3A_439 = vector.shape_cast %get3A_434 : vector<16xf32> to vector<1x16xf32>
        tpu.vector_store %arg12[%swap3A_435, %swap3A_436], %swap3A_439 {add = true, strides = array<i32>} : memref<200x64xf32, #tpu.memory_space<vmem>>, vector<1x16xf32>,
        %mul3A_440 = arith.constant 2 : i32
        %mul3A_441 = arith.muli %mul3A_440, %scan3A_426 : i32
        %add3A_442 = arith.constant 0 : i32
        %add3A_443 = arith.addi %mul3A_441, %add3A_442 : i32
        %get3A_444 = arith.index_cast %scan3A_426 : i32 to index
        %get3A_445 = arith.constant 16 : index
        %get3A_446 = tpu.vector_load %arg6[%get3A_444, %get3A_445] {strides = array<i32>} : memref<100x128xf32, #tpu.memory_space<vmem>>, vector<1x16xf32>,
        %get3A_447 = vector.shape_cast %get3A_446 : vector<1x16xf32> to vector<16xf32>
        %swap3A_448 = arith.index_cast %add3A_443 : i32 to index
        %swap3A_449 = arith.constant 16 : index
        %swap3A_450 = tpu.vector_load %arg12[%swap3A_448, %swap3A_449] {strides = array<i32>} : memref<200x64xf32, #tpu.memory_space<vmem>>, vector<1x16xf32>,
        %swap3A_451 = vector.shape_cast %swap3A_450 : vector<1x16xf32> to vector<16xf32>
        %swap3A_452 = vector.shape_cast %get3A_447 : vector<16xf32> to vector<1x16xf32>
        tpu.vector_store %arg12[%swap3A_448, %swap3A_449], %swap3A_452 {add = true, strides = array<i32>} : memref<200x64xf32, #tpu.memory_space<vmem>>, vector<1x16xf32>,
        %mul3A_453 = arith.constant 2 : i32
        %mul3A_454 = arith.muli %mul3A_453, %scan3A_426 : i32
        %add3A_455 = arith.constant 0 : i32
        %add3A_456 = arith.addi %mul3A_454, %add3A_455 : i32
        %get3A_457 = arith.index_cast %scan3A_426 : i32 to index
        %get3A_458 = arith.constant 32 : index
        %get3A_459 = tpu.vector_load %arg6[%get3A_457, %get3A_458] {strides = array<i32>} : memref<100x128xf32, #tpu.memory_space<vmem>>, vector<1x16xf32>,
        %get3A_460 = vector.shape_cast %get3A_459 : vector<1x16xf32> to vector<16xf32>
        %swap3A_461 = arith.index_cast %add3A_456 : i32 to index
        %swap3A_462 = arith.constant 32 : index
        %swap3A_463 = tpu.vector_load %arg12[%swap3A_461, %swap3A_462] {strides = array<i32>} : memref<200x64xf32, #tpu.memory_space<vmem>>, vector<1x16xf32>,
        %swap3A_464 = vector.shape_cast %swap3A_463 : vector<1x16xf32> to vector<16xf32>
        %swap3A_465 = vector.shape_cast %get3A_460 : vector<16xf32> to vector<1x16xf32>
        tpu.vector_store %arg12[%swap3A_461, %swap3A_462], %swap3A_465 {add = true, strides = array<i32>} : memref<200x64xf32, #tpu.memory_space<vmem>>, vector<1x16xf32>,
        %mul3A_466 = arith.constant 2 : i32
        %mul3A_467 = arith.muli %mul3A_466, %scan3A_426 : i32
        %add3A_468 = arith.constant 0 : i32
        %add3A_469 = arith.addi %mul3A_467, %add3A_468 : i32
        %get3A_470 = arith.index_cast %scan3A_426 : i32 to index
        %get3A_471 = arith.constant 48 : index
        %get3A_472 = tpu.vector_load %arg6[%get3A_470, %get3A_471] {strides = array<i32>} : memref<100x128xf32, #tpu.memory_space<vmem>>, vector<1x16xf32>,
        %get3A_473 = vector.shape_cast %get3A_472 : vector<1x16xf32> to vector<16xf32>
        %swap3A_474 = arith.index_cast %add3A_469 : i32 to index
        %swap3A_475 = arith.constant 48 : index
        %swap3A_476 = tpu.vector_load %arg12[%swap3A_474, %swap3A_475] {strides = array<i32>} : memref<200x64xf32, #tpu.memory_space<vmem>>, vector<1x16xf32>,
        %swap3A_477 = vector.shape_cast %swap3A_476 : vector<1x16xf32> to vector<16xf32>
        %swap3A_478 = vector.shape_cast %get3A_473 : vector<16xf32> to vector<1x16xf32>
        tpu.vector_store %arg12[%swap3A_474, %swap3A_475], %swap3A_478 {add = true, strides = array<i32>} : memref<200x64xf32, #tpu.memory_space<vmem>>, vector<1x16xf32>,
        %mul3A_479 = arith.constant 2 : i32
        %mul3A_480 = arith.muli %mul3A_479, %scan3A_426 : i32
        %add3A_481 = arith.constant 1 : i32
        %add3A_482 = arith.addi %mul3A_480, %add3A_481 : i32
        %get3A_483 = arith.index_cast %scan3A_426 : i32 to index
        %get3A_484 = arith.constant 64 : index
        %get3A_485 = tpu.vector_load %arg6[%get3A_483, %get3A_484] {strides = array<i32>} : memref<100x128xf32, #tpu.memory_space<vmem>>, vector<1x16xf32>,
        %get3A_486 = vector.shape_cast %get3A_485 : vector<1x16xf32> to vector<16xf32>
        %swap3A_487 = arith.index_cast %add3A_482 : i32 to index
        %swap3A_488 = arith.constant 0 : index
        %swap3A_489 = tpu.vector_load %arg12[%swap3A_487, %swap3A_488] {strides = array<i32>} : memref<200x64xf32, #tpu.memory_space<vmem>>, vector<1x16xf32>,
        %swap3A_490 = vector.shape_cast %swap3A_489 : vector<1x16xf32> to vector<16xf32>
        %swap3A_491 = vector.shape_cast %get3A_486 : vector<16xf32> to vector<1x16xf32>
        tpu.vector_store %arg12[%swap3A_487, %swap3A_488], %swap3A_491 {add = true, strides = array<i32>} : memref<200x64xf32, #tpu.memory_space<vmem>>, vector<1x16xf32>,
        %mul3A_492 = arith.constant 2 : i32
        %mul3A_493 = arith.muli %mul3A_492, %scan3A_426 : i32
        %add3A_494 = arith.constant 1 : i32
        %add3A_495 = arith.addi %mul3A_493, %add3A_494 : i32
        %get3A_496 = arith.index_cast %scan3A_426 : i32 to index
        %get3A_497 = arith.constant 80 : index
        %get3A_498 = tpu.vector_load %arg6[%get3A_496, %get3A_497] {strides = array<i32>} : memref<100x128xf32, #tpu.memory_space<vmem>>, vector<1x16xf32>,
        %get3A_499 = vector.shape_cast %get3A_498 : vector<1x16xf32> to vector<16xf32>
        %swap3A_500 = arith.index_cast %add3A_495 : i32 to index
        %swap3A_501 = arith.constant 16 : index
        %swap3A_502 = tpu.vector_load %arg12[%swap3A_500, %swap3A_501] {strides = array<i32>} : memref<200x64xf32, #tpu.memory_space<vmem>>, vector<1x16xf32>,
        %swap3A_503 = vector.shape_cast %swap3A_502 : vector<1x16xf32> to vector<16xf32>
        %swap3A_504 = vector.shape_cast %get3A_499 : vector<16xf32> to vector<1x16xf32>
        tpu.vector_store %arg12[%swap3A_500, %swap3A_501], %swap3A_504 {add = true, strides = array<i32>} : memref<200x64xf32, #tpu.memory_space<vmem>>, vector<1x16xf32>,
        %mul3A_505 = arith.constant 2 : i32
        %mul3A_506 = arith.muli %mul3A_505, %scan3A_426 : i32
        %add3A_507 = arith.constant 1 : i32
        %add3A_508 = arith.addi %mul3A_506, %add3A_507 : i32
        %get3A_509 = arith.index_cast %scan3A_426 : i32 to index
        %get3A_510 = arith.constant 96 : index
        %get3A_511 = tpu.vector_load %arg6[%get3A_509, %get3A_510] {strides = array<i32>} : memref<100x128xf32, #tpu.memory_space<vmem>>, vector<1x16xf32>,
        %get3A_512 = vector.shape_cast %get3A_511 : vector<1x16xf32> to vector<16xf32>
        %swap3A_513 = arith.index_cast %add3A_508 : i32 to index
        %swap3A_514 = arith.constant 32 : index
        %swap3A_515 = tpu.vector_load %arg12[%swap3A_513, %swap3A_514] {strides = array<i32>} : memref<200x64xf32, #tpu.memory_space<vmem>>, vector<1x16xf32>,
        %swap3A_516 = vector.shape_cast %swap3A_515 : vector<1x16xf32> to vector<16xf32>
        %swap3A_517 = vector.shape_cast %get3A_512 : vector<16xf32> to vector<1x16xf32>
        tpu.vector_store %arg12[%swap3A_513, %swap3A_514], %swap3A_517 {add = true, strides = array<i32>} : memref<200x64xf32, #tpu.memory_space<vmem>>, vector<1x16xf32>,
        %mul3A_518 = arith.constant 2 : i32
        %mul3A_519 = arith.muli %mul3A_518, %scan3A_426 : i32
        %add3A_520 = arith.constant 1 : i32
        %add3A_521 = arith.addi %mul3A_519, %add3A_520 : i32
        %get3A_522 = arith.index_cast %scan3A_426 : i32 to index
        %get3A_523 = arith.constant 112 : index
        %get3A_524 = tpu.vector_load %arg6[%get3A_522, %get3A_523] {strides = array<i32>} : memref<100x128xf32, #tpu.memory_space<vmem>>, vector<1x16xf32>,
        %get3A_525 = vector.shape_cast %get3A_524 : vector<1x16xf32> to vector<16xf32>
        %swap3A_526 = arith.index_cast %add3A_521 : i32 to index
        %swap3A_527 = arith.constant 48 : index
        %swap3A_528 = tpu.vector_load %arg12[%swap3A_526, %swap3A_527] {strides = array<i32>} : memref<200x64xf32, #tpu.memory_space<vmem>>, vector<1x16xf32>,
        %swap3A_529 = vector.shape_cast %swap3A_528 : vector<1x16xf32> to vector<16xf32>
        %swap3A_530 = vector.shape_cast %get3A_525 : vector<16xf32> to vector<1x16xf32>
        tpu.vector_store %arg12[%swap3A_526, %swap3A_527], %swap3A_530 {add = true, strides = array<i32>} : memref<200x64xf32, #tpu.memory_space<vmem>>, vector<1x16xf32>,
        %scan3A_531 = arith.constant 3 : i32
        %scan3A_532 = arith.addi %scan3A_216, %scan3A_531 : i32
        %mul3A_533 = arith.constant 2 : i32
        %mul3A_534 = arith.muli %mul3A_533, %scan3A_532 : i32
        %add3A_535 = arith.constant 0 : i32
        %add3A_536 = arith.addi %mul3A_534, %add3A_535 : i32
        %get3A_537 = arith.index_cast %scan3A_532 : i32 to index
        %get3A_538 = arith.constant 0 : index
        %get3A_539 = tpu.vector_load %arg6[%get3A_537, %get3A_538] {strides = array<i32>} : memref<100x128xf32, #tpu.memory_space<vmem>>, vector<1x16xf32>,
        %get3A_540 = vector.shape_cast %get3A_539 : vector<1x16xf32> to vector<16xf32>
        %swap3A_541 = arith.index_cast %add3A_536 : i32 to index
        %swap3A_542 = arith.constant 0 : index
        %swap3A_543 = tpu.vector_load %arg12[%swap3A_541, %swap3A_542] {strides = array<i32>} : memref<200x64xf32, #tpu.memory_space<vmem>>, vector<1x16xf32>,
        %swap3A_544 = vector.shape_cast %swap3A_543 : vector<1x16xf32> to vector<16xf32>
        %swap3A_545 = vector.shape_cast %get3A_540 : vector<16xf32> to vector<1x16xf32>
        tpu.vector_store %arg12[%swap3A_541, %swap3A_542], %swap3A_545 {add = true, strides = array<i32>} : memref<200x64xf32, #tpu.memory_space<vmem>>, vector<1x16xf32>,
        %mul3A_546 = arith.constant 2 : i32
        %mul3A_547 = arith.muli %mul3A_546, %scan3A_532 : i32
        %add3A_548 = arith.constant 0 : i32
        %add3A_549 = arith.addi %mul3A_547, %add3A_548 : i32
        %get3A_550 = arith.index_cast %scan3A_532 : i32 to index
        %get3A_551 = arith.constant 16 : index
        %get3A_552 = tpu.vector_load %arg6[%get3A_550, %get3A_551] {strides = array<i32>} : memref<100x128xf32, #tpu.memory_space<vmem>>, vector<1x16xf32>,
        %get3A_553 = vector.shape_cast %get3A_552 : vector<1x16xf32> to vector<16xf32>
        %swap3A_554 = arith.index_cast %add3A_549 : i32 to index
        %swap3A_555 = arith.constant 16 : index
        %swap3A_556 = tpu.vector_load %arg12[%swap3A_554, %swap3A_555] {strides = array<i32>} : memref<200x64xf32, #tpu.memory_space<vmem>>, vector<1x16xf32>,
        %swap3A_557 = vector.shape_cast %swap3A_556 : vector<1x16xf32> to vector<16xf32>
        %swap3A_558 = vector.shape_cast %get3A_553 : vector<16xf32> to vector<1x16xf32>
        tpu.vector_store %arg12[%swap3A_554, %swap3A_555], %swap3A_558 {add = true, strides = array<i32>} : memref<200x64xf32, #tpu.memory_space<vmem>>, vector<1x16xf32>,
        %mul3A_559 = arith.constant 2 : i32
        %mul3A_560 = arith.muli %mul3A_559, %scan3A_532 : i32
        %add3A_561 = arith.constant 0 : i32
        %add3A_562 = arith.addi %mul3A_560, %add3A_561 : i32
        %get3A_563 = arith.index_cast %scan3A_532 : i32 to index
        %get3A_564 = arith.constant 32 : index
        %get3A_565 = tpu.vector_load %arg6[%get3A_563, %get3A_564] {strides = array<i32>} : memref<100x128xf32, #tpu.memory_space<vmem>>, vector<1x16xf32>,
        %get3A_566 = vector.shape_cast %get3A_565 : vector<1x16xf32> to vector<16xf32>
        %swap3A_567 = arith.index_cast %add3A_562 : i32 to index
        %swap3A_568 = arith.constant 32 : index
        %swap3A_569 = tpu.vector_load %arg12[%swap3A_567, %swap3A_568] {strides = array<i32>} : memref<200x64xf32, #tpu.memory_space<vmem>>, vector<1x16xf32>,
        %swap3A_570 = vector.shape_cast %swap3A_569 : vector<1x16xf32> to vector<16xf32>
        %swap3A_571 = vector.shape_cast %get3A_566 : vector<16xf32> to vector<1x16xf32>
        tpu.vector_store %arg12[%swap3A_567, %swap3A_568], %swap3A_571 {add = true, strides = array<i32>} : memref<200x64xf32, #tpu.memory_space<vmem>>, vector<1x16xf32>,
        %mul3A_572 = arith.constant 2 : i32
        %mul3A_573 = arith.muli %mul3A_572, %scan3A_532 : i32
        %add3A_574 = arith.constant 0 : i32
        %add3A_575 = arith.addi %mul3A_573, %add3A_574 : i32
        %get3A_576 = arith.index_cast %scan3A_532 : i32 to index
        %get3A_577 = arith.constant 48 : index
        %get3A_578 = tpu.vector_load %arg6[%get3A_576, %get3A_577] {strides = array<i32>} : memref<100x128xf32, #tpu.memory_space<vmem>>, vector<1x16xf32>,
        %get3A_579 = vector.shape_cast %get3A_578 : vector<1x16xf32> to vector<16xf32>
        %swap3A_580 = arith.index_cast %add3A_575 : i32 to index
        %swap3A_581 = arith.constant 48 : index
        %swap3A_582 = tpu.vector_load %arg12[%swap3A_580, %swap3A_581] {strides = array<i32>} : memref<200x64xf32, #tpu.memory_space<vmem>>, vector<1x16xf32>,
        %swap3A_583 = vector.shape_cast %swap3A_582 : vector<1x16xf32> to vector<16xf32>
        %swap3A_584 = vector.shape_cast %get3A_579 : vector<16xf32> to vector<1x16xf32>
        tpu.vector_store %arg12[%swap3A_580, %swap3A_581], %swap3A_584 {add = true, strides = array<i32>} : memref<200x64xf32, #tpu.memory_space<vmem>>, vector<1x16xf32>,
        %mul3A_585 = arith.constant 2 : i32
        %mul3A_586 = arith.muli %mul3A_585, %scan3A_532 : i32
        %add3A_587 = arith.constant 1 : i32
        %add3A_588 = arith.addi %mul3A_586, %add3A_587 : i32
        %get3A_589 = arith.index_cast %scan3A_532 : i32 to index
        %get3A_590 = arith.constant 64 : index
        %get3A_591 = tpu.vector_load %arg6[%get3A_589, %get3A_590] {strides = array<i32>} : memref<100x128xf32, #tpu.memory_space<vmem>>, vector<1x16xf32>,
        %get3A_592 = vector.shape_cast %get3A_591 : vector<1x16xf32> to vector<16xf32>
        %swap3A_593 = arith.index_cast %add3A_588 : i32 to index
        %swap3A_594 = arith.constant 0 : index
        %swap3A_595 = tpu.vector_load %arg12[%swap3A_593, %swap3A_594] {strides = array<i32>} : memref<200x64xf32, #tpu.memory_space<vmem>>, vector<1x16xf32>,
        %swap3A_596 = vector.shape_cast %swap3A_595 : vector<1x16xf32> to vector<16xf32>
        %swap3A_597 = vector.shape_cast %get3A_592 : vector<16xf32> to vector<1x16xf32>
        tpu.vector_store %arg12[%swap3A_593, %swap3A_594], %swap3A_597 {add = true, strides = array<i32>} : memref<200x64xf32, #tpu.memory_space<vmem>>, vector<1x16xf32>,
        %mul3A_598 = arith.constant 2 : i32
        %mul3A_599 = arith.muli %mul3A_598, %scan3A_532 : i32
        %add3A_600 = arith.constant 1 : i32
        %add3A_601 = arith.addi %mul3A_599, %add3A_600 : i32
        %get3A_602 = arith.index_cast %scan3A_532 : i32 to index
        %get3A_603 = arith.constant 80 : index
        %get3A_604 = tpu.vector_load %arg6[%get3A_602, %get3A_603] {strides = array<i32>} : memref<100x128xf32, #tpu.memory_space<vmem>>, vector<1x16xf32>,
        %get3A_605 = vector.shape_cast %get3A_604 : vector<1x16xf32> to vector<16xf32>
        %swap3A_606 = arith.index_cast %add3A_601 : i32 to index
        %swap3A_607 = arith.constant 16 : index
        %swap3A_608 = tpu.vector_load %arg12[%swap3A_606, %swap3A_607] {strides = array<i32>} : memref<200x64xf32, #tpu.memory_space<vmem>>, vector<1x16xf32>,
        %swap3A_609 = vector.shape_cast %swap3A_608 : vector<1x16xf32> to vector<16xf32>
        %swap3A_610 = vector.shape_cast %get3A_605 : vector<16xf32> to vector<1x16xf32>
        tpu.vector_store %arg12[%swap3A_606, %swap3A_607], %swap3A_610 {add = true, strides = array<i32>} : memref<200x64xf32, #tpu.memory_space<vmem>>, vector<1x16xf32>,
        %mul3A_611 = arith.constant 2 : i32
        %mul3A_612 = arith.muli %mul3A_611, %scan3A_532 : i32
        %add3A_613 = arith.constant 1 : i32
        %add3A_614 = arith.addi %mul3A_612, %add3A_613 : i32
        %get3A_615 = arith.index_cast %scan3A_532 : i32 to index
        %get3A_616 = arith.constant 96 : index
        %get3A_617 = tpu.vector_load %arg6[%get3A_615, %get3A_616] {strides = array<i32>} : memref<100x128xf32, #tpu.memory_space<vmem>>, vector<1x16xf32>,
        %get3A_618 = vector.shape_cast %get3A_617 : vector<1x16xf32> to vector<16xf32>
        %swap3A_619 = arith.index_cast %add3A_614 : i32 to index
        %swap3A_620 = arith.constant 32 : index
        %swap3A_621 = tpu.vector_load %arg12[%swap3A_619, %swap3A_620] {strides = array<i32>} : memref<200x64xf32, #tpu.memory_space<vmem>>, vector<1x16xf32>,
        %swap3A_622 = vector.shape_cast %swap3A_621 : vector<1x16xf32> to vector<16xf32>
        %swap3A_623 = vector.shape_cast %get3A_618 : vector<16xf32> to vector<1x16xf32>
        tpu.vector_store %arg12[%swap3A_619, %swap3A_620], %swap3A_623 {add = true, strides = array<i32>} : memref<200x64xf32, #tpu.memory_space<vmem>>, vector<1x16xf32>,
        %mul3A_624 = arith.constant 2 : i32
        %mul3A_625 = arith.muli %mul3A_624, %scan3A_532 : i32
        %add3A_626 = arith.constant 1 : i32
        %add3A_627 = arith.addi %mul3A_625, %add3A_626 : i32
        %get3A_628 = arith.index_cast %scan3A_532 : i32 to index
        %get3A_629 = arith.constant 112 : index
        %get3A_630 = tpu.vector_load %arg6[%get3A_628, %get3A_629] {strides = array<i32>} : memref<100x128xf32, #tpu.memory_space<vmem>>, vector<1x16xf32>,
        %get3A_631 = vector.shape_cast %get3A_630 : vector<1x16xf32> to vector<16xf32>
        %swap3A_632 = arith.index_cast %add3A_627 : i32 to index
        %swap3A_633 = arith.constant 48 : index
        %swap3A_634 = tpu.vector_load %arg12[%swap3A_632, %swap3A_633] {strides = array<i32>} : memref<200x64xf32, #tpu.memory_space<vmem>>, vector<1x16xf32>,
        %swap3A_635 = vector.shape_cast %swap3A_634 : vector<1x16xf32> to vector<16xf32>
        %swap3A_636 = vector.shape_cast %get3A_631 : vector<16xf32> to vector<1x16xf32>
        tpu.vector_store %arg12[%swap3A_632, %swap3A_633], %swap3A_636 {add = true, strides = array<i32>} : memref<200x64xf32, #tpu.memory_space<vmem>>, vector<1x16xf32>,
      }
      %scan3A_126 = arith.constant 100 : i32
      %add3A_127 = arith.addi %mul3A_2, %add3A_99 : i32
      %dma_start3A_128 = arith.constant 0 : i32
      %dma_start3A_129 = arith.constant 0 : i32
      %dma_start3A_130 = tpu.memref_slice %arg5[%add3A_127, %dma_start3A_128, %dma_start3A_129] : memref<4096x200x64xf32, #tpu.memory_space<hbm>> -> memref<1x200x64xf32, #tpu.memory_space<hbm>>
      %dma_start3A_131 = tpu.memref_squeeze %dma_start3A_130 : memref<1x200x64xf32, #tpu.memory_space<hbm>> -> memref<200x64xf32, #tpu.memory_space<hbm>>
      %dma_start3A_132 = arith.constant 0 : i32
      %dma_start3A_133 = arith.constant 0 : i32
      %dma_start3A_134 = tpu.memref_slice %arg5[%add3A_127, %dma_start3A_132, %dma_start3A_133] : memref<4096x200x64xf32, #tpu.memory_space<hbm>> -> memref<1x200x64xf32, #tpu.memory_space<hbm>>
      %dma_start3A_135 = tpu.memref_squeeze %dma_start3A_134 : memref<1x200x64xf32, #tpu.memory_space<hbm>> -> memref<200x64xf32, #tpu.memory_space<hbm>>
      tpu.enqueue_dma source(%arg12 : memref<200x64xf32, #tpu.memory_space<vmem>>) target(%dma_start3A_135 : memref<200x64xf32, #tpu.memory_space<hbm>>) target_semaphore(%arg24 : memref<!tpu.dma_semaphore, #tpu.memory_space<semaphore_mem>>)
      %mul3A_136 = arith.constant 4 : i32
      %mul3A_137 = arith.muli %scan3A_59, %mul3A_136 : i32
      %add3A_138 = arith.constant 2 : i32
      %add3A_139 = arith.addi %mul3A_137, %add3A_138 : i32
      %dma_wait3A_140 = arith.constant 0 : i32
      %dma_wait3A_141 = arith.constant 0 : i32
      %dma_wait3A_142 = tpu.memref_slice %arg3[%dma_wait3A_140, %dma_wait3A_141] : memref<100000x64xf32, #tpu.memory_space<hbm>> -> memref<100000x64xf32, #tpu.memory_space<hbm>>
      tpu.wait_indirect_dma semaphore(%arg21 : memref<!tpu.dma_semaphore, #tpu.memory_space<semaphore_mem>>) src(%dma_wait3A_142 : memref<100000x64xf32, #tpu.memory_space<hbm>>) dst(%arg13 : memref<200x64xf32, #tpu.memory_space<vmem>>)
      %add3A_143 = arith.constant 4 : i32
      %add3A_144 = arith.addi %add3A_139, %add3A_143 : i32
      %lt3A_145 = arith.constant 128 : i32
      %lt3A_146 = arith.cmpi slt, %add3A_144, %lt3A_145 : i32
      %convert_element_type3A_147 = arith.extui %lt3A_146 : i1 to i32
      %cond3A_148 = arith.constant 0 : i32
      %cond3A_149 = arith.cmpi ne, %convert_element_type3A_147, %cond3A_148 : i32
      scf.if %cond3A_149 {
        %add3A_216 = arith.constant 4 : i32
        %add3A_217 = arith.addi %add3A_139, %add3A_216 : i32
        %add3A_218 = arith.addi %mul3A_2, %add3A_217 : i32
        %mul3A_219 = arith.constant 200 : i32
        %mul3A_220 = arith.muli %add3A_218, %mul3A_219 : i32
        %dma_start3A_221 = tpu.memref_slice %arg2[%mul3A_220] : memref<819200xi32, #tpu.memory_space<hbm>> -> memref<200xi32, #tpu.memory_space<hbm>>
        %dma_start3A_222 = tpu.memref_slice %arg2[%mul3A_220] : memref<819200xi32, #tpu.memory_space<hbm>> -> memref<200xi32, #tpu.memory_space<hbm>>
        tpu.enqueue_dma source(%dma_start3A_222 : memref<200xi32, #tpu.memory_space<hbm>>) target(%arg9 : memref<200xi32, #tpu.memory_space<vmem>>) target_semaphore(%arg17 : memref<!tpu.dma_semaphore, #tpu.memory_space<semaphore_mem>>)
      } else {
      }
      %ge3A_150 = arith.constant 2 : i32
      %ge3A_151 = arith.cmpi sge, %add3A_139, %ge3A_150 : i32
      %convert_element_type3A_152 = arith.extui %ge3A_151 : i1 to i32
      %cond3A_153 = arith.constant 0 : i32
      %cond3A_154 = arith.cmpi ne, %convert_element_type3A_152, %cond3A_153 : i32
      scf.if %cond3A_154 {
        %dma_wait3A_216 = arith.constant 0 : i32
        %dma_wait3A_217 = arith.constant 0 : i32
        %dma_wait3A_218 = tpu.memref_slice %arg5[%mul3A_2, %dma_wait3A_216, %dma_wait3A_217] : memref<4096x200x64xf32, #tpu.memory_space<hbm>> -> memref<1x200x64xf32, #tpu.memory_space<hbm>>
        %dma_wait3A_219 = tpu.memref_squeeze %dma_wait3A_218 : memref<1x200x64xf32, #tpu.memory_space<hbm>> -> memref<200x64xf32, #tpu.memory_space<hbm>>
        %dma_wait3A_220 = arith.constant 0 : i32
        %dma_wait3A_221 = arith.constant 0 : i32
        %dma_wait3A_222 = tpu.memref_slice %arg5[%mul3A_2, %dma_wait3A_220, %dma_wait3A_221] : memref<4096x200x64xf32, #tpu.memory_space<hbm>> -> memref<1x200x64xf32, #tpu.memory_space<hbm>>
        %dma_wait3A_223 = tpu.memref_squeeze %dma_wait3A_222 : memref<1x200x64xf32, #tpu.memory_space<hbm>> -> memref<200x64xf32, #tpu.memory_space<hbm>>
        tpu.wait_dma2 semaphore(%arg23 : memref<!tpu.dma_semaphore, #tpu.memory_space<semaphore_mem>>) src(%arg11 : memref<200x64xf32, #tpu.memory_space<vmem>>) dst(%dma_wait3A_223 : memref<200x64xf32, #tpu.memory_space<hbm>>)
      } else {
      }
      %add3A_155 = arith.constant 2 : i32
      %add3A_156 = arith.addi %add3A_139, %add3A_155 : i32
      %lt3A_157 = arith.constant 128 : i32
      %lt3A_158 = arith.cmpi slt, %add3A_156, %lt3A_157 : i32
      %convert_element_type3A_159 = arith.extui %lt3A_158 : i1 to i32
      %cond3A_160 = arith.constant 0 : i32
      %cond3A_161 = arith.cmpi ne, %convert_element_type3A_159, %cond3A_160 : i32
      scf.if %cond3A_161 {
        %dma_wait3A_216 = arith.constant 0 : i32
        %dma_wait3A_217 = tpu.memref_slice %arg2[%dma_wait3A_216] : memref<819200xi32, #tpu.memory_space<hbm>> -> memref<200xi32, #tpu.memory_space<hbm>>
        %dma_wait3A_218 = arith.constant 0 : i32
        %dma_wait3A_219 = tpu.memref_slice %arg2[%dma_wait3A_218] : memref<819200xi32, #tpu.memory_space<hbm>> -> memref<200xi32, #tpu.memory_space<hbm>>
        tpu.wait_dma2 semaphore(%arg15 : memref<!tpu.dma_semaphore, #tpu.memory_space<semaphore_mem>>) src(%dma_wait3A_219 : memref<200xi32, #tpu.memory_space<hbm>>) dst(%arg7 : memref<200xi32, #tpu.memory_space<vmem>>)
        %dma_start3A_220 = arith.constant 0 : i32
        %dma_start3A_221 = arith.constant 0 : i32
        %dma_start3A_222 = tpu.memref_slice %arg3[%dma_start3A_220, %dma_start3A_221] : memref<100000x64xf32, #tpu.memory_space<hbm>> -> memref<100000x64xf32, #tpu.memory_space<hbm>>
        tpu.enqueue_indirect_dma source(%dma_start3A_222 : memref<100000x64xf32, #tpu.memory_space<hbm>>) target(%arg11 : memref<200x64xf32, #tpu.memory_space<vmem>>) offsets(%arg7 : memref<200xi32, #tpu.memory_space<vmem>>) semaphore(%arg19 : memref<!tpu.dma_semaphore, #tpu.memory_space<semaphore_mem>>)
      } else {
      }
      %scan3A_162 = arith.constant 0 : i32
      %scan3A_163 = arith.constant 100 : i32
      %scan3A_164 = arith.addi %scan3A_162, %scan3A_163 : i32
      %scan3A_165 = arith.constant 4 : i32
      scf.for %scan3A_216 = %scan3A_162 to %scan3A_164 step %scan3A_165  : i32 {
        %mul3A_217 = arith.constant 2 : i32
        %mul3A_218 = arith.muli %mul3A_217, %scan3A_216 : i32
        %add3A_219 = arith.constant 0 : i32
        %add3A_220 = arith.addi %mul3A_218, %add3A_219 : i32
        %get3A = arith.index_cast %scan3A_216 : i32 to index
        %get3A_221 = arith.constant 0 : index
        %get3A_222 = tpu.vector_load %arg6[%get3A, %get3A_221] {strides = array<i32>} : memref<100x128xf32, #tpu.memory_space<vmem>>, vector<1x16xf32>,
        %get3A_223 = vector.shape_cast %get3A_222 : vector<1x16xf32> to vector<16xf32>
        %swap3A = arith.index_cast %add3A_220 : i32 to index
        %swap3A_224 = arith.constant 0 : index
        %swap3A_225 = tpu.vector_load %arg13[%swap3A, %swap3A_224] {strides = array<i32>} : memref<200x64xf32, #tpu.memory_space<vmem>>, vector<1x16xf32>,
        %swap3A_226 = vector.shape_cast %swap3A_225 : vector<1x16xf32> to vector<16xf32>
        %swap3A_227 = vector.shape_cast %get3A_223 : vector<16xf32> to vector<1x16xf32>
        tpu.vector_store %arg13[%swap3A, %swap3A_224], %swap3A_227 {add = true, strides = array<i32>} : memref<200x64xf32, #tpu.memory_space<vmem>>, vector<1x16xf32>,
        %mul3A_228 = arith.constant 2 : i32
        %mul3A_229 = arith.muli %mul3A_228, %scan3A_216 : i32
        %add3A_230 = arith.constant 0 : i32
        %add3A_231 = arith.addi %mul3A_229, %add3A_230 : i32
        %get3A_232 = arith.index_cast %scan3A_216 : i32 to index
        %get3A_233 = arith.constant 16 : index
        %get3A_234 = tpu.vector_load %arg6[%get3A_232, %get3A_233] {strides = array<i32>} : memref<100x128xf32, #tpu.memory_space<vmem>>, vector<1x16xf32>,
        %get3A_235 = vector.shape_cast %get3A_234 : vector<1x16xf32> to vector<16xf32>
        %swap3A_236 = arith.index_cast %add3A_231 : i32 to index
        %swap3A_237 = arith.constant 16 : index
        %swap3A_238 = tpu.vector_load %arg13[%swap3A_236, %swap3A_237] {strides = array<i32>} : memref<200x64xf32, #tpu.memory_space<vmem>>, vector<1x16xf32>,
        %swap3A_239 = vector.shape_cast %swap3A_238 : vector<1x16xf32> to vector<16xf32>
        %swap3A_240 = vector.shape_cast %get3A_235 : vector<16xf32> to vector<1x16xf32>
        tpu.vector_store %arg13[%swap3A_236, %swap3A_237], %swap3A_240 {add = true, strides = array<i32>} : memref<200x64xf32, #tpu.memory_space<vmem>>, vector<1x16xf32>,
        %mul3A_241 = arith.constant 2 : i32
        %mul3A_242 = arith.muli %mul3A_241, %scan3A_216 : i32
        %add3A_243 = arith.constant 0 : i32
        %add3A_244 = arith.addi %mul3A_242, %add3A_243 : i32
        %get3A_245 = arith.index_cast %scan3A_216 : i32 to index
        %get3A_246 = arith.constant 32 : index
        %get3A_247 = tpu.vector_load %arg6[%get3A_245, %get3A_246] {strides = array<i32>} : memref<100x128xf32, #tpu.memory_space<vmem>>, vector<1x16xf32>,
        %get3A_248 = vector.shape_cast %get3A_247 : vector<1x16xf32> to vector<16xf32>
        %swap3A_249 = arith.index_cast %add3A_244 : i32 to index
        %swap3A_250 = arith.constant 32 : index
        %swap3A_251 = tpu.vector_load %arg13[%swap3A_249, %swap3A_250] {strides = array<i32>} : memref<200x64xf32, #tpu.memory_space<vmem>>, vector<1x16xf32>,
        %swap3A_252 = vector.shape_cast %swap3A_251 : vector<1x16xf32> to vector<16xf32>
        %swap3A_253 = vector.shape_cast %get3A_248 : vector<16xf32> to vector<1x16xf32>
        tpu.vector_store %arg13[%swap3A_249, %swap3A_250], %swap3A_253 {add = true, strides = array<i32>} : memref<200x64xf32, #tpu.memory_space<vmem>>, vector<1x16xf32>,
        %mul3A_254 = arith.constant 2 : i32
        %mul3A_255 = arith.muli %mul3A_254, %scan3A_216 : i32
        %add3A_256 = arith.constant 0 : i32
        %add3A_257 = arith.addi %mul3A_255, %add3A_256 : i32
        %get3A_258 = arith.index_cast %scan3A_216 : i32 to index
        %get3A_259 = arith.constant 48 : index
        %get3A_260 = tpu.vector_load %arg6[%get3A_258, %get3A_259] {strides = array<i32>} : memref<100x128xf32, #tpu.memory_space<vmem>>, vector<1x16xf32>,
        %get3A_261 = vector.shape_cast %get3A_260 : vector<1x16xf32> to vector<16xf32>
        %swap3A_262 = arith.index_cast %add3A_257 : i32 to index
        %swap3A_263 = arith.constant 48 : index
        %swap3A_264 = tpu.vector_load %arg13[%swap3A_262, %swap3A_263] {strides = array<i32>} : memref<200x64xf32, #tpu.memory_space<vmem>>, vector<1x16xf32>,
        %swap3A_265 = vector.shape_cast %swap3A_264 : vector<1x16xf32> to vector<16xf32>
        %swap3A_266 = vector.shape_cast %get3A_261 : vector<16xf32> to vector<1x16xf32>
        tpu.vector_store %arg13[%swap3A_262, %swap3A_263], %swap3A_266 {add = true, strides = array<i32>} : memref<200x64xf32, #tpu.memory_space<vmem>>, vector<1x16xf32>,
        %mul3A_267 = arith.constant 2 : i32
        %mul3A_268 = arith.muli %mul3A_267, %scan3A_216 : i32
        %add3A_269 = arith.constant 1 : i32
        %add3A_270 = arith.addi %mul3A_268, %add3A_269 : i32
        %get3A_271 = arith.index_cast %scan3A_216 : i32 to index
        %get3A_272 = arith.constant 64 : index
        %get3A_273 = tpu.vector_load %arg6[%get3A_271, %get3A_272] {strides = array<i32>} : memref<100x128xf32, #tpu.memory_space<vmem>>, vector<1x16xf32>,
        %get3A_274 = vector.shape_cast %get3A_273 : vector<1x16xf32> to vector<16xf32>
        %swap3A_275 = arith.index_cast %add3A_270 : i32 to index
        %swap3A_276 = arith.constant 0 : index
        %swap3A_277 = tpu.vector_load %arg13[%swap3A_275, %swap3A_276] {strides = array<i32>} : memref<200x64xf32, #tpu.memory_space<vmem>>, vector<1x16xf32>,
        %swap3A_278 = vector.shape_cast %swap3A_277 : vector<1x16xf32> to vector<16xf32>
        %swap3A_279 = vector.shape_cast %get3A_274 : vector<16xf32> to vector<1x16xf32>
        tpu.vector_store %arg13[%swap3A_275, %swap3A_276], %swap3A_279 {add = true, strides = array<i32>} : memref<200x64xf32, #tpu.memory_space<vmem>>, vector<1x16xf32>,
        %mul3A_280 = arith.constant 2 : i32
        %mul3A_281 = arith.muli %mul3A_280, %scan3A_216 : i32
        %add3A_282 = arith.constant 1 : i32
        %add3A_283 = arith.addi %mul3A_281, %add3A_282 : i32
        %get3A_284 = arith.index_cast %scan3A_216 : i32 to index
        %get3A_285 = arith.constant 80 : index
        %get3A_286 = tpu.vector_load %arg6[%get3A_284, %get3A_285] {strides = array<i32>} : memref<100x128xf32, #tpu.memory_space<vmem>>, vector<1x16xf32>,
        %get3A_287 = vector.shape_cast %get3A_286 : vector<1x16xf32> to vector<16xf32>
        %swap3A_288 = arith.index_cast %add3A_283 : i32 to index
        %swap3A_289 = arith.constant 16 : index
        %swap3A_290 = tpu.vector_load %arg13[%swap3A_288, %swap3A_289] {strides = array<i32>} : memref<200x64xf32, #tpu.memory_space<vmem>>, vector<1x16xf32>,
        %swap3A_291 = vector.shape_cast %swap3A_290 : vector<1x16xf32> to vector<16xf32>
        %swap3A_292 = vector.shape_cast %get3A_287 : vector<16xf32> to vector<1x16xf32>
        tpu.vector_store %arg13[%swap3A_288, %swap3A_289], %swap3A_292 {add = true, strides = array<i32>} : memref<200x64xf32, #tpu.memory_space<vmem>>, vector<1x16xf32>,
        %mul3A_293 = arith.constant 2 : i32
        %mul3A_294 = arith.muli %mul3A_293, %scan3A_216 : i32
        %add3A_295 = arith.constant 1 : i32
        %add3A_296 = arith.addi %mul3A_294, %add3A_295 : i32
        %get3A_297 = arith.index_cast %scan3A_216 : i32 to index
        %get3A_298 = arith.constant 96 : index
        %get3A_299 = tpu.vector_load %arg6[%get3A_297, %get3A_298] {strides = array<i32>} : memref<100x128xf32, #tpu.memory_space<vmem>>, vector<1x16xf32>,
        %get3A_300 = vector.shape_cast %get3A_299 : vector<1x16xf32> to vector<16xf32>
        %swap3A_301 = arith.index_cast %add3A_296 : i32 to index
        %swap3A_302 = arith.constant 32 : index
        %swap3A_303 = tpu.vector_load %arg13[%swap3A_301, %swap3A_302] {strides = array<i32>} : memref<200x64xf32, #tpu.memory_space<vmem>>, vector<1x16xf32>,
        %swap3A_304 = vector.shape_cast %swap3A_303 : vector<1x16xf32> to vector<16xf32>
        %swap3A_305 = vector.shape_cast %get3A_300 : vector<16xf32> to vector<1x16xf32>
        tpu.vector_store %arg13[%swap3A_301, %swap3A_302], %swap3A_305 {add = true, strides = array<i32>} : memref<200x64xf32, #tpu.memory_space<vmem>>, vector<1x16xf32>,
        %mul3A_306 = arith.constant 2 : i32
        %mul3A_307 = arith.muli %mul3A_306, %scan3A_216 : i32
        %add3A_308 = arith.constant 1 : i32
        %add3A_309 = arith.addi %mul3A_307, %add3A_308 : i32
        %get3A_310 = arith.index_cast %scan3A_216 : i32 to index
        %get3A_311 = arith.constant 112 : index
        %get3A_312 = tpu.vector_load %arg6[%get3A_310, %get3A_311] {strides = array<i32>} : memref<100x128xf32, #tpu.memory_space<vmem>>, vector<1x16xf32>,
        %get3A_313 = vector.shape_cast %get3A_312 : vector<1x16xf32> to vector<16xf32>
        %swap3A_314 = arith.index_cast %add3A_309 : i32 to index
        %swap3A_315 = arith.constant 48 : index
        %swap3A_316 = tpu.vector_load %arg13[%swap3A_314, %swap3A_315] {strides = array<i32>} : memref<200x64xf32, #tpu.memory_space<vmem>>, vector<1x16xf32>,
        %swap3A_317 = vector.shape_cast %swap3A_316 : vector<1x16xf32> to vector<16xf32>
        %swap3A_318 = vector.shape_cast %get3A_313 : vector<16xf32> to vector<1x16xf32>
        tpu.vector_store %arg13[%swap3A_314, %swap3A_315], %swap3A_318 {add = true, strides = array<i32>} : memref<200x64xf32, #tpu.memory_space<vmem>>, vector<1x16xf32>,
        %scan3A_319 = arith.constant 1 : i32
        %scan3A_320 = arith.addi %scan3A_216, %scan3A_319 : i32
        %mul3A_321 = arith.constant 2 : i32
        %mul3A_322 = arith.muli %mul3A_321, %scan3A_320 : i32
        %add3A_323 = arith.constant 0 : i32
        %add3A_324 = arith.addi %mul3A_322, %add3A_323 : i32
        %get3A_325 = arith.index_cast %scan3A_320 : i32 to index
        %get3A_326 = arith.constant 0 : index
        %get3A_327 = tpu.vector_load %arg6[%get3A_325, %get3A_326] {strides = array<i32>} : memref<100x128xf32, #tpu.memory_space<vmem>>, vector<1x16xf32>,
        %get3A_328 = vector.shape_cast %get3A_327 : vector<1x16xf32> to vector<16xf32>
        %swap3A_329 = arith.index_cast %add3A_324 : i32 to index
        %swap3A_330 = arith.constant 0 : index
        %swap3A_331 = tpu.vector_load %arg13[%swap3A_329, %swap3A_330] {strides = array<i32>} : memref<200x64xf32, #tpu.memory_space<vmem>>, vector<1x16xf32>,
        %swap3A_332 = vector.shape_cast %swap3A_331 : vector<1x16xf32> to vector<16xf32>
        %swap3A_333 = vector.shape_cast %get3A_328 : vector<16xf32> to vector<1x16xf32>
        tpu.vector_store %arg13[%swap3A_329, %swap3A_330], %swap3A_333 {add = true, strides = array<i32>} : memref<200x64xf32, #tpu.memory_space<vmem>>, vector<1x16xf32>,
        %mul3A_334 = arith.constant 2 : i32
        %mul3A_335 = arith.muli %mul3A_334, %scan3A_320 : i32
        %add3A_336 = arith.constant 0 : i32
        %add3A_337 = arith.addi %mul3A_335, %add3A_336 : i32
        %get3A_338 = arith.index_cast %scan3A_320 : i32 to index
        %get3A_339 = arith.constant 16 : index
        %get3A_340 = tpu.vector_load %arg6[%get3A_338, %get3A_339] {strides = array<i32>} : memref<100x128xf32, #tpu.memory_space<vmem>>, vector<1x16xf32>,
        %get3A_341 = vector.shape_cast %get3A_340 : vector<1x16xf32> to vector<16xf32>
        %swap3A_342 = arith.index_cast %add3A_337 : i32 to index
        %swap3A_343 = arith.constant 16 : index
        %swap3A_344 = tpu.vector_load %arg13[%swap3A_342, %swap3A_343] {strides = array<i32>} : memref<200x64xf32, #tpu.memory_space<vmem>>, vector<1x16xf32>,
        %swap3A_345 = vector.shape_cast %swap3A_344 : vector<1x16xf32> to vector<16xf32>
        %swap3A_346 = vector.shape_cast %get3A_341 : vector<16xf32> to vector<1x16xf32>
        tpu.vector_store %arg13[%swap3A_342, %swap3A_343], %swap3A_346 {add = true, strides = array<i32>} : memref<200x64xf32, #tpu.memory_space<vmem>>, vector<1x16xf32>,
        %mul3A_347 = arith.constant 2 : i32
        %mul3A_348 = arith.muli %mul3A_347, %scan3A_320 : i32
        %add3A_349 = arith.constant 0 : i32
        %add3A_350 = arith.addi %mul3A_348, %add3A_349 : i32
        %get3A_351 = arith.index_cast %scan3A_320 : i32 to index
        %get3A_352 = arith.constant 32 : index
        %get3A_353 = tpu.vector_load %arg6[%get3A_351, %get3A_352] {strides = array<i32>} : memref<100x128xf32, #tpu.memory_space<vmem>>, vector<1x16xf32>,
        %get3A_354 = vector.shape_cast %get3A_353 : vector<1x16xf32> to vector<16xf32>
        %swap3A_355 = arith.index_cast %add3A_350 : i32 to index
        %swap3A_356 = arith.constant 32 : index
        %swap3A_357 = tpu.vector_load %arg13[%swap3A_355, %swap3A_356] {strides = array<i32>} : memref<200x64xf32, #tpu.memory_space<vmem>>, vector<1x16xf32>,
        %swap3A_358 = vector.shape_cast %swap3A_357 : vector<1x16xf32> to vector<16xf32>
        %swap3A_359 = vector.shape_cast %get3A_354 : vector<16xf32> to vector<1x16xf32>
        tpu.vector_store %arg13[%swap3A_355, %swap3A_356], %swap3A_359 {add = true, strides = array<i32>} : memref<200x64xf32, #tpu.memory_space<vmem>>, vector<1x16xf32>,
        %mul3A_360 = arith.constant 2 : i32
        %mul3A_361 = arith.muli %mul3A_360, %scan3A_320 : i32
        %add3A_362 = arith.constant 0 : i32
        %add3A_363 = arith.addi %mul3A_361, %add3A_362 : i32
        %get3A_364 = arith.index_cast %scan3A_320 : i32 to index
        %get3A_365 = arith.constant 48 : index
        %get3A_366 = tpu.vector_load %arg6[%get3A_364, %get3A_365] {strides = array<i32>} : memref<100x128xf32, #tpu.memory_space<vmem>>, vector<1x16xf32>,
        %get3A_367 = vector.shape_cast %get3A_366 : vector<1x16xf32> to vector<16xf32>
        %swap3A_368 = arith.index_cast %add3A_363 : i32 to index
        %swap3A_369 = arith.constant 48 : index
        %swap3A_370 = tpu.vector_load %arg13[%swap3A_368, %swap3A_369] {strides = array<i32>} : memref<200x64xf32, #tpu.memory_space<vmem>>, vector<1x16xf32>,
        %swap3A_371 = vector.shape_cast %swap3A_370 : vector<1x16xf32> to vector<16xf32>
        %swap3A_372 = vector.shape_cast %get3A_367 : vector<16xf32> to vector<1x16xf32>
        tpu.vector_store %arg13[%swap3A_368, %swap3A_369], %swap3A_372 {add = true, strides = array<i32>} : memref<200x64xf32, #tpu.memory_space<vmem>>, vector<1x16xf32>,
        %mul3A_373 = arith.constant 2 : i32
        %mul3A_374 = arith.muli %mul3A_373, %scan3A_320 : i32
        %add3A_375 = arith.constant 1 : i32
        %add3A_376 = arith.addi %mul3A_374, %add3A_375 : i32
        %get3A_377 = arith.index_cast %scan3A_320 : i32 to index
        %get3A_378 = arith.constant 64 : index
        %get3A_379 = tpu.vector_load %arg6[%get3A_377, %get3A_378] {strides = array<i32>} : memref<100x128xf32, #tpu.memory_space<vmem>>, vector<1x16xf32>,
        %get3A_380 = vector.shape_cast %get3A_379 : vector<1x16xf32> to vector<16xf32>
        %swap3A_381 = arith.index_cast %add3A_376 : i32 to index
        %swap3A_382 = arith.constant 0 : index
        %swap3A_383 = tpu.vector_load %arg13[%swap3A_381, %swap3A_382] {strides = array<i32>} : memref<200x64xf32, #tpu.memory_space<vmem>>, vector<1x16xf32>,
        %swap3A_384 = vector.shape_cast %swap3A_383 : vector<1x16xf32> to vector<16xf32>
        %swap3A_385 = vector.shape_cast %get3A_380 : vector<16xf32> to vector<1x16xf32>
        tpu.vector_store %arg13[%swap3A_381, %swap3A_382], %swap3A_385 {add = true, strides = array<i32>} : memref<200x64xf32, #tpu.memory_space<vmem>>, vector<1x16xf32>,
        %mul3A_386 = arith.constant 2 : i32
        %mul3A_387 = arith.muli %mul3A_386, %scan3A_320 : i32
        %add3A_388 = arith.constant 1 : i32
        %add3A_389 = arith.addi %mul3A_387, %add3A_388 : i32
        %get3A_390 = arith.index_cast %scan3A_320 : i32 to index
        %get3A_391 = arith.constant 80 : index
        %get3A_392 = tpu.vector_load %arg6[%get3A_390, %get3A_391] {strides = array<i32>} : memref<100x128xf32, #tpu.memory_space<vmem>>, vector<1x16xf32>,
        %get3A_393 = vector.shape_cast %get3A_392 : vector<1x16xf32> to vector<16xf32>
        %swap3A_394 = arith.index_cast %add3A_389 : i32 to index
        %swap3A_395 = arith.constant 16 : index
        %swap3A_396 = tpu.vector_load %arg13[%swap3A_394, %swap3A_395] {strides = array<i32>} : memref<200x64xf32, #tpu.memory_space<vmem>>, vector<1x16xf32>,
        %swap3A_397 = vector.shape_cast %swap3A_396 : vector<1x16xf32> to vector<16xf32>
        %swap3A_398 = vector.shape_cast %get3A_393 : vector<16xf32> to vector<1x16xf32>
        tpu.vector_store %arg13[%swap3A_394, %swap3A_395], %swap3A_398 {add = true, strides = array<i32>} : memref<200x64xf32, #tpu.memory_space<vmem>>, vector<1x16xf32>,
        %mul3A_399 = arith.constant 2 : i32
        %mul3A_400 = arith.muli %mul3A_399, %scan3A_320 : i32
        %add3A_401 = arith.constant 1 : i32
        %add3A_402 = arith.addi %mul3A_400, %add3A_401 : i32
        %get3A_403 = arith.index_cast %scan3A_320 : i32 to index
        %get3A_404 = arith.constant 96 : index
        %get3A_405 = tpu.vector_load %arg6[%get3A_403, %get3A_404] {strides = array<i32>} : memref<100x128xf32, #tpu.memory_space<vmem>>, vector<1x16xf32>,
        %get3A_406 = vector.shape_cast %get3A_405 : vector<1x16xf32> to vector<16xf32>
        %swap3A_407 = arith.index_cast %add3A_402 : i32 to index
        %swap3A_408 = arith.constant 32 : index
        %swap3A_409 = tpu.vector_load %arg13[%swap3A_407, %swap3A_408] {strides = array<i32>} : memref<200x64xf32, #tpu.memory_space<vmem>>, vector<1x16xf32>,
        %swap3A_410 = vector.shape_cast %swap3A_409 : vector<1x16xf32> to vector<16xf32>
        %swap3A_411 = vector.shape_cast %get3A_406 : vector<16xf32> to vector<1x16xf32>
        tpu.vector_store %arg13[%swap3A_407, %swap3A_408], %swap3A_411 {add = true, strides = array<i32>} : memref<200x64xf32, #tpu.memory_space<vmem>>, vector<1x16xf32>,
        %mul3A_412 = arith.constant 2 : i32
        %mul3A_413 = arith.muli %mul3A_412, %scan3A_320 : i32
        %add3A_414 = arith.constant 1 : i32
        %add3A_415 = arith.addi %mul3A_413, %add3A_414 : i32
        %get3A_416 = arith.index_cast %scan3A_320 : i32 to index
        %get3A_417 = arith.constant 112 : index
        %get3A_418 = tpu.vector_load %arg6[%get3A_416, %get3A_417] {strides = array<i32>} : memref<100x128xf32, #tpu.memory_space<vmem>>, vector<1x16xf32>,
        %get3A_419 = vector.shape_cast %get3A_418 : vector<1x16xf32> to vector<16xf32>
        %swap3A_420 = arith.index_cast %add3A_415 : i32 to index
        %swap3A_421 = arith.constant 48 : index
        %swap3A_422 = tpu.vector_load %arg13[%swap3A_420, %swap3A_421] {strides = array<i32>} : memref<200x64xf32, #tpu.memory_space<vmem>>, vector<1x16xf32>,
        %swap3A_423 = vector.shape_cast %swap3A_422 : vector<1x16xf32> to vector<16xf32>
        %swap3A_424 = vector.shape_cast %get3A_419 : vector<16xf32> to vector<1x16xf32>
        tpu.vector_store %arg13[%swap3A_420, %swap3A_421], %swap3A_424 {add = true, strides = array<i32>} : memref<200x64xf32, #tpu.memory_space<vmem>>, vector<1x16xf32>,
        %scan3A_425 = arith.constant 2 : i32
        %scan3A_426 = arith.addi %scan3A_216, %scan3A_425 : i32
        %mul3A_427 = arith.constant 2 : i32
        %mul3A_428 = arith.muli %mul3A_427, %scan3A_426 : i32
        %add3A_429 = arith.constant 0 : i32
        %add3A_430 = arith.addi %mul3A_428, %add3A_429 : i32
        %get3A_431 = arith.index_cast %scan3A_426 : i32 to index
        %get3A_432 = arith.constant 0 : index
        %get3A_433 = tpu.vector_load %arg6[%get3A_431, %get3A_432] {strides = array<i32>} : memref<100x128xf32, #tpu.memory_space<vmem>>, vector<1x16xf32>,
        %get3A_434 = vector.shape_cast %get3A_433 : vector<1x16xf32> to vector<16xf32>
        %swap3A_435 = arith.index_cast %add3A_430 : i32 to index
        %swap3A_436 = arith.constant 0 : index
        %swap3A_437 = tpu.vector_load %arg13[%swap3A_435, %swap3A_436] {strides = array<i32>} : memref<200x64xf32, #tpu.memory_space<vmem>>, vector<1x16xf32>,
        %swap3A_438 = vector.shape_cast %swap3A_437 : vector<1x16xf32> to vector<16xf32>
        %swap3A_439 = vector.shape_cast %get3A_434 : vector<16xf32> to vector<1x16xf32>
        tpu.vector_store %arg13[%swap3A_435, %swap3A_436], %swap3A_439 {add = true, strides = array<i32>} : memref<200x64xf32, #tpu.memory_space<vmem>>, vector<1x16xf32>,
        %mul3A_440 = arith.constant 2 : i32
        %mul3A_441 = arith.muli %mul3A_440, %scan3A_426 : i32
        %add3A_442 = arith.constant 0 : i32
        %add3A_443 = arith.addi %mul3A_441, %add3A_442 : i32
        %get3A_444 = arith.index_cast %scan3A_426 : i32 to index
        %get3A_445 = arith.constant 16 : index
        %get3A_446 = tpu.vector_load %arg6[%get3A_444, %get3A_445] {strides = array<i32>} : memref<100x128xf32, #tpu.memory_space<vmem>>, vector<1x16xf32>,
        %get3A_447 = vector.shape_cast %get3A_446 : vector<1x16xf32> to vector<16xf32>
        %swap3A_448 = arith.index_cast %add3A_443 : i32 to index
        %swap3A_449 = arith.constant 16 : index
        %swap3A_450 = tpu.vector_load %arg13[%swap3A_448, %swap3A_449] {strides = array<i32>} : memref<200x64xf32, #tpu.memory_space<vmem>>, vector<1x16xf32>,
        %swap3A_451 = vector.shape_cast %swap3A_450 : vector<1x16xf32> to vector<16xf32>
        %swap3A_452 = vector.shape_cast %get3A_447 : vector<16xf32> to vector<1x16xf32>
        tpu.vector_store %arg13[%swap3A_448, %swap3A_449], %swap3A_452 {add = true, strides = array<i32>} : memref<200x64xf32, #tpu.memory_space<vmem>>, vector<1x16xf32>,
        %mul3A_453 = arith.constant 2 : i32
        %mul3A_454 = arith.muli %mul3A_453, %scan3A_426 : i32
        %add3A_455 = arith.constant 0 : i32
        %add3A_456 = arith.addi %mul3A_454, %add3A_455 : i32
        %get3A_457 = arith.index_cast %scan3A_426 : i32 to index
        %get3A_458 = arith.constant 32 : index
        %get3A_459 = tpu.vector_load %arg6[%get3A_457, %get3A_458] {strides = array<i32>} : memref<100x128xf32, #tpu.memory_space<vmem>>, vector<1x16xf32>,
        %get3A_460 = vector.shape_cast %get3A_459 : vector<1x16xf32> to vector<16xf32>
        %swap3A_461 = arith.index_cast %add3A_456 : i32 to index
        %swap3A_462 = arith.constant 32 : index
        %swap3A_463 = tpu.vector_load %arg13[%swap3A_461, %swap3A_462] {strides = array<i32>} : memref<200x64xf32, #tpu.memory_space<vmem>>, vector<1x16xf32>,
        %swap3A_464 = vector.shape_cast %swap3A_463 : vector<1x16xf32> to vector<16xf32>
        %swap3A_465 = vector.shape_cast %get3A_460 : vector<16xf32> to vector<1x16xf32>
        tpu.vector_store %arg13[%swap3A_461, %swap3A_462], %swap3A_465 {add = true, strides = array<i32>} : memref<200x64xf32, #tpu.memory_space<vmem>>, vector<1x16xf32>,
        %mul3A_466 = arith.constant 2 : i32
        %mul3A_467 = arith.muli %mul3A_466, %scan3A_426 : i32
        %add3A_468 = arith.constant 0 : i32
        %add3A_469 = arith.addi %mul3A_467, %add3A_468 : i32
        %get3A_470 = arith.index_cast %scan3A_426 : i32 to index
        %get3A_471 = arith.constant 48 : index
        %get3A_472 = tpu.vector_load %arg6[%get3A_470, %get3A_471] {strides = array<i32>} : memref<100x128xf32, #tpu.memory_space<vmem>>, vector<1x16xf32>,
        %get3A_473 = vector.shape_cast %get3A_472 : vector<1x16xf32> to vector<16xf32>
        %swap3A_474 = arith.index_cast %add3A_469 : i32 to index
        %swap3A_475 = arith.constant 48 : index
        %swap3A_476 = tpu.vector_load %arg13[%swap3A_474, %swap3A_475] {strides = array<i32>} : memref<200x64xf32, #tpu.memory_space<vmem>>, vector<1x16xf32>,
        %swap3A_477 = vector.shape_cast %swap3A_476 : vector<1x16xf32> to vector<16xf32>
        %swap3A_478 = vector.shape_cast %get3A_473 : vector<16xf32> to vector<1x16xf32>
        tpu.vector_store %arg13[%swap3A_474, %swap3A_475], %swap3A_478 {add = true, strides = array<i32>} : memref<200x64xf32, #tpu.memory_space<vmem>>, vector<1x16xf32>,
        %mul3A_479 = arith.constant 2 : i32
        %mul3A_480 = arith.muli %mul3A_479, %scan3A_426 : i32
        %add3A_481 = arith.constant 1 : i32
        %add3A_482 = arith.addi %mul3A_480, %add3A_481 : i32
        %get3A_483 = arith.index_cast %scan3A_426 : i32 to index
        %get3A_484 = arith.constant 64 : index
        %get3A_485 = tpu.vector_load %arg6[%get3A_483, %get3A_484] {strides = array<i32>} : memref<100x128xf32, #tpu.memory_space<vmem>>, vector<1x16xf32>,
        %get3A_486 = vector.shape_cast %get3A_485 : vector<1x16xf32> to vector<16xf32>
        %swap3A_487 = arith.index_cast %add3A_482 : i32 to index
        %swap3A_488 = arith.constant 0 : index
        %swap3A_489 = tpu.vector_load %arg13[%swap3A_487, %swap3A_488] {strides = array<i32>} : memref<200x64xf32, #tpu.memory_space<vmem>>, vector<1x16xf32>,
        %swap3A_490 = vector.shape_cast %swap3A_489 : vector<1x16xf32> to vector<16xf32>
        %swap3A_491 = vector.shape_cast %get3A_486 : vector<16xf32> to vector<1x16xf32>
        tpu.vector_store %arg13[%swap3A_487, %swap3A_488], %swap3A_491 {add = true, strides = array<i32>} : memref<200x64xf32, #tpu.memory_space<vmem>>, vector<1x16xf32>,
        %mul3A_492 = arith.constant 2 : i32
        %mul3A_493 = arith.muli %mul3A_492, %scan3A_426 : i32
        %add3A_494 = arith.constant 1 : i32
        %add3A_495 = arith.addi %mul3A_493, %add3A_494 : i32
        %get3A_496 = arith.index_cast %scan3A_426 : i32 to index
        %get3A_497 = arith.constant 80 : index
        %get3A_498 = tpu.vector_load %arg6[%get3A_496, %get3A_497] {strides = array<i32>} : memref<100x128xf32, #tpu.memory_space<vmem>>, vector<1x16xf32>,
        %get3A_499 = vector.shape_cast %get3A_498 : vector<1x16xf32> to vector<16xf32>
        %swap3A_500 = arith.index_cast %add3A_495 : i32 to index
        %swap3A_501 = arith.constant 16 : index
        %swap3A_502 = tpu.vector_load %arg13[%swap3A_500, %swap3A_501] {strides = array<i32>} : memref<200x64xf32, #tpu.memory_space<vmem>>, vector<1x16xf32>,
        %swap3A_503 = vector.shape_cast %swap3A_502 : vector<1x16xf32> to vector<16xf32>
        %swap3A_504 = vector.shape_cast %get3A_499 : vector<16xf32> to vector<1x16xf32>
        tpu.vector_store %arg13[%swap3A_500, %swap3A_501], %swap3A_504 {add = true, strides = array<i32>} : memref<200x64xf32, #tpu.memory_space<vmem>>, vector<1x16xf32>,
        %mul3A_505 = arith.constant 2 : i32
        %mul3A_506 = arith.muli %mul3A_505, %scan3A_426 : i32
        %add3A_507 = arith.constant 1 : i32
        %add3A_508 = arith.addi %mul3A_506, %add3A_507 : i32
        %get3A_509 = arith.index_cast %scan3A_426 : i32 to index
        %get3A_510 = arith.constant 96 : index
        %get3A_511 = tpu.vector_load %arg6[%get3A_509, %get3A_510] {strides = array<i32>} : memref<100x128xf32, #tpu.memory_space<vmem>>, vector<1x16xf32>,
        %get3A_512 = vector.shape_cast %get3A_511 : vector<1x16xf32> to vector<16xf32>
        %swap3A_513 = arith.index_cast %add3A_508 : i32 to index
        %swap3A_514 = arith.constant 32 : index
        %swap3A_515 = tpu.vector_load %arg13[%swap3A_513, %swap3A_514] {strides = array<i32>} : memref<200x64xf32, #tpu.memory_space<vmem>>, vector<1x16xf32>,
        %swap3A_516 = vector.shape_cast %swap3A_515 : vector<1x16xf32> to vector<16xf32>
        %swap3A_517 = vector.shape_cast %get3A_512 : vector<16xf32> to vector<1x16xf32>
        tpu.vector_store %arg13[%swap3A_513, %swap3A_514], %swap3A_517 {add = true, strides = array<i32>} : memref<200x64xf32, #tpu.memory_space<vmem>>, vector<1x16xf32>,
        %mul3A_518 = arith.constant 2 : i32
        %mul3A_519 = arith.muli %mul3A_518, %scan3A_426 : i32
        %add3A_520 = arith.constant 1 : i32
        %add3A_521 = arith.addi %mul3A_519, %add3A_520 : i32
        %get3A_522 = arith.index_cast %scan3A_426 : i32 to index
        %get3A_523 = arith.constant 112 : index
        %get3A_524 = tpu.vector_load %arg6[%get3A_522, %get3A_523] {strides = array<i32>} : memref<100x128xf32, #tpu.memory_space<vmem>>, vector<1x16xf32>,
        %get3A_525 = vector.shape_cast %get3A_524 : vector<1x16xf32> to vector<16xf32>
        %swap3A_526 = arith.index_cast %add3A_521 : i32 to index
        %swap3A_527 = arith.constant 48 : index
        %swap3A_528 = tpu.vector_load %arg13[%swap3A_526, %swap3A_527] {strides = array<i32>} : memref<200x64xf32, #tpu.memory_space<vmem>>, vector<1x16xf32>,
        %swap3A_529 = vector.shape_cast %swap3A_528 : vector<1x16xf32> to vector<16xf32>
        %swap3A_530 = vector.shape_cast %get3A_525 : vector<16xf32> to vector<1x16xf32>
        tpu.vector_store %arg13[%swap3A_526, %swap3A_527], %swap3A_530 {add = true, strides = array<i32>} : memref<200x64xf32, #tpu.memory_space<vmem>>, vector<1x16xf32>,
        %scan3A_531 = arith.constant 3 : i32
        %scan3A_532 = arith.addi %scan3A_216, %scan3A_531 : i32
        %mul3A_533 = arith.constant 2 : i32
        %mul3A_534 = arith.muli %mul3A_533, %scan3A_532 : i32
        %add3A_535 = arith.constant 0 : i32
        %add3A_536 = arith.addi %mul3A_534, %add3A_535 : i32
        %get3A_537 = arith.index_cast %scan3A_532 : i32 to index
        %get3A_538 = arith.constant 0 : index
        %get3A_539 = tpu.vector_load %arg6[%get3A_537, %get3A_538] {strides = array<i32>} : memref<100x128xf32, #tpu.memory_space<vmem>>, vector<1x16xf32>,
        %get3A_540 = vector.shape_cast %get3A_539 : vector<1x16xf32> to vector<16xf32>
        %swap3A_541 = arith.index_cast %add3A_536 : i32 to index
        %swap3A_542 = arith.constant 0 : index
        %swap3A_543 = tpu.vector_load %arg13[%swap3A_541, %swap3A_542] {strides = array<i32>} : memref<200x64xf32, #tpu.memory_space<vmem>>, vector<1x16xf32>,
        %swap3A_544 = vector.shape_cast %swap3A_543 : vector<1x16xf32> to vector<16xf32>
        %swap3A_545 = vector.shape_cast %get3A_540 : vector<16xf32> to vector<1x16xf32>
        tpu.vector_store %arg13[%swap3A_541, %swap3A_542], %swap3A_545 {add = true, strides = array<i32>} : memref<200x64xf32, #tpu.memory_space<vmem>>, vector<1x16xf32>,
        %mul3A_546 = arith.constant 2 : i32
        %mul3A_547 = arith.muli %mul3A_546, %scan3A_532 : i32
        %add3A_548 = arith.constant 0 : i32
        %add3A_549 = arith.addi %mul3A_547, %add3A_548 : i32
        %get3A_550 = arith.index_cast %scan3A_532 : i32 to index
        %get3A_551 = arith.constant 16 : index
        %get3A_552 = tpu.vector_load %arg6[%get3A_550, %get3A_551] {strides = array<i32>} : memref<100x128xf32, #tpu.memory_space<vmem>>, vector<1x16xf32>,
        %get3A_553 = vector.shape_cast %get3A_552 : vector<1x16xf32> to vector<16xf32>
        %swap3A_554 = arith.index_cast %add3A_549 : i32 to index
        %swap3A_555 = arith.constant 16 : index
        %swap3A_556 = tpu.vector_load %arg13[%swap3A_554, %swap3A_555] {strides = array<i32>} : memref<200x64xf32, #tpu.memory_space<vmem>>, vector<1x16xf32>,
        %swap3A_557 = vector.shape_cast %swap3A_556 : vector<1x16xf32> to vector<16xf32>
        %swap3A_558 = vector.shape_cast %get3A_553 : vector<16xf32> to vector<1x16xf32>
        tpu.vector_store %arg13[%swap3A_554, %swap3A_555], %swap3A_558 {add = true, strides = array<i32>} : memref<200x64xf32, #tpu.memory_space<vmem>>, vector<1x16xf32>,
        %mul3A_559 = arith.constant 2 : i32
        %mul3A_560 = arith.muli %mul3A_559, %scan3A_532 : i32
        %add3A_561 = arith.constant 0 : i32
        %add3A_562 = arith.addi %mul3A_560, %add3A_561 : i32
        %get3A_563 = arith.index_cast %scan3A_532 : i32 to index
        %get3A_564 = arith.constant 32 : index
        %get3A_565 = tpu.vector_load %arg6[%get3A_563, %get3A_564] {strides = array<i32>} : memref<100x128xf32, #tpu.memory_space<vmem>>, vector<1x16xf32>,
        %get3A_566 = vector.shape_cast %get3A_565 : vector<1x16xf32> to vector<16xf32>
        %swap3A_567 = arith.index_cast %add3A_562 : i32 to index
        %swap3A_568 = arith.constant 32 : index
        %swap3A_569 = tpu.vector_load %arg13[%swap3A_567, %swap3A_568] {strides = array<i32>} : memref<200x64xf32, #tpu.memory_space<vmem>>, vector<1x16xf32>,
        %swap3A_570 = vector.shape_cast %swap3A_569 : vector<1x16xf32> to vector<16xf32>
        %swap3A_571 = vector.shape_cast %get3A_566 : vector<16xf32> to vector<1x16xf32>
        tpu.vector_store %arg13[%swap3A_567, %swap3A_568], %swap3A_571 {add = true, strides = array<i32>} : memref<200x64xf32, #tpu.memory_space<vmem>>, vector<1x16xf32>,
        %mul3A_572 = arith.constant 2 : i32
        %mul3A_573 = arith.muli %mul3A_572, %scan3A_532 : i32
        %add3A_574 = arith.constant 0 : i32
        %add3A_575 = arith.addi %mul3A_573, %add3A_574 : i32
        %get3A_576 = arith.index_cast %scan3A_532 : i32 to index
        %get3A_577 = arith.constant 48 : index
        %get3A_578 = tpu.vector_load %arg6[%get3A_576, %get3A_577] {strides = array<i32>} : memref<100x128xf32, #tpu.memory_space<vmem>>, vector<1x16xf32>,
        %get3A_579 = vector.shape_cast %get3A_578 : vector<1x16xf32> to vector<16xf32>
        %swap3A_580 = arith.index_cast %add3A_575 : i32 to index
        %swap3A_581 = arith.constant 48 : index
        %swap3A_582 = tpu.vector_load %arg13[%swap3A_580, %swap3A_581] {strides = array<i32>} : memref<200x64xf32, #tpu.memory_space<vmem>>, vector<1x16xf32>,
        %swap3A_583 = vector.shape_cast %swap3A_582 : vector<1x16xf32> to vector<16xf32>
        %swap3A_584 = vector.shape_cast %get3A_579 : vector<16xf32> to vector<1x16xf32>
        tpu.vector_store %arg13[%swap3A_580, %swap3A_581], %swap3A_584 {add = true, strides = array<i32>} : memref<200x64xf32, #tpu.memory_space<vmem>>, vector<1x16xf32>,
        %mul3A_585 = arith.constant 2 : i32
        %mul3A_586 = arith.muli %mul3A_585, %scan3A_532 : i32
        %add3A_587 = arith.constant 1 : i32
        %add3A_588 = arith.addi %mul3A_586, %add3A_587 : i32
        %get3A_589 = arith.index_cast %scan3A_532 : i32 to index
        %get3A_590 = arith.constant 64 : index
        %get3A_591 = tpu.vector_load %arg6[%get3A_589, %get3A_590] {strides = array<i32>} : memref<100x128xf32, #tpu.memory_space<vmem>>, vector<1x16xf32>,
        %get3A_592 = vector.shape_cast %get3A_591 : vector<1x16xf32> to vector<16xf32>
        %swap3A_593 = arith.index_cast %add3A_588 : i32 to index
        %swap3A_594 = arith.constant 0 : index
        %swap3A_595 = tpu.vector_load %arg13[%swap3A_593, %swap3A_594] {strides = array<i32>} : memref<200x64xf32, #tpu.memory_space<vmem>>, vector<1x16xf32>,
        %swap3A_596 = vector.shape_cast %swap3A_595 : vector<1x16xf32> to vector<16xf32>
        %swap3A_597 = vector.shape_cast %get3A_592 : vector<16xf32> to vector<1x16xf32>
        tpu.vector_store %arg13[%swap3A_593, %swap3A_594], %swap3A_597 {add = true, strides = array<i32>} : memref<200x64xf32, #tpu.memory_space<vmem>>, vector<1x16xf32>,
        %mul3A_598 = arith.constant 2 : i32
        %mul3A_599 = arith.muli %mul3A_598, %scan3A_532 : i32
        %add3A_600 = arith.constant 1 : i32
        %add3A_601 = arith.addi %mul3A_599, %add3A_600 : i32
        %get3A_602 = arith.index_cast %scan3A_532 : i32 to index
        %get3A_603 = arith.constant 80 : index
        %get3A_604 = tpu.vector_load %arg6[%get3A_602, %get3A_603] {strides = array<i32>} : memref<100x128xf32, #tpu.memory_space<vmem>>, vector<1x16xf32>,
        %get3A_605 = vector.shape_cast %get3A_604 : vector<1x16xf32> to vector<16xf32>
        %swap3A_606 = arith.index_cast %add3A_601 : i32 to index
        %swap3A_607 = arith.constant 16 : index
        %swap3A_608 = tpu.vector_load %arg13[%swap3A_606, %swap3A_607] {strides = array<i32>} : memref<200x64xf32, #tpu.memory_space<vmem>>, vector<1x16xf32>,
        %swap3A_609 = vector.shape_cast %swap3A_608 : vector<1x16xf32> to vector<16xf32>
        %swap3A_610 = vector.shape_cast %get3A_605 : vector<16xf32> to vector<1x16xf32>
        tpu.vector_store %arg13[%swap3A_606, %swap3A_607], %swap3A_610 {add = true, strides = array<i32>} : memref<200x64xf32, #tpu.memory_space<vmem>>, vector<1x16xf32>,
        %mul3A_611 = arith.constant 2 : i32
        %mul3A_612 = arith.muli %mul3A_611, %scan3A_532 : i32
        %add3A_613 = arith.constant 1 : i32
        %add3A_614 = arith.addi %mul3A_612, %add3A_613 : i32
        %get3A_615 = arith.index_cast %scan3A_532 : i32 to index
        %get3A_616 = arith.constant 96 : index
        %get3A_617 = tpu.vector_load %arg6[%get3A_615, %get3A_616] {strides = array<i32>} : memref<100x128xf32, #tpu.memory_space<vmem>>, vector<1x16xf32>,
        %get3A_618 = vector.shape_cast %get3A_617 : vector<1x16xf32> to vector<16xf32>
        %swap3A_619 = arith.index_cast %add3A_614 : i32 to index
        %swap3A_620 = arith.constant 32 : index
        %swap3A_621 = tpu.vector_load %arg13[%swap3A_619, %swap3A_620] {strides = array<i32>} : memref<200x64xf32, #tpu.memory_space<vmem>>, vector<1x16xf32>,
        %swap3A_622 = vector.shape_cast %swap3A_621 : vector<1x16xf32> to vector<16xf32>
        %swap3A_623 = vector.shape_cast %get3A_618 : vector<16xf32> to vector<1x16xf32>
        tpu.vector_store %arg13[%swap3A_619, %swap3A_620], %swap3A_623 {add = true, strides = array<i32>} : memref<200x64xf32, #tpu.memory_space<vmem>>, vector<1x16xf32>,
        %mul3A_624 = arith.constant 2 : i32
        %mul3A_625 = arith.muli %mul3A_624, %scan3A_532 : i32
        %add3A_626 = arith.constant 1 : i32
        %add3A_627 = arith.addi %mul3A_625, %add3A_626 : i32
        %get3A_628 = arith.index_cast %scan3A_532 : i32 to index
        %get3A_629 = arith.constant 112 : index
        %get3A_630 = tpu.vector_load %arg6[%get3A_628, %get3A_629] {strides = array<i32>} : memref<100x128xf32, #tpu.memory_space<vmem>>, vector<1x16xf32>,
        %get3A_631 = vector.shape_cast %get3A_630 : vector<1x16xf32> to vector<16xf32>
        %swap3A_632 = arith.index_cast %add3A_627 : i32 to index
        %swap3A_633 = arith.constant 48 : index
        %swap3A_634 = tpu.vector_load %arg13[%swap3A_632, %swap3A_633] {strides = array<i32>} : memref<200x64xf32, #tpu.memory_space<vmem>>, vector<1x16xf32>,
        %swap3A_635 = vector.shape_cast %swap3A_634 : vector<1x16xf32> to vector<16xf32>
        %swap3A_636 = vector.shape_cast %get3A_631 : vector<16xf32> to vector<1x16xf32>
        tpu.vector_store %arg13[%swap3A_632, %swap3A_633], %swap3A_636 {add = true, strides = array<i32>} : memref<200x64xf32, #tpu.memory_space<vmem>>, vector<1x16xf32>,
      }
      %scan3A_166 = arith.constant 100 : i32
      %add3A_167 = arith.addi %mul3A_2, %add3A_139 : i32
      %dma_start3A_168 = arith.constant 0 : i32
      %dma_start3A_169 = arith.constant 0 : i32
      %dma_start3A_170 = tpu.memref_slice %arg5[%add3A_167, %dma_start3A_168, %dma_start3A_169] : memref<4096x200x64xf32, #tpu.memory_space<hbm>> -> memref<1x200x64xf32, #tpu.memory_space<hbm>>
      %dma_start3A_171 = tpu.memref_squeeze %dma_start3A_170 : memref<1x200x64xf32, #tpu.memory_space<hbm>> -> memref<200x64xf32, #tpu.memory_space<hbm>>
      %dma_start3A_172 = arith.constant 0 : i32
      %dma_start3A_173 = arith.constant 0 : i32
      %dma_start3A_174 = tpu.memref_slice %arg5[%add3A_167, %dma_start3A_172, %dma_start3A_173] : memref<4096x200x64xf32, #tpu.memory_space<hbm>> -> memref<1x200x64xf32, #tpu.memory_space<hbm>>
      %dma_start3A_175 = tpu.memref_squeeze %dma_start3A_174 : memref<1x200x64xf32, #tpu.memory_space<hbm>> -> memref<200x64xf32, #tpu.memory_space<hbm>>
      tpu.enqueue_dma source(%arg13 : memref<200x64xf32, #tpu.memory_space<vmem>>) target(%dma_start3A_175 : memref<200x64xf32, #tpu.memory_space<hbm>>) target_semaphore(%arg25 : memref<!tpu.dma_semaphore, #tpu.memory_space<semaphore_mem>>)
      %mul3A_176 = arith.constant 4 : i32
      %mul3A_177 = arith.muli %scan3A_59, %mul3A_176 : i32
      %add3A_178 = arith.constant 3 : i32
      %add3A_179 = arith.addi %mul3A_177, %add3A_178 : i32
      %dma_wait3A_180 = arith.constant 0 : i32
      %dma_wait3A_181 = arith.constant 0 : i32
      %dma_wait3A_182 = tpu.memref_slice %arg3[%dma_wait3A_180, %dma_wait3A_181] : memref<100000x64xf32, #tpu.memory_space<hbm>> -> memref<100000x64xf32, #tpu.memory_space<hbm>>
      tpu.wait_indirect_dma semaphore(%arg22 : memref<!tpu.dma_semaphore, #tpu.memory_space<semaphore_mem>>) src(%dma_wait3A_182 : memref<100000x64xf32, #tpu.memory_space<hbm>>) dst(%arg14 : memref<200x64xf32, #tpu.memory_space<vmem>>)
      %add3A_183 = arith.constant 4 : i32
      %add3A_184 = arith.addi %add3A_179, %add3A_183 : i32
      %lt3A_185 = arith.constant 128 : i32
      %lt3A_186 = arith.cmpi slt, %add3A_184, %lt3A_185 : i32
      %convert_element_type3A_187 = arith.extui %lt3A_186 : i1 to i32
      %cond3A_188 = arith.constant 0 : i32
      %cond3A_189 = arith.cmpi ne, %convert_element_type3A_187, %cond3A_188 : i32
      scf.if %cond3A_189 {
        %add3A_216 = arith.constant 4 : i32
        %add3A_217 = arith.addi %add3A_179, %add3A_216 : i32
        %add3A_218 = arith.addi %mul3A_2, %add3A_217 : i32
        %mul3A_219 = arith.constant 200 : i32
        %mul3A_220 = arith.muli %add3A_218, %mul3A_219 : i32
        %dma_start3A_221 = tpu.memref_slice %arg2[%mul3A_220] : memref<819200xi32, #tpu.memory_space<hbm>> -> memref<200xi32, #tpu.memory_space<hbm>>
        %dma_start3A_222 = tpu.memref_slice %arg2[%mul3A_220] : memref<819200xi32, #tpu.memory_space<hbm>> -> memref<200xi32, #tpu.memory_space<hbm>>
        tpu.enqueue_dma source(%dma_start3A_222 : memref<200xi32, #tpu.memory_space<hbm>>) target(%arg10 : memref<200xi32, #tpu.memory_space<vmem>>) target_semaphore(%arg18 : memref<!tpu.dma_semaphore, #tpu.memory_space<semaphore_mem>>)
      } else {
      }
      %ge3A_190 = arith.constant 2 : i32
      %ge3A_191 = arith.cmpi sge, %add3A_179, %ge3A_190 : i32
      %convert_element_type3A_192 = arith.extui %ge3A_191 : i1 to i32
      %cond3A_193 = arith.constant 0 : i32
      %cond3A_194 = arith.cmpi ne, %convert_element_type3A_192, %cond3A_193 : i32
      scf.if %cond3A_194 {
        %dma_wait3A_216 = arith.constant 0 : i32
        %dma_wait3A_217 = arith.constant 0 : i32
        %dma_wait3A_218 = tpu.memref_slice %arg5[%mul3A_2, %dma_wait3A_216, %dma_wait3A_217] : memref<4096x200x64xf32, #tpu.memory_space<hbm>> -> memref<1x200x64xf32, #tpu.memory_space<hbm>>
        %dma_wait3A_219 = tpu.memref_squeeze %dma_wait3A_218 : memref<1x200x64xf32, #tpu.memory_space<hbm>> -> memref<200x64xf32, #tpu.memory_space<hbm>>
        %dma_wait3A_220 = arith.constant 0 : i32
        %dma_wait3A_221 = arith.constant 0 : i32
        %dma_wait3A_222 = tpu.memref_slice %arg5[%mul3A_2, %dma_wait3A_220, %dma_wait3A_221] : memref<4096x200x64xf32, #tpu.memory_space<hbm>> -> memref<1x200x64xf32, #tpu.memory_space<hbm>>
        %dma_wait3A_223 = tpu.memref_squeeze %dma_wait3A_222 : memref<1x200x64xf32, #tpu.memory_space<hbm>> -> memref<200x64xf32, #tpu.memory_space<hbm>>
        tpu.wait_dma2 semaphore(%arg24 : memref<!tpu.dma_semaphore, #tpu.memory_space<semaphore_mem>>) src(%arg12 : memref<200x64xf32, #tpu.memory_space<vmem>>) dst(%dma_wait3A_223 : memref<200x64xf32, #tpu.memory_space<hbm>>)
      } else {
      }
      %add3A_195 = arith.constant 2 : i32
      %add3A_196 = arith.addi %add3A_179, %add3A_195 : i32
      %lt3A_197 = arith.constant 128 : i32
      %lt3A_198 = arith.cmpi slt, %add3A_196, %lt3A_197 : i32
      %convert_element_type3A_199 = arith.extui %lt3A_198 : i1 to i32
      %cond3A_200 = arith.constant 0 : i32
      %cond3A_201 = arith.cmpi ne, %convert_element_type3A_199, %cond3A_200 : i32
      scf.if %cond3A_201 {
        %dma_wait3A_216 = arith.constant 0 : i32
        %dma_wait3A_217 = tpu.memref_slice %arg2[%dma_wait3A_216] : memref<819200xi32, #tpu.memory_space<hbm>> -> memref<200xi32, #tpu.memory_space<hbm>>
        %dma_wait3A_218 = arith.constant 0 : i32
        %dma_wait3A_219 = tpu.memref_slice %arg2[%dma_wait3A_218] : memref<819200xi32, #tpu.memory_space<hbm>> -> memref<200xi32, #tpu.memory_space<hbm>>
        tpu.wait_dma2 semaphore(%arg16 : memref<!tpu.dma_semaphore, #tpu.memory_space<semaphore_mem>>) src(%dma_wait3A_219 : memref<200xi32, #tpu.memory_space<hbm>>) dst(%arg8 : memref<200xi32, #tpu.memory_space<vmem>>)
        %dma_start3A_220 = arith.constant 0 : i32
        %dma_start3A_221 = arith.constant 0 : i32
        %dma_start3A_222 = tpu.memref_slice %arg3[%dma_start3A_220, %dma_start3A_221] : memref<100000x64xf32, #tpu.memory_space<hbm>> -> memref<100000x64xf32, #tpu.memory_space<hbm>>
        tpu.enqueue_indirect_dma source(%dma_start3A_222 : memref<100000x64xf32, #tpu.memory_space<hbm>>) target(%arg12 : memref<200x64xf32, #tpu.memory_space<vmem>>) offsets(%arg8 : memref<200xi32, #tpu.memory_space<vmem>>) semaphore(%arg20 : memref<!tpu.dma_semaphore, #tpu.memory_space<semaphore_mem>>)
      } else {
      }
      %scan3A_202 = arith.constant 0 : i32
      %scan3A_203 = arith.constant 100 : i32
      %scan3A_204 = arith.addi %scan3A_202, %scan3A_203 : i32
      %scan3A_205 = arith.constant 4 : i32
      scf.for %scan3A_216 = %scan3A_202 to %scan3A_204 step %scan3A_205  : i32 {
        %mul3A_217 = arith.constant 2 : i32
        %mul3A_218 = arith.muli %mul3A_217, %scan3A_216 : i32
        %add3A_219 = arith.constant 0 : i32
        %add3A_220 = arith.addi %mul3A_218, %add3A_219 : i32
        %get3A = arith.index_cast %scan3A_216 : i32 to index
        %get3A_221 = arith.constant 0 : index
        %get3A_222 = tpu.vector_load %arg6[%get3A, %get3A_221] {strides = array<i32>} : memref<100x128xf32, #tpu.memory_space<vmem>>, vector<1x16xf32>,
        %get3A_223 = vector.shape_cast %get3A_222 : vector<1x16xf32> to vector<16xf32>
        %swap3A = arith.index_cast %add3A_220 : i32 to index
        %swap3A_224 = arith.constant 0 : index
        %swap3A_225 = tpu.vector_load %arg14[%swap3A, %swap3A_224] {strides = array<i32>} : memref<200x64xf32, #tpu.memory_space<vmem>>, vector<1x16xf32>,
        %swap3A_226 = vector.shape_cast %swap3A_225 : vector<1x16xf32> to vector<16xf32>
        %swap3A_227 = vector.shape_cast %get3A_223 : vector<16xf32> to vector<1x16xf32>
        tpu.vector_store %arg14[%swap3A, %swap3A_224], %swap3A_227 {add = true, strides = array<i32>} : memref<200x64xf32, #tpu.memory_space<vmem>>, vector<1x16xf32>,
        %mul3A_228 = arith.constant 2 : i32
        %mul3A_229 = arith.muli %mul3A_228, %scan3A_216 : i32
        %add3A_230 = arith.constant 0 : i32
        %add3A_231 = arith.addi %mul3A_229, %add3A_230 : i32
        %get3A_232 = arith.index_cast %scan3A_216 : i32 to index
        %get3A_233 = arith.constant 16 : index
        %get3A_234 = tpu.vector_load %arg6[%get3A_232, %get3A_233] {strides = array<i32>} : memref<100x128xf32, #tpu.memory_space<vmem>>, vector<1x16xf32>,
        %get3A_235 = vector.shape_cast %get3A_234 : vector<1x16xf32> to vector<16xf32>
        %swap3A_236 = arith.index_cast %add3A_231 : i32 to index
        %swap3A_237 = arith.constant 16 : index
        %swap3A_238 = tpu.vector_load %arg14[%swap3A_236, %swap3A_237] {strides = array<i32>} : memref<200x64xf32, #tpu.memory_space<vmem>>, vector<1x16xf32>,
        %swap3A_239 = vector.shape_cast %swap3A_238 : vector<1x16xf32> to vector<16xf32>
        %swap3A_240 = vector.shape_cast %get3A_235 : vector<16xf32> to vector<1x16xf32>
        tpu.vector_store %arg14[%swap3A_236, %swap3A_237], %swap3A_240 {add = true, strides = array<i32>} : memref<200x64xf32, #tpu.memory_space<vmem>>, vector<1x16xf32>,
        %mul3A_241 = arith.constant 2 : i32
        %mul3A_242 = arith.muli %mul3A_241, %scan3A_216 : i32
        %add3A_243 = arith.constant 0 : i32
        %add3A_244 = arith.addi %mul3A_242, %add3A_243 : i32
        %get3A_245 = arith.index_cast %scan3A_216 : i32 to index
        %get3A_246 = arith.constant 32 : index
        %get3A_247 = tpu.vector_load %arg6[%get3A_245, %get3A_246] {strides = array<i32>} : memref<100x128xf32, #tpu.memory_space<vmem>>, vector<1x16xf32>,
        %get3A_248 = vector.shape_cast %get3A_247 : vector<1x16xf32> to vector<16xf32>
        %swap3A_249 = arith.index_cast %add3A_244 : i32 to index
        %swap3A_250 = arith.constant 32 : index
        %swap3A_251 = tpu.vector_load %arg14[%swap3A_249, %swap3A_250] {strides = array<i32>} : memref<200x64xf32, #tpu.memory_space<vmem>>, vector<1x16xf32>,
        %swap3A_252 = vector.shape_cast %swap3A_251 : vector<1x16xf32> to vector<16xf32>
        %swap3A_253 = vector.shape_cast %get3A_248 : vector<16xf32> to vector<1x16xf32>
        tpu.vector_store %arg14[%swap3A_249, %swap3A_250], %swap3A_253 {add = true, strides = array<i32>} : memref<200x64xf32, #tpu.memory_space<vmem>>, vector<1x16xf32>,
        %mul3A_254 = arith.constant 2 : i32
        %mul3A_255 = arith.muli %mul3A_254, %scan3A_216 : i32
        %add3A_256 = arith.constant 0 : i32
        %add3A_257 = arith.addi %mul3A_255, %add3A_256 : i32
        %get3A_258 = arith.index_cast %scan3A_216 : i32 to index
        %get3A_259 = arith.constant 48 : index
        %get3A_260 = tpu.vector_load %arg6[%get3A_258, %get3A_259] {strides = array<i32>} : memref<100x128xf32, #tpu.memory_space<vmem>>, vector<1x16xf32>,
        %get3A_261 = vector.shape_cast %get3A_260 : vector<1x16xf32> to vector<16xf32>
        %swap3A_262 = arith.index_cast %add3A_257 : i32 to index
        %swap3A_263 = arith.constant 48 : index
        %swap3A_264 = tpu.vector_load %arg14[%swap3A_262, %swap3A_263] {strides = array<i32>} : memref<200x64xf32, #tpu.memory_space<vmem>>, vector<1x16xf32>,
        %swap3A_265 = vector.shape_cast %swap3A_264 : vector<1x16xf32> to vector<16xf32>
        %swap3A_266 = vector.shape_cast %get3A_261 : vector<16xf32> to vector<1x16xf32>
        tpu.vector_store %arg14[%swap3A_262, %swap3A_263], %swap3A_266 {add = true, strides = array<i32>} : memref<200x64xf32, #tpu.memory_space<vmem>>, vector<1x16xf32>,
        %mul3A_267 = arith.constant 2 : i32
        %mul3A_268 = arith.muli %mul3A_267, %scan3A_216 : i32
        %add3A_269 = arith.constant 1 : i32
        %add3A_270 = arith.addi %mul3A_268, %add3A_269 : i32
        %get3A_271 = arith.index_cast %scan3A_216 : i32 to index
        %get3A_272 = arith.constant 64 : index
        %get3A_273 = tpu.vector_load %arg6[%get3A_271, %get3A_272] {strides = array<i32>} : memref<100x128xf32, #tpu.memory_space<vmem>>, vector<1x16xf32>,
        %get3A_274 = vector.shape_cast %get3A_273 : vector<1x16xf32> to vector<16xf32>
        %swap3A_275 = arith.index_cast %add3A_270 : i32 to index
        %swap3A_276 = arith.constant 0 : index
        %swap3A_277 = tpu.vector_load %arg14[%swap3A_275, %swap3A_276] {strides = array<i32>} : memref<200x64xf32, #tpu.memory_space<vmem>>, vector<1x16xf32>,
        %swap3A_278 = vector.shape_cast %swap3A_277 : vector<1x16xf32> to vector<16xf32>
        %swap3A_279 = vector.shape_cast %get3A_274 : vector<16xf32> to vector<1x16xf32>
        tpu.vector_store %arg14[%swap3A_275, %swap3A_276], %swap3A_279 {add = true, strides = array<i32>} : memref<200x64xf32, #tpu.memory_space<vmem>>, vector<1x16xf32>,
        %mul3A_280 = arith.constant 2 : i32
        %mul3A_281 = arith.muli %mul3A_280, %scan3A_216 : i32
        %add3A_282 = arith.constant 1 : i32
        %add3A_283 = arith.addi %mul3A_281, %add3A_282 : i32
        %get3A_284 = arith.index_cast %scan3A_216 : i32 to index
        %get3A_285 = arith.constant 80 : index
        %get3A_286 = tpu.vector_load %arg6[%get3A_284, %get3A_285] {strides = array<i32>} : memref<100x128xf32, #tpu.memory_space<vmem>>, vector<1x16xf32>,
        %get3A_287 = vector.shape_cast %get3A_286 : vector<1x16xf32> to vector<16xf32>
        %swap3A_288 = arith.index_cast %add3A_283 : i32 to index
        %swap3A_289 = arith.constant 16 : index
        %swap3A_290 = tpu.vector_load %arg14[%swap3A_288, %swap3A_289] {strides = array<i32>} : memref<200x64xf32, #tpu.memory_space<vmem>>, vector<1x16xf32>,
        %swap3A_291 = vector.shape_cast %swap3A_290 : vector<1x16xf32> to vector<16xf32>
        %swap3A_292 = vector.shape_cast %get3A_287 : vector<16xf32> to vector<1x16xf32>
        tpu.vector_store %arg14[%swap3A_288, %swap3A_289], %swap3A_292 {add = true, strides = array<i32>} : memref<200x64xf32, #tpu.memory_space<vmem>>, vector<1x16xf32>,
        %mul3A_293 = arith.constant 2 : i32
        %mul3A_294 = arith.muli %mul3A_293, %scan3A_216 : i32
        %add3A_295 = arith.constant 1 : i32
        %add3A_296 = arith.addi %mul3A_294, %add3A_295 : i32
        %get3A_297 = arith.index_cast %scan3A_216 : i32 to index
        %get3A_298 = arith.constant 96 : index
        %get3A_299 = tpu.vector_load %arg6[%get3A_297, %get3A_298] {strides = array<i32>} : memref<100x128xf32, #tpu.memory_space<vmem>>, vector<1x16xf32>,
        %get3A_300 = vector.shape_cast %get3A_299 : vector<1x16xf32> to vector<16xf32>
        %swap3A_301 = arith.index_cast %add3A_296 : i32 to index
        %swap3A_302 = arith.constant 32 : index
        %swap3A_303 = tpu.vector_load %arg14[%swap3A_301, %swap3A_302] {strides = array<i32>} : memref<200x64xf32, #tpu.memory_space<vmem>>, vector<1x16xf32>,
        %swap3A_304 = vector.shape_cast %swap3A_303 : vector<1x16xf32> to vector<16xf32>
        %swap3A_305 = vector.shape_cast %get3A_300 : vector<16xf32> to vector<1x16xf32>
        tpu.vector_store %arg14[%swap3A_301, %swap3A_302], %swap3A_305 {add = true, strides = array<i32>} : memref<200x64xf32, #tpu.memory_space<vmem>>, vector<1x16xf32>,
        %mul3A_306 = arith.constant 2 : i32
        %mul3A_307 = arith.muli %mul3A_306, %scan3A_216 : i32
        %add3A_308 = arith.constant 1 : i32
        %add3A_309 = arith.addi %mul3A_307, %add3A_308 : i32
        %get3A_310 = arith.index_cast %scan3A_216 : i32 to index
        %get3A_311 = arith.constant 112 : index
        %get3A_312 = tpu.vector_load %arg6[%get3A_310, %get3A_311] {strides = array<i32>} : memref<100x128xf32, #tpu.memory_space<vmem>>, vector<1x16xf32>,
        %get3A_313 = vector.shape_cast %get3A_312 : vector<1x16xf32> to vector<16xf32>
        %swap3A_314 = arith.index_cast %add3A_309 : i32 to index
        %swap3A_315 = arith.constant 48 : index
        %swap3A_316 = tpu.vector_load %arg14[%swap3A_314, %swap3A_315] {strides = array<i32>} : memref<200x64xf32, #tpu.memory_space<vmem>>, vector<1x16xf32>,
        %swap3A_317 = vector.shape_cast %swap3A_316 : vector<1x16xf32> to vector<16xf32>
        %swap3A_318 = vector.shape_cast %get3A_313 : vector<16xf32> to vector<1x16xf32>
        tpu.vector_store %arg14[%swap3A_314, %swap3A_315], %swap3A_318 {add = true, strides = array<i32>} : memref<200x64xf32, #tpu.memory_space<vmem>>, vector<1x16xf32>,
        %scan3A_319 = arith.constant 1 : i32
        %scan3A_320 = arith.addi %scan3A_216, %scan3A_319 : i32
        %mul3A_321 = arith.constant 2 : i32
        %mul3A_322 = arith.muli %mul3A_321, %scan3A_320 : i32
        %add3A_323 = arith.constant 0 : i32
        %add3A_324 = arith.addi %mul3A_322, %add3A_323 : i32
        %get3A_325 = arith.index_cast %scan3A_320 : i32 to index
        %get3A_326 = arith.constant 0 : index
        %get3A_327 = tpu.vector_load %arg6[%get3A_325, %get3A_326] {strides = array<i32>} : memref<100x128xf32, #tpu.memory_space<vmem>>, vector<1x16xf32>,
        %get3A_328 = vector.shape_cast %get3A_327 : vector<1x16xf32> to vector<16xf32>
        %swap3A_329 = arith.index_cast %add3A_324 : i32 to index
        %swap3A_330 = arith.constant 0 : index
        %swap3A_331 = tpu.vector_load %arg14[%swap3A_329, %swap3A_330] {strides = array<i32>} : memref<200x64xf32, #tpu.memory_space<vmem>>, vector<1x16xf32>,
        %swap3A_332 = vector.shape_cast %swap3A_331 : vector<1x16xf32> to vector<16xf32>
        %swap3A_333 = vector.shape_cast %get3A_328 : vector<16xf32> to vector<1x16xf32>
        tpu.vector_store %arg14[%swap3A_329, %swap3A_330], %swap3A_333 {add = true, strides = array<i32>} : memref<200x64xf32, #tpu.memory_space<vmem>>, vector<1x16xf32>,
        %mul3A_334 = arith.constant 2 : i32
        %mul3A_335 = arith.muli %mul3A_334, %scan3A_320 : i32
        %add3A_336 = arith.constant 0 : i32
        %add3A_337 = arith.addi %mul3A_335, %add3A_336 : i32
        %get3A_338 = arith.index_cast %scan3A_320 : i32 to index
        %get3A_339 = arith.constant 16 : index
        %get3A_340 = tpu.vector_load %arg6[%get3A_338, %get3A_339] {strides = array<i32>} : memref<100x128xf32, #tpu.memory_space<vmem>>, vector<1x16xf32>,
        %get3A_341 = vector.shape_cast %get3A_340 : vector<1x16xf32> to vector<16xf32>
        %swap3A_342 = arith.index_cast %add3A_337 : i32 to index
        %swap3A_343 = arith.constant 16 : index
        %swap3A_344 = tpu.vector_load %arg14[%swap3A_342, %swap3A_343] {strides = array<i32>} : memref<200x64xf32, #tpu.memory_space<vmem>>, vector<1x16xf32>,
        %swap3A_345 = vector.shape_cast %swap3A_344 : vector<1x16xf32> to vector<16xf32>
        %swap3A_346 = vector.shape_cast %get3A_341 : vector<16xf32> to vector<1x16xf32>
        tpu.vector_store %arg14[%swap3A_342, %swap3A_343], %swap3A_346 {add = true, strides = array<i32>} : memref<200x64xf32, #tpu.memory_space<vmem>>, vector<1x16xf32>,
        %mul3A_347 = arith.constant 2 : i32
        %mul3A_348 = arith.muli %mul3A_347, %scan3A_320 : i32
        %add3A_349 = arith.constant 0 : i32
        %add3A_350 = arith.addi %mul3A_348, %add3A_349 : i32
        %get3A_351 = arith.index_cast %scan3A_320 : i32 to index
        %get3A_352 = arith.constant 32 : index
        %get3A_353 = tpu.vector_load %arg6[%get3A_351, %get3A_352] {strides = array<i32>} : memref<100x128xf32, #tpu.memory_space<vmem>>, vector<1x16xf32>,
        %get3A_354 = vector.shape_cast %get3A_353 : vector<1x16xf32> to vector<16xf32>
        %swap3A_355 = arith.index_cast %add3A_350 : i32 to index
        %swap3A_356 = arith.constant 32 : index
        %swap3A_357 = tpu.vector_load %arg14[%swap3A_355, %swap3A_356] {strides = array<i32>} : memref<200x64xf32, #tpu.memory_space<vmem>>, vector<1x16xf32>,
        %swap3A_358 = vector.shape_cast %swap3A_357 : vector<1x16xf32> to vector<16xf32>
        %swap3A_359 = vector.shape_cast %get3A_354 : vector<16xf32> to vector<1x16xf32>
        tpu.vector_store %arg14[%swap3A_355, %swap3A_356], %swap3A_359 {add = true, strides = array<i32>} : memref<200x64xf32, #tpu.memory_space<vmem>>, vector<1x16xf32>,
        %mul3A_360 = arith.constant 2 : i32
        %mul3A_361 = arith.muli %mul3A_360, %scan3A_320 : i32
        %add3A_362 = arith.constant 0 : i32
        %add3A_363 = arith.addi %mul3A_361, %add3A_362 : i32
        %get3A_364 = arith.index_cast %scan3A_320 : i32 to index
        %get3A_365 = arith.constant 48 : index
        %get3A_366 = tpu.vector_load %arg6[%get3A_364, %get3A_365] {strides = array<i32>} : memref<100x128xf32, #tpu.memory_space<vmem>>, vector<1x16xf32>,
        %get3A_367 = vector.shape_cast %get3A_366 : vector<1x16xf32> to vector<16xf32>
        %swap3A_368 = arith.index_cast %add3A_363 : i32 to index
        %swap3A_369 = arith.constant 48 : index
        %swap3A_370 = tpu.vector_load %arg14[%swap3A_368, %swap3A_369] {strides = array<i32>} : memref<200x64xf32, #tpu.memory_space<vmem>>, vector<1x16xf32>,
        %swap3A_371 = vector.shape_cast %swap3A_370 : vector<1x16xf32> to vector<16xf32>
        %swap3A_372 = vector.shape_cast %get3A_367 : vector<16xf32> to vector<1x16xf32>
        tpu.vector_store %arg14[%swap3A_368, %swap3A_369], %swap3A_372 {add = true, strides = array<i32>} : memref<200x64xf32, #tpu.memory_space<vmem>>, vector<1x16xf32>,
        %mul3A_373 = arith.constant 2 : i32
        %mul3A_374 = arith.muli %mul3A_373, %scan3A_320 : i32
        %add3A_375 = arith.constant 1 : i32
        %add3A_376 = arith.addi %mul3A_374, %add3A_375 : i32
        %get3A_377 = arith.index_cast %scan3A_320 : i32 to index
        %get3A_378 = arith.constant 64 : index
        %get3A_379 = tpu.vector_load %arg6[%get3A_377, %get3A_378] {strides = array<i32>} : memref<100x128xf32, #tpu.memory_space<vmem>>, vector<1x16xf32>,
        %get3A_380 = vector.shape_cast %get3A_379 : vector<1x16xf32> to vector<16xf32>
        %swap3A_381 = arith.index_cast %add3A_376 : i32 to index
        %swap3A_382 = arith.constant 0 : index
        %swap3A_383 = tpu.vector_load %arg14[%swap3A_381, %swap3A_382] {strides = array<i32>} : memref<200x64xf32, #tpu.memory_space<vmem>>, vector<1x16xf32>,
        %swap3A_384 = vector.shape_cast %swap3A_383 : vector<1x16xf32> to vector<16xf32>
        %swap3A_385 = vector.shape_cast %get3A_380 : vector<16xf32> to vector<1x16xf32>
        tpu.vector_store %arg14[%swap3A_381, %swap3A_382], %swap3A_385 {add = true, strides = array<i32>} : memref<200x64xf32, #tpu.memory_space<vmem>>, vector<1x16xf32>,
        %mul3A_386 = arith.constant 2 : i32
        %mul3A_387 = arith.muli %mul3A_386, %scan3A_320 : i32
        %add3A_388 = arith.constant 1 : i32
        %add3A_389 = arith.addi %mul3A_387, %add3A_388 : i32
        %get3A_390 = arith.index_cast %scan3A_320 : i32 to index
        %get3A_391 = arith.constant 80 : index
        %get3A_392 = tpu.vector_load %arg6[%get3A_390, %get3A_391] {strides = array<i32>} : memref<100x128xf32, #tpu.memory_space<vmem>>, vector<1x16xf32>,
        %get3A_393 = vector.shape_cast %get3A_392 : vector<1x16xf32> to vector<16xf32>
        %swap3A_394 = arith.index_cast %add3A_389 : i32 to index
        %swap3A_395 = arith.constant 16 : index
        %swap3A_396 = tpu.vector_load %arg14[%swap3A_394, %swap3A_395] {strides = array<i32>} : memref<200x64xf32, #tpu.memory_space<vmem>>, vector<1x16xf32>,
        %swap3A_397 = vector.shape_cast %swap3A_396 : vector<1x16xf32> to vector<16xf32>
        %swap3A_398 = vector.shape_cast %get3A_393 : vector<16xf32> to vector<1x16xf32>
        tpu.vector_store %arg14[%swap3A_394, %swap3A_395], %swap3A_398 {add = true, strides = array<i32>} : memref<200x64xf32, #tpu.memory_space<vmem>>, vector<1x16xf32>,
        %mul3A_399 = arith.constant 2 : i32
        %mul3A_400 = arith.muli %mul3A_399, %scan3A_320 : i32
        %add3A_401 = arith.constant 1 : i32
        %add3A_402 = arith.addi %mul3A_400, %add3A_401 : i32
        %get3A_403 = arith.index_cast %scan3A_320 : i32 to index
        %get3A_404 = arith.constant 96 : index
        %get3A_405 = tpu.vector_load %arg6[%get3A_403, %get3A_404] {strides = array<i32>} : memref<100x128xf32, #tpu.memory_space<vmem>>, vector<1x16xf32>,
        %get3A_406 = vector.shape_cast %get3A_405 : vector<1x16xf32> to vector<16xf32>
        %swap3A_407 = arith.index_cast %add3A_402 : i32 to index
        %swap3A_408 = arith.constant 32 : index
        %swap3A_409 = tpu.vector_load %arg14[%swap3A_407, %swap3A_408] {strides = array<i32>} : memref<200x64xf32, #tpu.memory_space<vmem>>, vector<1x16xf32>,
        %swap3A_410 = vector.shape_cast %swap3A_409 : vector<1x16xf32> to vector<16xf32>
        %swap3A_411 = vector.shape_cast %get3A_406 : vector<16xf32> to vector<1x16xf32>
        tpu.vector_store %arg14[%swap3A_407, %swap3A_408], %swap3A_411 {add = true, strides = array<i32>} : memref<200x64xf32, #tpu.memory_space<vmem>>, vector<1x16xf32>,
        %mul3A_412 = arith.constant 2 : i32
        %mul3A_413 = arith.muli %mul3A_412, %scan3A_320 : i32
        %add3A_414 = arith.constant 1 : i32
        %add3A_415 = arith.addi %mul3A_413, %add3A_414 : i32
        %get3A_416 = arith.index_cast %scan3A_320 : i32 to index
        %get3A_417 = arith.constant 112 : index
        %get3A_418 = tpu.vector_load %arg6[%get3A_416, %get3A_417] {strides = array<i32>} : memref<100x128xf32, #tpu.memory_space<vmem>>, vector<1x16xf32>,
        %get3A_419 = vector.shape_cast %get3A_418 : vector<1x16xf32> to vector<16xf32>
        %swap3A_420 = arith.index_cast %add3A_415 : i32 to index
        %swap3A_421 = arith.constant 48 : index
        %swap3A_422 = tpu.vector_load %arg14[%swap3A_420, %swap3A_421] {strides = array<i32>} : memref<200x64xf32, #tpu.memory_space<vmem>>, vector<1x16xf32>,
        %swap3A_423 = vector.shape_cast %swap3A_422 : vector<1x16xf32> to vector<16xf32>
        %swap3A_424 = vector.shape_cast %get3A_419 : vector<16xf32> to vector<1x16xf32>
        tpu.vector_store %arg14[%swap3A_420, %swap3A_421], %swap3A_424 {add = true, strides = array<i32>} : memref<200x64xf32, #tpu.memory_space<vmem>>, vector<1x16xf32>,
        %scan3A_425 = arith.constant 2 : i32
        %scan3A_426 = arith.addi %scan3A_216, %scan3A_425 : i32
        %mul3A_427 = arith.constant 2 : i32
        %mul3A_428 = arith.muli %mul3A_427, %scan3A_426 : i32
        %add3A_429 = arith.constant 0 : i32
        %add3A_430 = arith.addi %mul3A_428, %add3A_429 : i32
        %get3A_431 = arith.index_cast %scan3A_426 : i32 to index
        %get3A_432 = arith.constant 0 : index
        %get3A_433 = tpu.vector_load %arg6[%get3A_431, %get3A_432] {strides = array<i32>} : memref<100x128xf32, #tpu.memory_space<vmem>>, vector<1x16xf32>,
        %get3A_434 = vector.shape_cast %get3A_433 : vector<1x16xf32> to vector<16xf32>
        %swap3A_435 = arith.index_cast %add3A_430 : i32 to index
        %swap3A_436 = arith.constant 0 : index
        %swap3A_437 = tpu.vector_load %arg14[%swap3A_435, %swap3A_436] {strides = array<i32>} : memref<200x64xf32, #tpu.memory_space<vmem>>, vector<1x16xf32>,
        %swap3A_438 = vector.shape_cast %swap3A_437 : vector<1x16xf32> to vector<16xf32>
        %swap3A_439 = vector.shape_cast %get3A_434 : vector<16xf32> to vector<1x16xf32>
        tpu.vector_store %arg14[%swap3A_435, %swap3A_436], %swap3A_439 {add = true, strides = array<i32>} : memref<200x64xf32, #tpu.memory_space<vmem>>, vector<1x16xf32>,
        %mul3A_440 = arith.constant 2 : i32
        %mul3A_441 = arith.muli %mul3A_440, %scan3A_426 : i32
        %add3A_442 = arith.constant 0 : i32
        %add3A_443 = arith.addi %mul3A_441, %add3A_442 : i32
        %get3A_444 = arith.index_cast %scan3A_426 : i32 to index
        %get3A_445 = arith.constant 16 : index
        %get3A_446 = tpu.vector_load %arg6[%get3A_444, %get3A_445] {strides = array<i32>} : memref<100x128xf32, #tpu.memory_space<vmem>>, vector<1x16xf32>,
        %get3A_447 = vector.shape_cast %get3A_446 : vector<1x16xf32> to vector<16xf32>
        %swap3A_448 = arith.index_cast %add3A_443 : i32 to index
        %swap3A_449 = arith.constant 16 : index
        %swap3A_450 = tpu.vector_load %arg14[%swap3A_448, %swap3A_449] {strides = array<i32>} : memref<200x64xf32, #tpu.memory_space<vmem>>, vector<1x16xf32>,
        %swap3A_451 = vector.shape_cast %swap3A_450 : vector<1x16xf32> to vector<16xf32>
        %swap3A_452 = vector.shape_cast %get3A_447 : vector<16xf32> to vector<1x16xf32>
        tpu.vector_store %arg14[%swap3A_448, %swap3A_449], %swap3A_452 {add = true, strides = array<i32>} : memref<200x64xf32, #tpu.memory_space<vmem>>, vector<1x16xf32>,
        %mul3A_453 = arith.constant 2 : i32
        %mul3A_454 = arith.muli %mul3A_453, %scan3A_426 : i32
        %add3A_455 = arith.constant 0 : i32
        %add3A_456 = arith.addi %mul3A_454, %add3A_455 : i32
        %get3A_457 = arith.index_cast %scan3A_426 : i32 to index
        %get3A_458 = arith.constant 32 : index
        %get3A_459 = tpu.vector_load %arg6[%get3A_457, %get3A_458] {strides = array<i32>} : memref<100x128xf32, #tpu.memory_space<vmem>>, vector<1x16xf32>,
        %get3A_460 = vector.shape_cast %get3A_459 : vector<1x16xf32> to vector<16xf32>
        %swap3A_461 = arith.index_cast %add3A_456 : i32 to index
        %swap3A_462 = arith.constant 32 : index
        %swap3A_463 = tpu.vector_load %arg14[%swap3A_461, %swap3A_462] {strides = array<i32>} : memref<200x64xf32, #tpu.memory_space<vmem>>, vector<1x16xf32>,
        %swap3A_464 = vector.shape_cast %swap3A_463 : vector<1x16xf32> to vector<16xf32>
        %swap3A_465 = vector.shape_cast %get3A_460 : vector<16xf32> to vector<1x16xf32>
        tpu.vector_store %arg14[%swap3A_461, %swap3A_462], %swap3A_465 {add = true, strides = array<i32>} : memref<200x64xf32, #tpu.memory_space<vmem>>, vector<1x16xf32>,
        %mul3A_466 = arith.constant 2 : i32
        %mul3A_467 = arith.muli %mul3A_466, %scan3A_426 : i32
        %add3A_468 = arith.constant 0 : i32
        %add3A_469 = arith.addi %mul3A_467, %add3A_468 : i32
        %get3A_470 = arith.index_cast %scan3A_426 : i32 to index
        %get3A_471 = arith.constant 48 : index
        %get3A_472 = tpu.vector_load %arg6[%get3A_470, %get3A_471] {strides = array<i32>} : memref<100x128xf32, #tpu.memory_space<vmem>>, vector<1x16xf32>,
        %get3A_473 = vector.shape_cast %get3A_472 : vector<1x16xf32> to vector<16xf32>
        %swap3A_474 = arith.index_cast %add3A_469 : i32 to index
        %swap3A_475 = arith.constant 48 : index
        %swap3A_476 = tpu.vector_load %arg14[%swap3A_474, %swap3A_475] {strides = array<i32>} : memref<200x64xf32, #tpu.memory_space<vmem>>, vector<1x16xf32>,
        %swap3A_477 = vector.shape_cast %swap3A_476 : vector<1x16xf32> to vector<16xf32>
        %swap3A_478 = vector.shape_cast %get3A_473 : vector<16xf32> to vector<1x16xf32>
        tpu.vector_store %arg14[%swap3A_474, %swap3A_475], %swap3A_478 {add = true, strides = array<i32>} : memref<200x64xf32, #tpu.memory_space<vmem>>, vector<1x16xf32>,
        %mul3A_479 = arith.constant 2 : i32
        %mul3A_480 = arith.muli %mul3A_479, %scan3A_426 : i32
        %add3A_481 = arith.constant 1 : i32
        %add3A_482 = arith.addi %mul3A_480, %add3A_481 : i32
        %get3A_483 = arith.index_cast %scan3A_426 : i32 to index
        %get3A_484 = arith.constant 64 : index
        %get3A_485 = tpu.vector_load %arg6[%get3A_483, %get3A_484] {strides = array<i32>} : memref<100x128xf32, #tpu.memory_space<vmem>>, vector<1x16xf32>,
        %get3A_486 = vector.shape_cast %get3A_485 : vector<1x16xf32> to vector<16xf32>
        %swap3A_487 = arith.index_cast %add3A_482 : i32 to index
        %swap3A_488 = arith.constant 0 : index
        %swap3A_489 = tpu.vector_load %arg14[%swap3A_487, %swap3A_488] {strides = array<i32>} : memref<200x64xf32, #tpu.memory_space<vmem>>, vector<1x16xf32>,
        %swap3A_490 = vector.shape_cast %swap3A_489 : vector<1x16xf32> to vector<16xf32>
        %swap3A_491 = vector.shape_cast %get3A_486 : vector<16xf32> to vector<1x16xf32>
        tpu.vector_store %arg14[%swap3A_487, %swap3A_488], %swap3A_491 {add = true, strides = array<i32>} : memref<200x64xf32, #tpu.memory_space<vmem>>, vector<1x16xf32>,
        %mul3A_492 = arith.constant 2 : i32
        %mul3A_493 = arith.muli %mul3A_492, %scan3A_426 : i32
        %add3A_494 = arith.constant 1 : i32
        %add3A_495 = arith.addi %mul3A_493, %add3A_494 : i32
        %get3A_496 = arith.index_cast %scan3A_426 : i32 to index
        %get3A_497 = arith.constant 80 : index
        %get3A_498 = tpu.vector_load %arg6[%get3A_496, %get3A_497] {strides = array<i32>} : memref<100x128xf32, #tpu.memory_space<vmem>>, vector<1x16xf32>,
        %get3A_499 = vector.shape_cast %get3A_498 : vector<1x16xf32> to vector<16xf32>
        %swap3A_500 = arith.index_cast %add3A_495 : i32 to index
        %swap3A_501 = arith.constant 16 : index
        %swap3A_502 = tpu.vector_load %arg14[%swap3A_500, %swap3A_501] {strides = array<i32>} : memref<200x64xf32, #tpu.memory_space<vmem>>, vector<1x16xf32>,
        %swap3A_503 = vector.shape_cast %swap3A_502 : vector<1x16xf32> to vector<16xf32>
        %swap3A_504 = vector.shape_cast %get3A_499 : vector<16xf32> to vector<1x16xf32>
        tpu.vector_store %arg14[%swap3A_500, %swap3A_501], %swap3A_504 {add = true, strides = array<i32>} : memref<200x64xf32, #tpu.memory_space<vmem>>, vector<1x16xf32>,
        %mul3A_505 = arith.constant 2 : i32
        %mul3A_506 = arith.muli %mul3A_505, %scan3A_426 : i32
        %add3A_507 = arith.constant 1 : i32
        %add3A_508 = arith.addi %mul3A_506, %add3A_507 : i32
        %get3A_509 = arith.index_cast %scan3A_426 : i32 to index
        %get3A_510 = arith.constant 96 : index
        %get3A_511 = tpu.vector_load %arg6[%get3A_509, %get3A_510] {strides = array<i32>} : memref<100x128xf32, #tpu.memory_space<vmem>>, vector<1x16xf32>,
        %get3A_512 = vector.shape_cast %get3A_511 : vector<1x16xf32> to vector<16xf32>
        %swap3A_513 = arith.index_cast %add3A_508 : i32 to index
        %swap3A_514 = arith.constant 32 : index
        %swap3A_515 = tpu.vector_load %arg14[%swap3A_513, %swap3A_514] {strides = array<i32>} : memref<200x64xf32, #tpu.memory_space<vmem>>, vector<1x16xf32>,
        %swap3A_516 = vector.shape_cast %swap3A_515 : vector<1x16xf32> to vector<16xf32>
        %swap3A_517 = vector.shape_cast %get3A_512 : vector<16xf32> to vector<1x16xf32>
        tpu.vector_store %arg14[%swap3A_513, %swap3A_514], %swap3A_517 {add = true, strides = array<i32>} : memref<200x64xf32, #tpu.memory_space<vmem>>, vector<1x16xf32>,
        %mul3A_518 = arith.constant 2 : i32
        %mul3A_519 = arith.muli %mul3A_518, %scan3A_426 : i32
        %add3A_520 = arith.constant 1 : i32
        %add3A_521 = arith.addi %mul3A_519, %add3A_520 : i32
        %get3A_522 = arith.index_cast %scan3A_426 : i32 to index
        %get3A_523 = arith.constant 112 : index
        %get3A_524 = tpu.vector_load %arg6[%get3A_522, %get3A_523] {strides = array<i32>} : memref<100x128xf32, #tpu.memory_space<vmem>>, vector<1x16xf32>,
        %get3A_525 = vector.shape_cast %get3A_524 : vector<1x16xf32> to vector<16xf32>
        %swap3A_526 = arith.index_cast %add3A_521 : i32 to index
        %swap3A_527 = arith.constant 48 : index
        %swap3A_528 = tpu.vector_load %arg14[%swap3A_526, %swap3A_527] {strides = array<i32>} : memref<200x64xf32, #tpu.memory_space<vmem>>, vector<1x16xf32>,
        %swap3A_529 = vector.shape_cast %swap3A_528 : vector<1x16xf32> to vector<16xf32>
        %swap3A_530 = vector.shape_cast %get3A_525 : vector<16xf32> to vector<1x16xf32>
        tpu.vector_store %arg14[%swap3A_526, %swap3A_527], %swap3A_530 {add = true, strides = array<i32>} : memref<200x64xf32, #tpu.memory_space<vmem>>, vector<1x16xf32>,
        %scan3A_531 = arith.constant 3 : i32
        %scan3A_532 = arith.addi %scan3A_216, %scan3A_531 : i32
        %mul3A_533 = arith.constant 2 : i32
        %mul3A_534 = arith.muli %mul3A_533, %scan3A_532 : i32
        %add3A_535 = arith.constant 0 : i32
        %add3A_536 = arith.addi %mul3A_534, %add3A_535 : i32
        %get3A_537 = arith.index_cast %scan3A_532 : i32 to index
        %get3A_538 = arith.constant 0 : index
        %get3A_539 = tpu.vector_load %arg6[%get3A_537, %get3A_538] {strides = array<i32>} : memref<100x128xf32, #tpu.memory_space<vmem>>, vector<1x16xf32>,
        %get3A_540 = vector.shape_cast %get3A_539 : vector<1x16xf32> to vector<16xf32>
        %swap3A_541 = arith.index_cast %add3A_536 : i32 to index
        %swap3A_542 = arith.constant 0 : index
        %swap3A_543 = tpu.vector_load %arg14[%swap3A_541, %swap3A_542] {strides = array<i32>} : memref<200x64xf32, #tpu.memory_space<vmem>>, vector<1x16xf32>,
        %swap3A_544 = vector.shape_cast %swap3A_543 : vector<1x16xf32> to vector<16xf32>
        %swap3A_545 = vector.shape_cast %get3A_540 : vector<16xf32> to vector<1x16xf32>
        tpu.vector_store %arg14[%swap3A_541, %swap3A_542], %swap3A_545 {add = true, strides = array<i32>} : memref<200x64xf32, #tpu.memory_space<vmem>>, vector<1x16xf32>,
        %mul3A_546 = arith.constant 2 : i32
        %mul3A_547 = arith.muli %mul3A_546, %scan3A_532 : i32
        %add3A_548 = arith.constant 0 : i32
        %add3A_549 = arith.addi %mul3A_547, %add3A_548 : i32
        %get3A_550 = arith.index_cast %scan3A_532 : i32 to index
        %get3A_551 = arith.constant 16 : index
        %get3A_552 = tpu.vector_load %arg6[%get3A_550, %get3A_551] {strides = array<i32>} : memref<100x128xf32, #tpu.memory_space<vmem>>, vector<1x16xf32>,
        %get3A_553 = vector.shape_cast %get3A_552 : vector<1x16xf32> to vector<16xf32>
        %swap3A_554 = arith.index_cast %add3A_549 : i32 to index
        %swap3A_555 = arith.constant 16 : index
        %swap3A_556 = tpu.vector_load %arg14[%swap3A_554, %swap3A_555] {strides = array<i32>} : memref<200x64xf32, #tpu.memory_space<vmem>>, vector<1x16xf32>,
        %swap3A_557 = vector.shape_cast %swap3A_556 : vector<1x16xf32> to vector<16xf32>
        %swap3A_558 = vector.shape_cast %get3A_553 : vector<16xf32> to vector<1x16xf32>
        tpu.vector_store %arg14[%swap3A_554, %swap3A_555], %swap3A_558 {add = true, strides = array<i32>} : memref<200x64xf32, #tpu.memory_space<vmem>>, vector<1x16xf32>,
        %mul3A_559 = arith.constant 2 : i32
        %mul3A_560 = arith.muli %mul3A_559, %scan3A_532 : i32
        %add3A_561 = arith.constant 0 : i32
        %add3A_562 = arith.addi %mul3A_560, %add3A_561 : i32
        %get3A_563 = arith.index_cast %scan3A_532 : i32 to index
        %get3A_564 = arith.constant 32 : index
        %get3A_565 = tpu.vector_load %arg6[%get3A_563, %get3A_564] {strides = array<i32>} : memref<100x128xf32, #tpu.memory_space<vmem>>, vector<1x16xf32>,
        %get3A_566 = vector.shape_cast %get3A_565 : vector<1x16xf32> to vector<16xf32>
        %swap3A_567 = arith.index_cast %add3A_562 : i32 to index
        %swap3A_568 = arith.constant 32 : index
        %swap3A_569 = tpu.vector_load %arg14[%swap3A_567, %swap3A_568] {strides = array<i32>} : memref<200x64xf32, #tpu.memory_space<vmem>>, vector<1x16xf32>,
        %swap3A_570 = vector.shape_cast %swap3A_569 : vector<1x16xf32> to vector<16xf32>
        %swap3A_571 = vector.shape_cast %get3A_566 : vector<16xf32> to vector<1x16xf32>
        tpu.vector_store %arg14[%swap3A_567, %swap3A_568], %swap3A_571 {add = true, strides = array<i32>} : memref<200x64xf32, #tpu.memory_space<vmem>>, vector<1x16xf32>,
        %mul3A_572 = arith.constant 2 : i32
        %mul3A_573 = arith.muli %mul3A_572, %scan3A_532 : i32
        %add3A_574 = arith.constant 0 : i32
        %add3A_575 = arith.addi %mul3A_573, %add3A_574 : i32
        %get3A_576 = arith.index_cast %scan3A_532 : i32 to index
        %get3A_577 = arith.constant 48 : index
        %get3A_578 = tpu.vector_load %arg6[%get3A_576, %get3A_577] {strides = array<i32>} : memref<100x128xf32, #tpu.memory_space<vmem>>, vector<1x16xf32>,
        %get3A_579 = vector.shape_cast %get3A_578 : vector<1x16xf32> to vector<16xf32>
        %swap3A_580 = arith.index_cast %add3A_575 : i32 to index
        %swap3A_581 = arith.constant 48 : index
        %swap3A_582 = tpu.vector_load %arg14[%swap3A_580, %swap3A_581] {strides = array<i32>} : memref<200x64xf32, #tpu.memory_space<vmem>>, vector<1x16xf32>,
        %swap3A_583 = vector.shape_cast %swap3A_582 : vector<1x16xf32> to vector<16xf32>
        %swap3A_584 = vector.shape_cast %get3A_579 : vector<16xf32> to vector<1x16xf32>
        tpu.vector_store %arg14[%swap3A_580, %swap3A_581], %swap3A_584 {add = true, strides = array<i32>} : memref<200x64xf32, #tpu.memory_space<vmem>>, vector<1x16xf32>,
        %mul3A_585 = arith.constant 2 : i32
        %mul3A_586 = arith.muli %mul3A_585, %scan3A_532 : i32
        %add3A_587 = arith.constant 1 : i32
        %add3A_588 = arith.addi %mul3A_586, %add3A_587 : i32
        %get3A_589 = arith.index_cast %scan3A_532 : i32 to index
        %get3A_590 = arith.constant 64 : index
        %get3A_591 = tpu.vector_load %arg6[%get3A_589, %get3A_590] {strides = array<i32>} : memref<100x128xf32, #tpu.memory_space<vmem>>, vector<1x16xf32>,
        %get3A_592 = vector.shape_cast %get3A_591 : vector<1x16xf32> to vector<16xf32>
        %swap3A_593 = arith.index_cast %add3A_588 : i32 to index
        %swap3A_594 = arith.constant 0 : index
        %swap3A_595 = tpu.vector_load %arg14[%swap3A_593, %swap3A_594] {strides = array<i32>} : memref<200x64xf32, #tpu.memory_space<vmem>>, vector<1x16xf32>,
        %swap3A_596 = vector.shape_cast %swap3A_595 : vector<1x16xf32> to vector<16xf32>
        %swap3A_597 = vector.shape_cast %get3A_592 : vector<16xf32> to vector<1x16xf32>
        tpu.vector_store %arg14[%swap3A_593, %swap3A_594], %swap3A_597 {add = true, strides = array<i32>} : memref<200x64xf32, #tpu.memory_space<vmem>>, vector<1x16xf32>,
        %mul3A_598 = arith.constant 2 : i32
        %mul3A_599 = arith.muli %mul3A_598, %scan3A_532 : i32
        %add3A_600 = arith.constant 1 : i32
        %add3A_601 = arith.addi %mul3A_599, %add3A_600 : i32
        %get3A_602 = arith.index_cast %scan3A_532 : i32 to index
        %get3A_603 = arith.constant 80 : index
        %get3A_604 = tpu.vector_load %arg6[%get3A_602, %get3A_603] {strides = array<i32>} : memref<100x128xf32, #tpu.memory_space<vmem>>, vector<1x16xf32>,
        %get3A_605 = vector.shape_cast %get3A_604 : vector<1x16xf32> to vector<16xf32>
        %swap3A_606 = arith.index_cast %add3A_601 : i32 to index
        %swap3A_607 = arith.constant 16 : index
        %swap3A_608 = tpu.vector_load %arg14[%swap3A_606, %swap3A_607] {strides = array<i32>} : memref<200x64xf32, #tpu.memory_space<vmem>>, vector<1x16xf32>,
        %swap3A_609 = vector.shape_cast %swap3A_608 : vector<1x16xf32> to vector<16xf32>
        %swap3A_610 = vector.shape_cast %get3A_605 : vector<16xf32> to vector<1x16xf32>
        tpu.vector_store %arg14[%swap3A_606, %swap3A_607], %swap3A_610 {add = true, strides = array<i32>} : memref<200x64xf32, #tpu.memory_space<vmem>>, vector<1x16xf32>,
        %mul3A_611 = arith.constant 2 : i32
        %mul3A_612 = arith.muli %mul3A_611, %scan3A_532 : i32
        %add3A_613 = arith.constant 1 : i32
        %add3A_614 = arith.addi %mul3A_612, %add3A_613 : i32
        %get3A_615 = arith.index_cast %scan3A_532 : i32 to index
        %get3A_616 = arith.constant 96 : index
        %get3A_617 = tpu.vector_load %arg6[%get3A_615, %get3A_616] {strides = array<i32>} : memref<100x128xf32, #tpu.memory_space<vmem>>, vector<1x16xf32>,
        %get3A_618 = vector.shape_cast %get3A_617 : vector<1x16xf32> to vector<16xf32>
        %swap3A_619 = arith.index_cast %add3A_614 : i32 to index
        %swap3A_620 = arith.constant 32 : index
        %swap3A_621 = tpu.vector_load %arg14[%swap3A_619, %swap3A_620] {strides = array<i32>} : memref<200x64xf32, #tpu.memory_space<vmem>>, vector<1x16xf32>,
        %swap3A_622 = vector.shape_cast %swap3A_621 : vector<1x16xf32> to vector<16xf32>
        %swap3A_623 = vector.shape_cast %get3A_618 : vector<16xf32> to vector<1x16xf32>
        tpu.vector_store %arg14[%swap3A_619, %swap3A_620], %swap3A_623 {add = true, strides = array<i32>} : memref<200x64xf32, #tpu.memory_space<vmem>>, vector<1x16xf32>,
        %mul3A_624 = arith.constant 2 : i32
        %mul3A_625 = arith.muli %mul3A_624, %scan3A_532 : i32
        %add3A_626 = arith.constant 1 : i32
        %add3A_627 = arith.addi %mul3A_625, %add3A_626 : i32
        %get3A_628 = arith.index_cast %scan3A_532 : i32 to index
        %get3A_629 = arith.constant 112 : index
        %get3A_630 = tpu.vector_load %arg6[%get3A_628, %get3A_629] {strides = array<i32>} : memref<100x128xf32, #tpu.memory_space<vmem>>, vector<1x16xf32>,
        %get3A_631 = vector.shape_cast %get3A_630 : vector<1x16xf32> to vector<16xf32>
        %swap3A_632 = arith.index_cast %add3A_627 : i32 to index
        %swap3A_633 = arith.constant 48 : index
        %swap3A_634 = tpu.vector_load %arg14[%swap3A_632, %swap3A_633] {strides = array<i32>} : memref<200x64xf32, #tpu.memory_space<vmem>>, vector<1x16xf32>,
        %swap3A_635 = vector.shape_cast %swap3A_634 : vector<1x16xf32> to vector<16xf32>
        %swap3A_636 = vector.shape_cast %get3A_631 : vector<16xf32> to vector<1x16xf32>
        tpu.vector_store %arg14[%swap3A_632, %swap3A_633], %swap3A_636 {add = true, strides = array<i32>} : memref<200x64xf32, #tpu.memory_space<vmem>>, vector<1x16xf32>,
      }
      %scan3A_206 = arith.constant 100 : i32
      %add3A_207 = arith.addi %mul3A_2, %add3A_179 : i32
      %dma_start3A_208 = arith.constant 0 : i32
      %dma_start3A_209 = arith.constant 0 : i32
      %dma_start3A_210 = tpu.memref_slice %arg5[%add3A_207, %dma_start3A_208, %dma_start3A_209] : memref<4096x200x64xf32, #tpu.memory_space<hbm>> -> memref<1x200x64xf32, #tpu.memory_space<hbm>>
      %dma_start3A_211 = tpu.memref_squeeze %dma_start3A_210 : memref<1x200x64xf32, #tpu.memory_space<hbm>> -> memref<200x64xf32, #tpu.memory_space<hbm>>
      %dma_start3A_212 = arith.constant 0 : i32
      %dma_start3A_213 = arith.constant 0 : i32
      %dma_start3A_214 = tpu.memref_slice %arg5[%add3A_207, %dma_start3A_212, %dma_start3A_213] : memref<4096x200x64xf32, #tpu.memory_space<hbm>> -> memref<1x200x64xf32, #tpu.memory_space<hbm>>
      %dma_start3A_215 = tpu.memref_squeeze %dma_start3A_214 : memref<1x200x64xf32, #tpu.memory_space<hbm>> -> memref<200x64xf32, #tpu.memory_space<hbm>>
      tpu.enqueue_dma source(%arg14 : memref<200x64xf32, #tpu.memory_space<vmem>>) target(%dma_start3A_215 : memref<200x64xf32, #tpu.memory_space<hbm>>) target_semaphore(%arg26 : memref<!tpu.dma_semaphore, #tpu.memory_space<semaphore_mem>>)
    }
    %scan3A_42 = arith.constant 32 : i32
    %dma_wait3A_43 = arith.constant 0 : i32
    %dma_wait3A_44 = arith.constant 0 : i32
    %dma_wait3A_45 = tpu.memref_slice %arg5[%mul3A_2, %dma_wait3A_43, %dma_wait3A_44] : memref<4096x200x64xf32, #tpu.memory_space<hbm>> -> memref<1x200x64xf32, #tpu.memory_space<hbm>>
    %dma_wait3A_46 = tpu.memref_squeeze %dma_wait3A_45 : memref<1x200x64xf32, #tpu.memory_space<hbm>> -> memref<200x64xf32, #tpu.memory_space<hbm>>
    %dma_wait3A_47 = arith.constant 0 : i32
    %dma_wait3A_48 = arith.constant 0 : i32
    %dma_wait3A_49 = tpu.memref_slice %arg5[%mul3A_2, %dma_wait3A_47, %dma_wait3A_48] : memref<4096x200x64xf32, #tpu.memory_space<hbm>> -> memref<1x200x64xf32, #tpu.memory_space<hbm>>
    %dma_wait3A_50 = tpu.memref_squeeze %dma_wait3A_49 : memref<1x200x64xf32, #tpu.memory_space<hbm>> -> memref<200x64xf32, #tpu.memory_space<hbm>>
    tpu.wait_dma2 semaphore(%arg25 : memref<!tpu.dma_semaphore, #tpu.memory_space<semaphore_mem>>) src(%arg13 : memref<200x64xf32, #tpu.memory_space<vmem>>) dst(%dma_wait3A_50 : memref<200x64xf32, #tpu.memory_space<hbm>>)
    %dma_wait3A_51 = arith.constant 0 : i32
    %dma_wait3A_52 = arith.constant 0 : i32
    %dma_wait3A_53 = tpu.memref_slice %arg5[%mul3A_2, %dma_wait3A_51, %dma_wait3A_52] : memref<4096x200x64xf32, #tpu.memory_space<hbm>> -> memref<1x200x64xf32, #tpu.memory_space<hbm>>
    %dma_wait3A_54 = tpu.memref_squeeze %dma_wait3A_53 : memref<1x200x64xf32, #tpu.memory_space<hbm>> -> memref<200x64xf32, #tpu.memory_space<hbm>>
    %dma_wait3A_55 = arith.constant 0 : i32
    %dma_wait3A_56 = arith.constant 0 : i32
    %dma_wait3A_57 = tpu.memref_slice %arg5[%mul3A_2, %dma_wait3A_55, %dma_wait3A_56] : memref<4096x200x64xf32, #tpu.memory_space<hbm>> -> memref<1x200x64xf32, #tpu.memory_space<hbm>>
    %dma_wait3A_58 = tpu.memref_squeeze %dma_wait3A_57 : memref<1x200x64xf32, #tpu.memory_space<hbm>> -> memref<200x64xf32, #tpu.memory_space<hbm>>
    tpu.wait_dma2 semaphore(%arg26 : memref<!tpu.dma_semaphore, #tpu.memory_space<semaphore_mem>>) src(%arg14 : memref<200x64xf32, #tpu.memory_space<vmem>>) dst(%dma_wait3A_58 : memref<200x64xf32, #tpu.memory_space<hbm>>)
    return
  }
}

</mosaic_0001>

<sc_bundles>
// kernel: _run.3.cloned.1.call-start
scs
__scs_entry_jumppad:
0x0: {  	(pc) =	sbr.rel $0x88, $3  }
0x1: {  	(tag) =	ssettag $0x0;
	lr =	simm.s32 $0x1  }
0x2: {  	[smem:$0x3F9E] =	sst lr;
	_ =	strace $0xD0000000  }
0x3: {  	_ = 	snop  }
0x4: {  	_ = 	snop  }
0x5: {  	_ = 	snop  }
0x6: {  	_ = 	snop  }
0x7: {  	_ = 	snop  }
__scs_overlays_trampoline_lowered:
0x8: {  	[smem:$0x3FAD] =	sst s0  }
0x9: {  	[smem:$0x3FAE] =	sst s1  }
0xa: {  	[smem:$0x3FAF] =	sst s2  }
0xb: {  	[smem:$0x3FB0] =	sst s3  }
0xc: {  	[smem:$0x3FB1] =	sst s4  }
0xd: {  	[smem:$0x3FB2] =	sst s5  }
0xe: {  	[smem:$0x3FB3] =	sst s6  }
0xf: {  	[smem:$0x3FB4] =	sst s7  }
0x10: {  	[smem:$0x3FB5] =	sst s8  }
0x11: {  	[smem:$0x3FB6] =	sst s9;
	s0 =	simm.s32 @!p0 $0x0  }
0x12: {  	s1 =	sld [smem:$0x3F9C];
	s0 =	simm.s32 @p0 $0x1  }
0x13: {  	[smem:$0x3FB7] =	sst s0;
	s0 =	simm.s32 @!p1 $0x0  }
0x14: {  	s2 =	sld [smem:$0x3F9B];
	s0 =	simm.s32 @p1 $0x1  }
0x15: {  	[smem:$0x3FB8] =	sst s0;
	s0 =	simm.s32 @!p2 $0x0  }
0x16: {  	s3 =	sld [smem:$0x3FDB];
	s0 =	simm.s32 @p2 $0x1  }
0x17: {  	s4 =	simm.s32 $0x1BF5;
	[smem:$0x3FBA] =	sst s0  }
0x18: {  	s0 =	sld [smem:$0x3F9D];
	_ =	swait.ge [sflag:s4], $0x0  }
0x19: {  	s7 =	sld [smem:$0x3F9E]  }
0x1a: {  	s8 =	sadd.s32 $0xFFFFE003, lr  }
0x1b: {  	s9 =	sadd.s32 $0xFFFFFEF7, lr;
	s5 =	simm.s32 $0xFFFFFFFF;
	p2 =	slt.u32 s8, $0xFFFFF086  }
0x1c: {  	p1 =	slt.u32 s9, $0xF7A;
	s5 =	simm.s32 @!p2 $0x0  }
0x1d: {  	s5 =	simm.s32 @p1 $0x1;
	p0 =	seq.s32 s7, s2  }
0x1e: {  	s7 =	smul.u32 @!p0 $0xF7A, s2;
	p2 =	seq.s32 @!p0 s5, $0x0  }
0x1f: {  	s9 =	smul.u32 $0xF7A, s1;
	s8 =	simm.s32 @!p0 $0x1BF5;
	p2 =	por !p2, p0  }
0x20: {  	[sflag:s8] =	ssyncset.s32 @!p0 $0xFFFFF086;
	s6 =	sadd.s32 @!p0 s3, s7;
	s7 =	simm.s32 @!p0 $0x108  }
0x21: {  	s3 =	sadd.s32 s3, s9;
	s6 =	sadd.s32 @!p0 $0x88, s6;
	s7 =	simm.s32 @p2 $0x1082  }
0x22: {  	[simem:s7], [sflag:s8] =	dma.local @!p0 [hbm:s6], $0xF7A  }
0x23: {  	s9 =	sor.u32 $0xD0000000, s2;
	s6 =	simm.s32 $0x108;
	_ =	swait.ge @!p0 [sflag:s8], $0x0  }
0x24: {  	s3 =	sadd.s32 $0x88, s3;
	s6 =	simm.s32 @!p1 $0x1082;
	[sflag:s4] =	ssyncset.s32 $0xFFFFF086  }
0x25: {  	[simem:s6], [sflag:s4] =	dma.local [hbm:s3], $0xF7A  }
0x26: {  	[smem:$0x3F9E] =	sst s1;
	(tag) =	ssettag s2;
	_ =	strace s9  }
0x27: {  	s1 =	sld [smem:$0x3FAE]  }
0x28: {  	s2 =	sld [smem:$0x3FAF]  }
0x29: {  	s4 =	sld [smem:$0x3FB1]  }
0x2a: {  	p0 =	seq.s32 s5, $0x0;
	s5 =	sld [smem:$0x3FB2]  }
0x2b: {  	s6 =	sld [smem:$0x3FB3]  }
0x2c: {  	s7 =	sld [smem:$0x3FB4]  }
0x2d: {  	s3 =	simm.s32 $0x108;
	s8 =	sld [smem:$0x3FB5]  }
0x2e: {  	s3 =	simm.s32 @!p0 $0x1082;
	s9 =	sld [smem:$0x3FB6]  }
0x2f: {  	lr =	sadd.s32 s0, s3;
	s0 =	sld [smem:$0x3FAD]  }
0x30: {  	s3 =	sld [smem:$0x3FB0]  }
0x31: {  	[smem:$0x3FB9] =	sst s10  }
0x32: {  	s10 =	sld [smem:$0x3FB7];
	_ =	sdelay $0x3  }
0x33: {  	p0 =	seq.s32 s10, $0x1;
	s10 =	sld [smem:$0x3FB9];
	_ =	sdelay $0x3  }
0x34: {  	[smem:$0x3FB9] =	sst s10  }
0x35: {  	s10 =	sld [smem:$0x3FB8];
	_ =	sdelay $0x3  }
0x36: {  	p1 =	seq.s32 s10, $0x1;
	s10 =	sld [smem:$0x3FB9];
	_ =	sdelay $0x3  }
0x37: {  	[smem:$0x3FB9] =	sst s10  }
0x38: {  	s10 =	sld [smem:$0x3FBA]  }
0x39: {  	_ = 	snop;
	(pc) =	sbr.ind lr, $3  }
0x3a: {  	_ = 	snop  }
0x3b: {  	_ = 	snop  }
0x3c: {  	p2 =	seq.s32 s10, $0x1;
	s10 =	sld [smem:$0x3FB9]  }
0x3d: {  	_ =	shalt  }
0x3e: {  	_ =	shalt  }
0x3f: {  	_ =	shalt  }
0x40: {  	_ =	shalt  }
0x41: {  	_ =	shalt  }
0x42: {  	_ =	shalt  }
0x43: {  	_ =	shalt  }
0x44: {  	_ =	shalt  }
0x45: {  	_ =	shalt  }
0x46: {  	_ =	shalt  }
0x47: {  	_ =	shalt  }
0x48: {  	_ =	shalt  }
0x49: {  	_ =	shalt  }
0x4a: {  	_ =	shalt  }
0x4b: {  	_ =	shalt  }
0x4c: {  	_ =	shalt  }
0x4d: {  	_ =	shalt  }
0x4e: {  	_ =	shalt  }
0x4f: {  	_ =	shalt  }
0x50: {  	_ =	shalt  }
0x51: {  	_ =	shalt  }
0x52: {  	_ =	shalt  }
0x53: {  	_ =	shalt  }
0x54: {  	_ =	shalt  }
0x55: {  	_ =	shalt  }
0x56: {  	_ =	shalt  }
0x57: {  	_ =	shalt  }
0x58: {  	_ =	shalt  }
0x59: {  	_ =	shalt  }
0x5a: {  	_ =	shalt  }
0x5b: {  	_ =	shalt  }
0x5c: {  	_ =	shalt  }
0x5d: {  	_ =	shalt  }
0x5e: {  	_ =	shalt  }
0x5f: {  	_ =	shalt  }
0x60: {  	_ =	shalt  }
0x61: {  	_ =	shalt  }
0x62: {  	_ =	shalt  }
0x63: {  	_ =	shalt  }
0x64: {  	_ =	shalt  }
0x65: {  	_ =	shalt  }
0x66: {  	_ =	shalt  }
0x67: {  	_ =	shalt  }
0x68: {  	_ =	shalt  }
0x69: {  	_ =	shalt  }
0x6a: {  	_ =	shalt  }
0x6b: {  	_ =	shalt  }
0x6c: {  	_ =	shalt  }
0x6d: {  	_ =	shalt  }
0x6e: {  	_ =	shalt  }
0x6f: {  	_ =	shalt  }
0x70: {  	_ =	shalt  }
0x71: {  	_ =	shalt  }
0x72: {  	_ =	shalt  }
0x73: {  	_ =	shalt  }
0x74: {  	_ =	shalt  }
0x75: {  	_ =	shalt  }
0x76: {  	_ =	shalt  }
0x77: {  	_ =	shalt  }
0x78: {  	_ =	shalt  }
0x79: {  	_ =	shalt  }
0x7a: {  	_ =	shalt  }
0x7b: {  	_ =	shalt  }
0x7c: {  	_ =	shalt  }
0x7d: {  	_ =	shalt  }
0x7e: {  	_ =	shalt  }
0x7f: {  	_ =	shalt  }
0x80: {  	_ =	shalt  }
0x81: {  	_ =	shalt  }
0x82: {  	_ =	shalt  }
0x83: {  	_ =	shalt  }
0x84: {  	_ =	shalt  }
0x85: {  	_ =	shalt  }
0x86: {  	_ =	shalt  }
0x87: {  	_ =	shalt  }
.Lfunc_end0:
.L_simem_size_0:
called_computation.1_lowered:
.L_overlay_start_0:
0x88: {  	s2 =	sld [smem:$0x3FD9]  }
0x89: {  	s3 =	sld [smem:$0x3FFE];
	_ =	sdelay $0x1  }
0x8a: {  	s1 =	srdreg.scid  }
0x8b: {  	s0 =	sand.u32 $0x1, s1  }
0x8c: {  	s17 =	sshll.u32 s0, $0xA;
	s2 =	sadd.s32 s3, s2  }
0x8d: {  	s2 =	sadd.s32 s2, s17  }
0x8e: {  	[smem:$0x3FC5] =	sst s2  }
0x8f: {  	_ = 	snop  }
0x90: {  	s2 =	sld [smem:$0x3FC9]  }
0x91: {  	s18 =	sld [smem:$0x3FC7]  }
0x92: {  	s4 =	sld [smem:$0x3FD0];
	(tm) =	ssettm $0x1  }
0x93: {  	s5 =	sld [smem:$0x3FFB];
	_ =	sdelay $0x3  }
0x94: {  	_ =	strace s5  }
0x95: {  	s5 =	sld [smem:$0x3FFC];
	_ =	sdelay $0x3  }
0x96: {  	_ =	strace s5  }
0x97: {  	s5 =	sld [smem:$0x3FFD];
	_ =	sdelay $0x3  }
0x98: {  	_ =	strace s5  }
0x99: {  	_ =	strace $0x8FFFFFFF  }
0x9a: {  	s19 =	sld [smem:$0x3FDB];
	_ =	sdelay $0x1  }
0x9b: {  	s6 =	simm.s32 $_scs_section_size  }
0x9c: {  	s7 =	simm.s32 $_size__tile_overlayer_lowered;
	s8 =	simm.s32 $_tile_overlayer_lowered  }
0x9d: {  	s22 =	simm.s32 $0x1BFF;
	s21 =	sshll.u32 s8, $0x1;
	s5 =	sadd.s32 s6, s19  }
0x9e: {  	s9 =	simm.s32 $0x0;
	s20 =	sshll.u32 s7, $0x1;
	s7 =	sadd.s32 s21, s5  }
0x9f: {  	[timem:s9], [sflag:s22] =	dma.local [hbm:s7], s20  }
0xa0: {  	_ =	swait.ge [sflag:s22], s20  }
0xa1: {  	s6 =	ssub.s32 $0x0, s20;
	[sflag:s22] =	ssyncset.done $0x0  }
0xa2: {  	[sflag:s22] =	ssyncadd.s32 s6;
	_ =	sdelay $0x1  }
0xa3: {  	s23 =	simm.s32 $0x1B8B  }
0xa4: {  	_ =	swait.ge [sflag:s23], $0x1  }
0xa5: {  	[sflag:s23] =	ssyncset.done $0x0  }
0xa6: {  	s25 =	simm.s32 $0x1B8E;
	s24 =	sld [smem:$0x3FFE];
	[sflag:s23] =	ssyncadd.s32 $0xFFFFFFFF  }
0xa7: {  	s26 =	simm.s32 $execute0_lowered;
	[smem:$0x3FD2] =	sst s25  }
0xa8: {  	s7 =	sshll.u32 s26, $0x1;
	_ =	strace $0x80000046;
	[dreg:$0x1] =	wrdreg $0xFFFFFFFF  }
0xa9: {  	s28 =	simm.s32 $_size_execute0_lowered;
	s5 =	sadd.s32 s5, s7;
	[dreg:$0x0] =	wrdreg $0x0  }
0xaa: {  	s7 =	sshll.u32 s28, $0x1;
	[dreg:$0x2] =	wrdreg s5  }
0xab: {  	[dreg:$0x3] =	wrdreg s7  }
0xac: {  	[dreg:$0x4] =	wrdreg $0xC0  }
0xad: {  	_ =	task [dreg:s9], $0x5FFFF  }
0xae: {  	[dreg:$0x1] =	wrdreg $0xFFFFFFFF  }
0xaf: {  	[dreg:$0x0] =	wrdreg $0x60  }
0xb0: {  	[dreg:$0x2] =	wrdreg s2  }
0xb1: {  	[dreg:$0x3] =	wrdreg s24  }
0xb2: {  	[dreg:$0x4] =	wrdreg s18  }
0xb3: {  	[dreg:$0x5] =	wrdreg s4  }
0xb4: {  	[dreg:$0x6] =	wrdreg $0x9  }
0xb5: {  	_ =	task.clear_ibuf [dreg:s9], $0x7FFFF;
	_ =	strace $0x90000046  }
0xb6: {  	s29 =	simm.s32 $0x9;
	_ =	strace $0x80000048  }
0xb7: {  	_ =	swait.ge [sflag:s29], $0x1  }
0xb8: {  	[sflag:s29] =	ssyncadd.s32 $0xFFFFFFFF  }
0xb9: {  	_ =	strace $0x90000048  }
0xba: {  	_ =	sfence  }
0xbb: {  	s30 =	sld [smem:$0x0];
	_ =	sdelay $0x2  }
0xbc: {  	s31 =	sshll.u32 s1, $0xD;
	s1 =	sshrl.u32 s1, $0x2  }
0xbd: {  	s3 =	sand.u32 $0x4000, s31;
	s1 =	sadd.s32 s1, s30  }
0xbe: {  	s0 =	sor.u32 s3, s0;
	s1 =	sshll.u32 s1, $0x11  }
0xbf: {  	s0 =	sor.u32 s1, s0  }
0xc0: {  	s0 =	sadd.s32 $0x8F2B, s0  }
0xc1: {  	[sflag:s0] =	ssyncadd.remote.s32 $0x1  }
0xc2: {  	_ =	sfence.sel $0xFFFF  }
0xc3: {  	[dreg:$0x0] =	wrdreg $0xFFFFFFFF;
	(pc) =	sbr.abs _section_cstart, $3  }
0xc4: {  	[dreg:$0x1] =	wrdreg $0xFFFFFFFF  }
0xc5: {  	_ =	task.clear_ibuf [dreg:s9], $0x2FFFF;
	_ =	strace $0x9FFFFFFF  }
0xc6: {  	(tm) =	ssettm $0x7FFFFFFF  }
0xc7: {  	_ =	shalt  }
tec
execute0_lowered:
.L_overlay_start_1:
0x0: {  	(tag) =	ssettag $0x1  }
0x1: {  	s1 =	rddreg [dreg:$0x0]  }
0x2: {  	s0 =	rddreg [dreg:$0x1]  }
0x3: {  	s2 =	srdreg.scid;
	s3 =	stileid.u32  }
0x4: {  	s4 =	rddreg [dreg:$0x3];
	s5 =	simm.s32 $0x0;
	s20 =	simm.s32 $0x3390  }
0x5: {  	s21 =	simm.s32 $0x3458;
	s28 =	simm.s32 $0x5;
	s29 =	simm.s32 $0x3  }
0x6: {  	s30 =	simm.s32 $0x9920;
	s31 =	simm.s32 $0x6;
	s18 =	simm.s32 $0x8  }
0x7: {  	s19 =	simm.s32 $0xB;
	s2 =	sand.u32 $0x1, s2;
	s3 =	sshll.u32 s3, $0x1  }
0x8: {  	s10 =	simm.s32 $0x0;
	s3 =	sor.u32 s2, s3;
	s2 =	ssub.s32 $0x2, s2  }
0x9: {  	[smem:$0x7FF] =	sst s5;
	s7 =	smul.u32 $0xC80, s3;
	s8 =	sshrl.u32 s2, $0x1  }
0xa: {  	s6 =	sadd.s32 $0x800, s0;
	_ =	strace $0x80000047;
	s23 =	ssub.s32 s2, s8  }
0xb: {  	s8 =	sshll.u32 s3, $0x7;
	s3 =	simm.s32 $0x7;
	s24 =	sadd.s32 s1, s7  }
0xc: {  	s12 =	sor.u32 $0x4, s8;
	s13 =	sor.u32 $0x5, s8;
	s14 =	sor.u32 $0x6, s8  }
0xd: {  	s15 =	sor.u32 $0x7, s8;
	s0 =	smax.u32 s23, $0x1;
	[dreg:$0x5] =	wrdreg s24  }
0xe: {  	s23 =	simm.s32 $0xC8;
	s25 =	sadd.s32 $0x19, s24;
	[dreg:$0x9] =	wrdreg s0  }
0xf: {  	s26 =	sadd.s32 $0x32, s24;
	s2 =	sadd.s32 $0x4B, s24;
	[dreg:$0x6] =	wrdreg s25  }
0x10: {  	s24 =	simm.s32 $0x3520;
	s0 =	simm.s32 $0xCB20;
	[dreg:$0x7] =	wrdreg s26  }
0x11: {  	[dreg:$0x8] =	wrdreg s2;
	s26 =	simm.s32 $0x6720;
	s2 =	simm.s32 $0x4  }
.LBB2_1:
0x12: {  	s7 =	rddreg [dreg:$0x2];
	s17 =	simm.s32 $0xD  }
0x13: {  	[tilespmem:s5], [sflag:$0xD] =	stream.linear.gather [hbm4b:s7+s5], $0x3200, $0x38;
	[tilespmem:$0xFD20] =	vst v63  }
0x14: {  	_ =	swait.ge [sflag:s17], $0x3200  }
0x15: {  	[sflag:s17] =	ssyncset.done $0x0  }
0x16: {  	s9 =	simm.s32 $0x3200;
	s22 =	rddreg [dreg:$0x5];
	[sflag:s17] =	ssyncadd.s32 $0xFFFFCE00  }
0x17: {  	[tilespmem:s9], [sflag:$0x1] =	stream.linear.gather [hbm4b:s22+s5], $0xC8, $0x38;
	[tilespmem:$0xFD20] =	vst v63  }
0x18: {  	s11 =	simm.s32 $0x32C8;
	s25 =	rddreg [dreg:$0x6]  }
0x19: {  	[tilespmem:s11], [sflag:$0x2] =	stream.linear.gather [hbm4b:s25+s5], $0xC8, $0x38;
	[tilespmem:$0xFD20] =	vst v63  }
0x1a: {  	s16 =	rddreg [dreg:$0x7]  }
0x1b: {  	[tilespmem:s20], [sflag:$0x3] =	stream.linear.gather [hbm4b:s16+s5], $0xC8, $0x38;
	[tilespmem:$0xFD20] =	vst v63  }
0x1c: {  	s17 =	rddreg [dreg:$0x8];
	s22 =	simm.s32 $0x1  }
0x1d: {  	[tilespmem:s21], [sflag:$0x4] =	stream.linear.gather [hbm4b:s17+s5], $0xC8, $0x38;
	[tilespmem:$0xFD20] =	vst v63  }
0x1e: {  	_ =	swait.ge [sflag:s22], $0xC8  }
0x1f: {  	[sflag:s22] =	ssyncset.done $0x0  }
0x20: {  	s25 =	simm.s32 $0x2;
	[sflag:s22] =	ssyncadd.s32 $0xFFFFFF38  }
0x21: {  	[tilespmem:s24], [sflag:$0x5] =	stream.indirect.gather [hbm4b:s6+s23], $0x40, s9, s23, $0xb8;
	[tilespmem:$0xFD20] =	vst v63  }
0x22: {  	_ =	swait.ge [sflag:s25], $0xC8  }
0x23: {  	[sflag:s25] =	ssyncset.done $0x0  }
0x24: {  	[sflag:s25] =	ssyncadd.s32 $0xFFFFFF38  }
0x25: {  	[tilespmem:s26], [sflag:$0x6] =	stream.indirect.gather [hbm4b:s6+s23], $0x40, s11, s23, $0xb8;
	[tilespmem:$0xFD20] =	vst v63  }
0x26: {  	s11 =	simm.s32 $0x0  }
.LBB2_2:
0x27: {  	p0 =	seq.s32 s11, $0x1F  }
0x28: {  	p1 =	seq.s32 @!p0 s11, $0x0  }
0x29: {  	s16 =	sshll.u32 s11, $0x2;
	p1 =	por p0, !p1  }
.Ltmp0:
0x2a: {  	s7 =	sadd.s32 @!p0 s16, s12;
	(pc) =	sbr.rel @!p1 .LBB2_3-.Ltmp0, $4  }
0x2b: {  	_ =	swait.ge [sflag:s28], $0x3200;
	s7 =	smul.u32 @!p0 $0x19, s7  }
0x2c: {  	[sflag:s28] =	ssyncset.done $0x0;
	s9 =	simm.s32 @!p0 $0x0  }
0x2d: {  	s17 =	simm.s32 @!p0 $0x3200;
	[sflag:s28] =	ssyncadd.s32 $0xFFFFCE00;
	s7 =	sadd.s32 @!p0 s1, s7  }
0x2e: {  	[tilespmem:s17], [sflag:$0x1] =	stream.linear.gather @!p0 [hbm4b:s7+s9], $0xC8, $0x38;
	[tilespmem:$0xFD20] =	vst v63  }
.Ltmp1:
0x2f: {  	(pc) =	sbr.rel .LBB2_5-.Ltmp1, $4  }
0x30: {  	_ = 	snop  }
0x31: {  	_ =	swait.ge [sflag:s19], $0x3200  }
0x32: {  	[sflag:s19] =	ssyncset.done $0x0  }
0x33: {  	p1 =	por $0x0, $0x0;
	[sflag:s19] =	ssyncadd.s32 $0xFFFFCE00  }
.LBB2_3:
0x34: {  	p1 =	por @!p0 $0x1, $0x1  }
.LBB2_5:
0x35: {  	_ =	swait.ge [sflag:s29], $0xC8  }
0x36: {  	[sflag:s29] =	ssyncset.done $0x0  }
0x37: {  	s7 =	simm.s32 $0x0;
	[sflag:s29] =	ssyncadd.s32 $0xFFFFFF38  }
0x38: {  	[tilespmem:s30], [sflag:$0x7] =	stream.indirect.gather [hbm4b:s6+s23], $0x40, s20, s23, $0xb8;
	[tilespmem:$0xFD20] =	vst v63  }
0x39: {  	v0 =	vld [tilespmem:s7+$0x1F0]  }
0x3a: {  	v1 =	vld [tilespmem:s7+$0x0]  }
0x3b: {  	v2 =	vld [tilespmem:s7+$0x10]  }
0x3c: {  	v3 =	vld [tilespmem:s7+$0x20]  }
0x3d: {  	v4 =	vld [tilespmem:s7+$0x30]  }
0x3e: {  	v5 =	vld [tilespmem:s7+$0x40]  }
0x3f: {  	v6 =	vld [tilespmem:s7+$0x50]  }
0x40: {  	v7 =	vld [tilespmem:s7+$0x60]  }
0x41: {  	v8 =	vld [tilespmem:s7+$0x70]  }
0x42: {  	v9 =	vld [tilespmem:s7+$0x80]  }
0x43: {  	v10 =	vld [tilespmem:s7+$0x90]  }
0x44: {  	v11 =	vld [tilespmem:s7+$0xA0]  }
0x45: {  	v12 =	vld [tilespmem:s7+$0xB0]  }
0x46: {  	v13 =	vld [tilespmem:s7+$0xC0]  }
0x47: {  	v14 =	vld [tilespmem:s7+$0xD0]  }
0x48: {  	v15 =	vld [tilespmem:s7+$0xE0]  }
0x49: {  	v16 =	vld [tilespmem:s7+$0xF0]  }
0x4a: {  	v17 =	vld [tilespmem:s7+$0x100]  }
0x4b: {  	v18 =	vld [tilespmem:s7+$0x110]  }
0x4c: {  	v19 =	vld [tilespmem:s7+$0x120]  }
0x4d: {  	v20 =	vld [tilespmem:s7+$0x130]  }
0x4e: {  	v21 =	vld [tilespmem:s7+$0x140]  }
0x4f: {  	v22 =	vld [tilespmem:s7+$0x150]  }
0x50: {  	v23 =	vld [tilespmem:s7+$0x160]  }
0x51: {  	v24 =	vld [tilespmem:s7+$0x170]  }
0x52: {  	v25 =	vld [tilespmem:s7+$0x180]  }
0x53: {  	v26 =	vld [tilespmem:s7+$0x190]  }
0x54: {  	v27 =	vld [tilespmem:s7+$0x1A0]  }
0x55: {  	v28 =	vld [tilespmem:s7+$0x1B0]  }
0x56: {  	v29 =	vld [tilespmem:s7+$0x1C0]  }
0x57: {  	v30 =	vld [tilespmem:s7+$0x1D0]  }
0x58: {  	[tilespmem:s7+$0x3710] =	vst.add.f32.msk $0xffff, v0  }
0x59: {  	v0 =	vld [tilespmem:s7+$0x1E0]  }
0x5a: {  	[tilespmem:s7+$0x3520] =	vst.add.f32.msk $0xffff, v1  }
0x5b: {  	[tilespmem:s7+$0x3530] =	vst.add.f32.msk $0xffff, v2  }
0x5c: {  	[tilespmem:s7+$0x3540] =	vst.add.f32.msk $0xffff, v3  }
0x5d: {  	[tilespmem:s7+$0x3550] =	vst.add.f32.msk $0xffff, v4  }
0x5e: {  	[tilespmem:s7+$0x3560] =	vst.add.f32.msk $0xffff, v5  }
0x5f: {  	[tilespmem:s7+$0x3570] =	vst.add.f32.msk $0xffff, v6  }
0x60: {  	[tilespmem:s7+$0x3580] =	vst.add.f32.msk $0xffff, v7  }
0x61: {  	[tilespmem:s7+$0x3590] =	vst.add.f32.msk $0xffff, v8  }
0x62: {  	[tilespmem:s7+$0x35A0] =	vst.add.f32.msk $0xffff, v9  }
0x63: {  	[tilespmem:s7+$0x35B0] =	vst.add.f32.msk $0xffff, v10  }
0x64: {  	[tilespmem:s7+$0x35C0] =	vst.add.f32.msk $0xffff, v11  }
0x65: {  	[tilespmem:s7+$0x35D0] =	vst.add.f32.msk $0xffff, v12  }
0x66: {  	[tilespmem:s7+$0x35E0] =	vst.add.f32.msk $0xffff, v13  }
0x67: {  	[tilespmem:s7+$0x35F0] =	vst.add.f32.msk $0xffff, v14  }
0x68: {  	[tilespmem:s7+$0x3600] =	vst.add.f32.msk $0xffff, v15  }
0x69: {  	[tilespmem:s7+$0x3610] =	vst.add.f32.msk $0xffff, v16  }
0x6a: {  	[tilespmem:s7+$0x3620] =	vst.add.f32.msk $0xffff, v17  }
0x6b: {  	[tilespmem:s7+$0x3630] =	vst.add.f32.msk $0xffff, v18  }
0x6c: {  	[tilespmem:s7+$0x3640] =	vst.add.f32.msk $0xffff, v19  }
0x6d: {  	[tilespmem:s7+$0x3650] =	vst.add.f32.msk $0xffff, v20  }
0x6e: {  	[tilespmem:s7+$0x3660] =	vst.add.f32.msk $0xffff, v21  }
0x6f: {  	[tilespmem:s7+$0x3670] =	vst.add.f32.msk $0xffff, v22  }
0x70: {  	[tilespmem:s7+$0x3680] =	vst.add.f32.msk $0xffff, v23  }
0x71: {  	[tilespmem:s7+$0x3690] =	vst.add.f32.msk $0xffff, v24  }
0x72: {  	[tilespmem:s7+$0x36A0] =	vst.add.f32.msk $0xffff, v25  }
0x73: {  	[tilespmem:s7+$0x36B0] =	vst.add.f32.msk $0xffff, v26  }
0x74: {  	[tilespmem:s7+$0x36C0] =	vst.add.f32.msk $0xffff, v27  }
0x75: {  	[tilespmem:s7+$0x36D0] =	vst.add.f32.msk $0xffff, v28  }
0x76: {  	[tilespmem:s7+$0x36E0] =	vst.add.f32.msk $0xffff, v29  }
0x77: {  	s17 =	simm.s32 $0x0;
	s22 =	simm.s32 $0x800;
	[tilespmem:s7+$0x36F0] =	vst.add.f32.msk $0xffff, v30  }
.LBB2_6:
0x78: {  	s17 =	sadd.s32 $0x4, s17;
	[tilespmem:s7+$0x3700] =	vst.add.f32.msk $0xffff, v0;
	s7 =	sshra.s32 s22, $0x2  }
0x79: {  	v0 =	vld [tilespmem:s7+$0x1F0];
	p2 =	slt.u32 s17, $0x60  }
0x7a: {  	v1 =	vld [tilespmem:s7+$0x0]  }
0x7b: {  	v2 =	vld [tilespmem:s7+$0x10]  }
0x7c: {  	v3 =	vld [tilespmem:s7+$0x20]  }
0x7d: {  	v4 =	vld [tilespmem:s7+$0x30]  }
0x7e: {  	[tilespmem:s7+$0x3710] =	vst.add.f32.msk $0xffff, v0  }
0x7f: {  	v5 =	vld [tilespmem:s7+$0x40]  }
0x80: {  	v6 =	vld [tilespmem:s7+$0x50]  }
0x81: {  	v7 =	vld [tilespmem:s7+$0x60]  }
0x82: {  	v8 =	vld [tilespmem:s7+$0x70]  }
0x83: {  	v9 =	vld [tilespmem:s7+$0x80]  }
0x84: {  	v10 =	vld [tilespmem:s7+$0x90]  }
0x85: {  	v11 =	vld [tilespmem:s7+$0xA0]  }
0x86: {  	v12 =	vld [tilespmem:s7+$0xB0]  }
0x87: {  	v13 =	vld [tilespmem:s7+$0xC0]  }
0x88: {  	v14 =	vld [tilespmem:s7+$0xD0]  }
0x89: {  	v15 =	vld [tilespmem:s7+$0xE0]  }
0x8a: {  	v16 =	vld [tilespmem:s7+$0xF0]  }
0x8b: {  	v17 =	vld [tilespmem:s7+$0x100]  }
0x8c: {  	v18 =	vld [tilespmem:s7+$0x110]  }
0x8d: {  	v19 =	vld [tilespmem:s7+$0x120]  }
0x8e: {  	v20 =	vld [tilespmem:s7+$0x130]  }
0x8f: {  	v21 =	vld [tilespmem:s7+$0x140]  }
0x90: {  	v22 =	vld [tilespmem:s7+$0x150]  }
0x91: {  	v23 =	vld [tilespmem:s7+$0x160]  }
0x92: {  	v24 =	vld [tilespmem:s7+$0x170]  }
0x93: {  	v25 =	vld [tilespmem:s7+$0x180]  }
0x94: {  	v26 =	vld [tilespmem:s7+$0x190]  }
0x95: {  	v27 =	vld [tilespmem:s7+$0x1A0]  }
0x96: {  	v28 =	vld [tilespmem:s7+$0x1B0]  }
0x97: {  	v29 =	vld [tilespmem:s7+$0x1C0]  }
0x98: {  	v30 =	vld [tilespmem:s7+$0x1D0]  }
0x99: {  	v0 =	vld [tilespmem:s7+$0x1E0]  }
0x9a: {  	[tilespmem:s7+$0x3520] =	vst.add.f32.msk $0xffff, v1  }
0x9b: {  	[tilespmem:s7+$0x3530] =	vst.add.f32.msk $0xffff, v2  }
0x9c: {  	[tilespmem:s7+$0x3540] =	vst.add.f32.msk $0xffff, v3  }
0x9d: {  	[tilespmem:s7+$0x3550] =	vst.add.f32.msk $0xffff, v4  }
0x9e: {  	[tilespmem:s7+$0x3560] =	vst.add.f32.msk $0xffff, v5  }
0x9f: {  	[tilespmem:s7+$0x3570] =	vst.add.f32.msk $0xffff, v6  }
0xa0: {  	[tilespmem:s7+$0x3580] =	vst.add.f32.msk $0xffff, v7  }
0xa1: {  	[tilespmem:s7+$0x3590] =	vst.add.f32.msk $0xffff, v8  }
0xa2: {  	[tilespmem:s7+$0x35A0] =	vst.add.f32.msk $0xffff, v9  }
0xa3: {  	[tilespmem:s7+$0x35B0] =	vst.add.f32.msk $0xffff, v10  }
0xa4: {  	[tilespmem:s7+$0x35C0] =	vst.add.f32.msk $0xffff, v11  }
0xa5: {  	[tilespmem:s7+$0x35D0] =	vst.add.f32.msk $0xffff, v12  }
0xa6: {  	[tilespmem:s7+$0x35E0] =	vst.add.f32.msk $0xffff, v13  }
0xa7: {  	[tilespmem:s7+$0x35F0] =	vst.add.f32.msk $0xffff, v14  }
0xa8: {  	[tilespmem:s7+$0x3600] =	vst.add.f32.msk $0xffff, v15  }
0xa9: {  	[tilespmem:s7+$0x3610] =	vst.add.f32.msk $0xffff, v16  }
0xaa: {  	[tilespmem:s7+$0x3620] =	vst.add.f32.msk $0xffff, v17  }
0xab: {  	[tilespmem:s7+$0x3630] =	vst.add.f32.msk $0xffff, v18  }
0xac: {  	[tilespmem:s7+$0x3640] =	vst.add.f32.msk $0xffff, v19  }
0xad: {  	[tilespmem:s7+$0x3650] =	vst.add.f32.msk $0xffff, v20  }
0xae: {  	[tilespmem:s7+$0x3660] =	vst.add.f32.msk $0xffff, v21  }
0xaf: {  	[tilespmem:s7+$0x3670] =	vst.add.f32.msk $0xffff, v22  }
0xb0: {  	[tilespmem:s7+$0x3680] =	vst.add.f32.msk $0xffff, v23  }
0xb1: {  	[tilespmem:s7+$0x3690] =	vst.add.f32.msk $0xffff, v24  }
0xb2: {  	[tilespmem:s7+$0x36A0] =	vst.add.f32.msk $0xffff, v25  }
.Ltmp2:
0xb3: {  	[tilespmem:s7+$0x36B0] =	vst.add.f32.msk $0xffff, v26;
	(pc) =	sbr.rel @p2 .LBB2_6-.Ltmp2, $4  }
0xb4: {  	[tilespmem:s7+$0x36C0] =	vst.add.f32.msk $0xffff, v27  }
0xb5: {  	[tilespmem:s7+$0x36D0] =	vst.add.f32.msk $0xffff, v28  }
0xb6: {  	[tilespmem:s7+$0x36E0] =	vst.add.f32.msk $0xffff, v29  }
0xb7: {  	s22 =	sadd.s32 $0x800, s22;
	[tilespmem:s7+$0x36F0] =	vst.add.f32.msk $0xffff, v30  }
0xb8: {  	s9 =	sadd.s32 s8, s16  }
0xb9: {  	s9 =	smul.u32 $0x640, s9;
	_ =	sdelay $0x1  }
0xba: {  	[tilespmem:s7+$0x3700] =	vst.add.f32.msk $0xffff, v0;
	s7 =	sadd.s32 @!p0 s16, s13;
	s25 =	sadd.s32 s4, s9  }
0xbb: {  	[hbm4b:s25+s5] =	stream.linear.scatter [tilespmem:s24], [sflag:$0x9], $0x3200, $0x38;
	[tilespmem:$0xFD20] =	vst v63  }
0xbc: {  	s7 =	smul.u32 @!p0 $0x19, s7;
	_ =	swait.ge [sflag:s31], $0x3200  }
0xbd: {  	s17 =	simm.s32 @!p0 $0x32C8;
	[sflag:s31] =	ssyncset.done $0x0  }
0xbe: {  	s7 =	sadd.s32 @!p0 s1, s7;
	s9 =	simm.s32 @!p0 $0x0;
	[sflag:s31] =	ssyncadd.s32 $0xFFFFCE00  }
0xbf: {  	[tilespmem:s17], [sflag:$0x2] =	stream.linear.gather @!p0 [hbm4b:s7+s9], $0xC8, $0x38;
	[tilespmem:$0xFD20] =	vst v63  }
0xc0: {  	s7 =	simm.s32 @!p1 $0xC  }
0xc1: {  	_ =	swait.ge @!p1 [sflag:s7], $0x3200  }
0xc2: {  	[sflag:s7] =	ssyncset.done @!p1 $0x0  }
0xc3: {  	[sflag:s7] =	ssyncadd.s32 @!p1 $0xFFFFCE00  }
0xc4: {  	_ =	swait.ge [sflag:s2], $0xC8  }
0xc5: {  	[sflag:s2] =	ssyncset.done $0x0  }
0xc6: {  	s17 =	simm.s32 $0x0;
	[sflag:s2] =	ssyncadd.s32 $0xFFFFFF38  }
0xc7: {  	[tilespmem:s0], [sflag:$0x8] =	stream.indirect.gather [hbm4b:s6+s23], $0x40, s21, s23, $0xb8;
	[tilespmem:$0xFD20] =	vst v63  }
0xc8: {  	v0 =	vld [tilespmem:s17+$0x1F0]  }
0xc9: {  	v1 =	vld [tilespmem:s17+$0x0]  }
0xca: {  	v2 =	vld [tilespmem:s17+$0x10]  }
0xcb: {  	v3 =	vld [tilespmem:s17+$0x20]  }
0xcc: {  	v4 =	vld [tilespmem:s17+$0x30]  }
0xcd: {  	v5 =	vld [tilespmem:s17+$0x40]  }
0xce: {  	v6 =	vld [tilespmem:s17+$0x50]  }
0xcf: {  	v7 =	vld [tilespmem:s17+$0x60]  }
0xd0: {  	v8 =	vld [tilespmem:s17+$0x70]  }
0xd1: {  	v9 =	vld [tilespmem:s17+$0x80]  }
0xd2: {  	v10 =	vld [tilespmem:s17+$0x90]  }
0xd3: {  	v11 =	vld [tilespmem:s17+$0xA0]  }
0xd4: {  	v12 =	vld [tilespmem:s17+$0xB0]  }
0xd5: {  	v13 =	vld [tilespmem:s17+$0xC0]  }
0xd6: {  	v14 =	vld [tilespmem:s17+$0xD0]  }
0xd7: {  	v15 =	vld [tilespmem:s17+$0xE0]  }
0xd8: {  	v16 =	vld [tilespmem:s17+$0xF0]  }
0xd9: {  	v17 =	vld [tilespmem:s17+$0x100]  }
0xda: {  	v18 =	vld [tilespmem:s17+$0x110]  }
0xdb: {  	v19 =	vld [tilespmem:s17+$0x120]  }
0xdc: {  	v20 =	vld [tilespmem:s17+$0x130]  }
0xdd: {  	v21 =	vld [tilespmem:s17+$0x140]  }
0xde: {  	v22 =	vld [tilespmem:s17+$0x150]  }
0xdf: {  	v23 =	vld [tilespmem:s17+$0x160]  }
0xe0: {  	v24 =	vld [tilespmem:s17+$0x170]  }
0xe1: {  	v25 =	vld [tilespmem:s17+$0x180]  }
0xe2: {  	v26 =	vld [tilespmem:s17+$0x190]  }
0xe3: {  	v27 =	vld [tilespmem:s17+$0x1A0]  }
0xe4: {  	v28 =	vld [tilespmem:s17+$0x1B0]  }
0xe5: {  	v29 =	vld [tilespmem:s17+$0x1C0]  }
0xe6: {  	v30 =	vld [tilespmem:s17+$0x1D0]  }
0xe7: {  	[tilespmem:s17+$0x6910] =	vst.add.f32.msk $0xffff, v0  }
0xe8: {  	v0 =	vld [tilespmem:s17+$0x1E0]  }
0xe9: {  	[tilespmem:s17+$0x6720] =	vst.add.f32.msk $0xffff, v1  }
0xea: {  	[tilespmem:s17+$0x6730] =	vst.add.f32.msk $0xffff, v2  }
0xeb: {  	[tilespmem:s17+$0x6740] =	vst.add.f32.msk $0xffff, v3  }
0xec: {  	[tilespmem:s17+$0x6750] =	vst.add.f32.msk $0xffff, v4  }
0xed: {  	[tilespmem:s17+$0x6760] =	vst.add.f32.msk $0xffff, v5  }
0xee: {  	[tilespmem:s17+$0x6770] =	vst.add.f32.msk $0xffff, v6  }
0xef: {  	[tilespmem:s17+$0x6780] =	vst.add.f32.msk $0xffff, v7  }
0xf0: {  	[tilespmem:s17+$0x6790] =	vst.add.f32.msk $0xffff, v8  }
0xf1: {  	[tilespmem:s17+$0x67A0] =	vst.add.f32.msk $0xffff, v9  }
0xf2: {  	[tilespmem:s17+$0x67B0] =	vst.add.f32.msk $0xffff, v10  }
0xf3: {  	[tilespmem:s17+$0x67C0] =	vst.add.f32.msk $0xffff, v11  }
0xf4: {  	[tilespmem:s17+$0x67D0] =	vst.add.f32.msk $0xffff, v12  }
0xf5: {  	[tilespmem:s17+$0x67E0] =	vst.add.f32.msk $0xffff, v13  }
0xf6: {  	[tilespmem:s17+$0x67F0] =	vst.add.f32.msk $0xffff, v14  }
0xf7: {  	[tilespmem:s17+$0x6800] =	vst.add.f32.msk $0xffff, v15  }
0xf8: {  	[tilespmem:s17+$0x6810] =	vst.add.f32.msk $0xffff, v16  }
0xf9: {  	[tilespmem:s17+$0x6820] =	vst.add.f32.msk $0xffff, v17  }
0xfa: {  	[tilespmem:s17+$0x6830] =	vst.add.f32.msk $0xffff, v18  }
0xfb: {  	[tilespmem:s17+$0x6840] =	vst.add.f32.msk $0xffff, v19  }
0xfc: {  	[tilespmem:s17+$0x6850] =	vst.add.f32.msk $0xffff, v20  }
0xfd: {  	[tilespmem:s17+$0x6860] =	vst.add.f32.msk $0xffff, v21  }
0xfe: {  	[tilespmem:s17+$0x6870] =	vst.add.f32.msk $0xffff, v22  }
0xff: {  	[tilespmem:s17+$0x6880] =	vst.add.f32.msk $0xffff, v23  }
0x100: {  	[tilespmem:s17+$0x6890] =	vst.add.f32.msk $0xffff, v24  }
0x101: {  	[tilespmem:s17+$0x68A0] =	vst.add.f32.msk $0xffff, v25  }
0x102: {  	[tilespmem:s17+$0x68B0] =	vst.add.f32.msk $0xffff, v26  }
0x103: {  	[tilespmem:s17+$0x68C0] =	vst.add.f32.msk $0xffff, v27  }
0x104: {  	[tilespmem:s17+$0x68D0] =	vst.add.f32.msk $0xffff, v28  }
0x105: {  	s22 =	sor.u32 $0x1, s16;
	[tilespmem:s17+$0x68E0] =	vst.add.f32.msk $0xffff, v29  }
0x106: {  	s25 =	simm.s32 $0x0;
	s9 =	simm.s32 $0x800;
	s7 =	sor.u32 $0x2, s16;
	[tilespmem:s17+$0x68F0] =	vst.add.f32.msk $0xffff, v30  }
.LBB2_8:
0x107: {  	s25 =	sadd.s32 $0x4, s25;
	[tilespmem:s17+$0x6900] =	vst.add.f32.msk $0xffff, v0;
	s17 =	sshra.s32 s9, $0x2  }
0x108: {  	v0 =	vld [tilespmem:s17+$0x1F0];
	p0 =	slt.u32 s25, $0x60  }
0x109: {  	v1 =	vld [tilespmem:s17+$0x0]  }
0x10a: {  	v2 =	vld [tilespmem:s17+$0x10]  }
0x10b: {  	v3 =	vld [tilespmem:s17+$0x20]  }
0x10c: {  	v4 =	vld [tilespmem:s17+$0x30]  }
0x10d: {  	[tilespmem:s17+$0x6910] =	vst.add.f32.msk $0xffff, v0  }
0x10e: {  	v5 =	vld [tilespmem:s17+$0x40]  }
0x10f: {  	v6 =	vld [tilespmem:s17+$0x50]  }
0x110: {  	v7 =	vld [tilespmem:s17+$0x60]  }
0x111: {  	v8 =	vld [tilespmem:s17+$0x70]  }
0x112: {  	v9 =	vld [tilespmem:s17+$0x80]  }
0x113: {  	v10 =	vld [tilespmem:s17+$0x90]  }
0x114: {  	v11 =	vld [tilespmem:s17+$0xA0]  }
0x115: {  	v12 =	vld [tilespmem:s17+$0xB0]  }
0x116: {  	v13 =	vld [tilespmem:s17+$0xC0]  }
0x117: {  	v14 =	vld [tilespmem:s17+$0xD0]  }
0x118: {  	v15 =	vld [tilespmem:s17+$0xE0]  }
0x119: {  	v16 =	vld [tilespmem:s17+$0xF0]  }
0x11a: {  	v17 =	vld [tilespmem:s17+$0x100]  }
0x11b: {  	v18 =	vld [tilespmem:s17+$0x110]  }
0x11c: {  	v19 =	vld [tilespmem:s17+$0x120]  }
0x11d: {  	v20 =	vld [tilespmem:s17+$0x130]  }
0x11e: {  	v21 =	vld [tilespmem:s17+$0x140]  }
0x11f: {  	v22 =	vld [tilespmem:s17+$0x150]  }
0x120: {  	v23 =	vld [tilespmem:s17+$0x160]  }
0x121: {  	v24 =	vld [tilespmem:s17+$0x170]  }
0x122: {  	v25 =	vld [tilespmem:s17+$0x180]  }
0x123: {  	v26 =	vld [tilespmem:s17+$0x190]  }
0x124: {  	v27 =	vld [tilespmem:s17+$0x1A0]  }
0x125: {  	v28 =	vld [tilespmem:s17+$0x1B0]  }
0x126: {  	v29 =	vld [tilespmem:s17+$0x1C0]  }
0x127: {  	v30 =	vld [tilespmem:s17+$0x1D0]  }
0x128: {  	v0 =	vld [tilespmem:s17+$0x1E0]  }
0x129: {  	[tilespmem:s17+$0x6720] =	vst.add.f32.msk $0xffff, v1  }
0x12a: {  	[tilespmem:s17+$0x6730] =	vst.add.f32.msk $0xffff, v2  }
0x12b: {  	[tilespmem:s17+$0x6740] =	vst.add.f32.msk $0xffff, v3  }
0x12c: {  	[tilespmem:s17+$0x6750] =	vst.add.f32.msk $0xffff, v4  }
0x12d: {  	[tilespmem:s17+$0x6760] =	vst.add.f32.msk $0xffff, v5  }
0x12e: {  	[tilespmem:s17+$0x6770] =	vst.add.f32.msk $0xffff, v6  }
0x12f: {  	[tilespmem:s17+$0x6780] =	vst.add.f32.msk $0xffff, v7  }
0x130: {  	[tilespmem:s17+$0x6790] =	vst.add.f32.msk $0xffff, v8  }
0x131: {  	[tilespmem:s17+$0x67A0] =	vst.add.f32.msk $0xffff, v9  }
0x132: {  	[tilespmem:s17+$0x67B0] =	vst.add.f32.msk $0xffff, v10  }
0x133: {  	[tilespmem:s17+$0x67C0] =	vst.add.f32.msk $0xffff, v11  }
0x134: {  	[tilespmem:s17+$0x67D0] =	vst.add.f32.msk $0xffff, v12  }
0x135: {  	[tilespmem:s17+$0x67E0] =	vst.add.f32.msk $0xffff, v13  }
0x136: {  	[tilespmem:s17+$0x67F0] =	vst.add.f32.msk $0xffff, v14  }
0x137: {  	[tilespmem:s17+$0x6800] =	vst.add.f32.msk $0xffff, v15  }
0x138: {  	[tilespmem:s17+$0x6810] =	vst.add.f32.msk $0xffff, v16  }
0x139: {  	[tilespmem:s17+$0x6820] =	vst.add.f32.msk $0xffff, v17  }
0x13a: {  	[tilespmem:s17+$0x6830] =	vst.add.f32.msk $0xffff, v18  }
0x13b: {  	[tilespmem:s17+$0x6840] =	vst.add.f32.msk $0xffff, v19  }
0x13c: {  	[tilespmem:s17+$0x6850] =	vst.add.f32.msk $0xffff, v20  }
0x13d: {  	[tilespmem:s17+$0x6860] =	vst.add.f32.msk $0xffff, v21  }
0x13e: {  	[tilespmem:s17+$0x6870] =	vst.add.f32.msk $0xffff, v22  }
0x13f: {  	[tilespmem:s17+$0x6880] =	vst.add.f32.msk $0xffff, v23  }
0x140: {  	[tilespmem:s17+$0x6890] =	vst.add.f32.msk $0xffff, v24  }
0x141: {  	[tilespmem:s17+$0x68A0] =	vst.add.f32.msk $0xffff, v25  }
.Ltmp3:
0x142: {  	[tilespmem:s17+$0x68B0] =	vst.add.f32.msk $0xffff, v26;
	(pc) =	sbr.rel @p0 .LBB2_8-.Ltmp3, $4  }
0x143: {  	[tilespmem:s17+$0x68C0] =	vst.add.f32.msk $0xffff, v27  }
0x144: {  	[tilespmem:s17+$0x68D0] =	vst.add.f32.msk $0xffff, v28  }
0x145: {  	[tilespmem:s17+$0x68E0] =	vst.add.f32.msk $0xffff, v29  }
0x146: {  	s9 =	sadd.s32 $0x800, s9;
	[tilespmem:s17+$0x68F0] =	vst.add.f32.msk $0xffff, v30  }
0x147: {  	s9 =	sadd.s32 s8, s22  }
0x148: {  	s9 =	smul.u32 $0x640, s9;
	_ =	sdelay $0x1  }
0x149: {  	[tilespmem:s17+$0x6900] =	vst.add.f32.msk $0xffff, v0;
	p0 =	sne.s32 s11, $0x1F;
	s9 =	sadd.s32 s4, s9  }
0x14a: {  	[hbm4b:s9+s5] =	stream.linear.scatter [tilespmem:s26], [sflag:$0xA], $0x3200, $0x38;
	[tilespmem:$0xFD20] =	vst v63  }
0x14b: {  	s9 =	sadd.s32 @p0 s16, s14  }
0x14c: {  	_ =	swait.ge [sflag:s3], $0x3200;
	s9 =	smul.u32 @p0 $0x19, s9  }
0x14d: {  	s17 =	simm.s32 @p0 $0x0;
	[sflag:s3] =	ssyncset.done $0x0  }
0x14e: {  	s22 =	simm.s32 @p0 $0x3390;
	[sflag:s3] =	ssyncadd.s32 $0xFFFFCE00;
	s9 =	sadd.s32 @p0 s1, s9  }
0x14f: {  	[tilespmem:s22], [sflag:$0x3] =	stream.linear.gather @p0 [hbm4b:s9+s17], $0xC8, $0x38;
	[tilespmem:$0xFD20] =	vst v63  }
0x150: {  	s9 =	simm.s32 @p0 $0x9  }
0x151: {  	_ =	swait.ge @p0 [sflag:s9], $0x3200  }
0x152: {  	[sflag:s9] =	ssyncset.done @p0 $0x0  }
0x153: {  	[sflag:s9] =	ssyncadd.s32 @p0 $0xFFFFCE00;
	s9 =	simm.s32 @p0 $0x1  }
0x154: {  	_ =	swait.ge @p0 [sflag:s9], $0xC8  }
0x155: {  	s17 =	simm.s32 @p0 $0x3200;
	[sflag:s9] =	ssyncset.done @p0 $0x0  }
0x156: {  	s22 =	simm.s32 @p0 $0x3520;
	[sflag:s9] =	ssyncadd.s32 @p0 $0xFFFFFF38;
	s9 =	simm.s32 @p0 $0xC8  }
0x157: {  	[tilespmem:s22], [sflag:$0x5] =	stream.indirect.gather @p0 [hbm4b:s6+s9], $0x40, s17, s9, $0xb8;
	[tilespmem:$0xFD20] =	vst v63  }
0x158: {  	s9 =	simm.s32 @!p0 $0x9  }
0x159: {  	_ =	swait.ge @!p0 [sflag:s9], $0x3200  }
0x15a: {  	[sflag:s9] =	ssyncset.done @!p0 $0x0  }
0x15b: {  	s22 =	simm.s32 $0x0;
	[sflag:s9] =	ssyncadd.s32 @!p0 $0xFFFFCE00  }
0x15c: {  	v0 =	vld [tilespmem:s22+$0x1F0]  }
0x15d: {  	v1 =	vld [tilespmem:s22+$0x0]  }
0x15e: {  	v2 =	vld [tilespmem:s22+$0x10]  }
0x15f: {  	v3 =	vld [tilespmem:s22+$0x20]  }
0x160: {  	v4 =	vld [tilespmem:s22+$0x30]  }
0x161: {  	v5 =	vld [tilespmem:s22+$0x40]  }
0x162: {  	v6 =	vld [tilespmem:s22+$0x50]  }
0x163: {  	v7 =	vld [tilespmem:s22+$0x60]  }
0x164: {  	v8 =	vld [tilespmem:s22+$0x70]  }
0x165: {  	v9 =	vld [tilespmem:s22+$0x80]  }
0x166: {  	v10 =	vld [tilespmem:s22+$0x90]  }
0x167: {  	v11 =	vld [tilespmem:s22+$0xA0]  }
0x168: {  	v12 =	vld [tilespmem:s22+$0xB0]  }
0x169: {  	v13 =	vld [tilespmem:s22+$0xC0]  }
0x16a: {  	v14 =	vld [tilespmem:s22+$0xD0]  }
0x16b: {  	v15 =	vld [tilespmem:s22+$0xE0]  }
0x16c: {  	v16 =	vld [tilespmem:s22+$0xF0]  }
0x16d: {  	v17 =	vld [tilespmem:s22+$0x100]  }
0x16e: {  	v18 =	vld [tilespmem:s22+$0x110]  }
0x16f: {  	v19 =	vld [tilespmem:s22+$0x120]  }
0x170: {  	v20 =	vld [tilespmem:s22+$0x130]  }
0x171: {  	v21 =	vld [tilespmem:s22+$0x140]  }
0x172: {  	v22 =	vld [tilespmem:s22+$0x150]  }
0x173: {  	v23 =	vld [tilespmem:s22+$0x160]  }
0x174: {  	v24 =	vld [tilespmem:s22+$0x170]  }
0x175: {  	v25 =	vld [tilespmem:s22+$0x180]  }
0x176: {  	v26 =	vld [tilespmem:s22+$0x190]  }
0x177: {  	v27 =	vld [tilespmem:s22+$0x1A0]  }
0x178: {  	v28 =	vld [tilespmem:s22+$0x1B0]  }
0x179: {  	v29 =	vld [tilespmem:s22+$0x1C0]  }
0x17a: {  	v30 =	vld [tilespmem:s22+$0x1D0]  }
0x17b: {  	[tilespmem:s22+$0x9B10] =	vst.add.f32.msk $0xffff, v0  }
0x17c: {  	v0 =	vld [tilespmem:s22+$0x1E0]  }
0x17d: {  	[tilespmem:s22+$0x9920] =	vst.add.f32.msk $0xffff, v1  }
0x17e: {  	[tilespmem:s22+$0x9930] =	vst.add.f32.msk $0xffff, v2  }
0x17f: {  	[tilespmem:s22+$0x9940] =	vst.add.f32.msk $0xffff, v3  }
0x180: {  	[tilespmem:s22+$0x9950] =	vst.add.f32.msk $0xffff, v4  }
0x181: {  	[tilespmem:s22+$0x9960] =	vst.add.f32.msk $0xffff, v5  }
0x182: {  	[tilespmem:s22+$0x9970] =	vst.add.f32.msk $0xffff, v6  }
0x183: {  	[tilespmem:s22+$0x9980] =	vst.add.f32.msk $0xffff, v7  }
0x184: {  	[tilespmem:s22+$0x9990] =	vst.add.f32.msk $0xffff, v8  }
0x185: {  	[tilespmem:s22+$0x99A0] =	vst.add.f32.msk $0xffff, v9  }
0x186: {  	[tilespmem:s22+$0x99B0] =	vst.add.f32.msk $0xffff, v10  }
0x187: {  	[tilespmem:s22+$0x99C0] =	vst.add.f32.msk $0xffff, v11  }
0x188: {  	[tilespmem:s22+$0x99D0] =	vst.add.f32.msk $0xffff, v12  }
0x189: {  	[tilespmem:s22+$0x99E0] =	vst.add.f32.msk $0xffff, v13  }
0x18a: {  	[tilespmem:s22+$0x99F0] =	vst.add.f32.msk $0xffff, v14  }
0x18b: {  	[tilespmem:s22+$0x9A00] =	vst.add.f32.msk $0xffff, v15  }
0x18c: {  	[tilespmem:s22+$0x9A10] =	vst.add.f32.msk $0xffff, v16  }
0x18d: {  	[tilespmem:s22+$0x9A20] =	vst.add.f32.msk $0xffff, v17  }
0x18e: {  	[tilespmem:s22+$0x9A30] =	vst.add.f32.msk $0xffff, v18  }
0x18f: {  	[tilespmem:s22+$0x9A40] =	vst.add.f32.msk $0xffff, v19  }
0x190: {  	[tilespmem:s22+$0x9A50] =	vst.add.f32.msk $0xffff, v20  }
0x191: {  	[tilespmem:s22+$0x9A60] =	vst.add.f32.msk $0xffff, v21  }
0x192: {  	[tilespmem:s22+$0x9A70] =	vst.add.f32.msk $0xffff, v22  }
0x193: {  	[tilespmem:s22+$0x9A80] =	vst.add.f32.msk $0xffff, v23  }
0x194: {  	[tilespmem:s22+$0x9A90] =	vst.add.f32.msk $0xffff, v24  }
0x195: {  	[tilespmem:s22+$0x9AA0] =	vst.add.f32.msk $0xffff, v25  }
0x196: {  	[tilespmem:s22+$0x9AB0] =	vst.add.f32.msk $0xffff, v26  }
0x197: {  	[tilespmem:s22+$0x9AC0] =	vst.add.f32.msk $0xffff, v27  }
0x198: {  	[tilespmem:s22+$0x9AD0] =	vst.add.f32.msk $0xffff, v28  }
0x199: {  	[tilespmem:s22+$0x9AE0] =	vst.add.f32.msk $0xffff, v29  }
0x19a: {  	s25 =	simm.s32 $0x0;
	s17 =	sor.u32 $0x3, s16;
	s9 =	simm.s32 $0x800;
	[tilespmem:s22+$0x9AF0] =	vst.add.f32.msk $0xffff, v30  }
.LBB2_10:
0x19b: {  	s25 =	sadd.s32 $0x4, s25;
	[tilespmem:s22+$0x9B00] =	vst.add.f32.msk $0xffff, v0;
	s22 =	sshra.s32 s9, $0x2  }
0x19c: {  	v0 =	vld [tilespmem:s22+$0x1F0];
	p1 =	slt.u32 s25, $0x60  }
0x19d: {  	v1 =	vld [tilespmem:s22+$0x0]  }
0x19e: {  	v2 =	vld [tilespmem:s22+$0x10]  }
0x19f: {  	v3 =	vld [tilespmem:s22+$0x20]  }
0x1a0: {  	v4 =	vld [tilespmem:s22+$0x30]  }
0x1a1: {  	[tilespmem:s22+$0x9B10] =	vst.add.f32.msk $0xffff, v0  }
0x1a2: {  	v5 =	vld [tilespmem:s22+$0x40]  }
0x1a3: {  	v6 =	vld [tilespmem:s22+$0x50]  }
0x1a4: {  	v7 =	vld [tilespmem:s22+$0x60]  }
0x1a5: {  	v8 =	vld [tilespmem:s22+$0x70]  }
0x1a6: {  	v9 =	vld [tilespmem:s22+$0x80]  }
0x1a7: {  	v10 =	vld [tilespmem:s22+$0x90]  }
0x1a8: {  	v11 =	vld [tilespmem:s22+$0xA0]  }
0x1a9: {  	v12 =	vld [tilespmem:s22+$0xB0]  }
0x1aa: {  	v13 =	vld [tilespmem:s22+$0xC0]  }
0x1ab: {  	v14 =	vld [tilespmem:s22+$0xD0]  }
0x1ac: {  	v15 =	vld [tilespmem:s22+$0xE0]  }
0x1ad: {  	v16 =	vld [tilespmem:s22+$0xF0]  }
0x1ae: {  	v17 =	vld [tilespmem:s22+$0x100]  }
0x1af: {  	v18 =	vld [tilespmem:s22+$0x110]  }
0x1b0: {  	v19 =	vld [tilespmem:s22+$0x120]  }
0x1b1: {  	v20 =	vld [tilespmem:s22+$0x130]  }
0x1b2: {  	v21 =	vld [tilespmem:s22+$0x140]  }
0x1b3: {  	v22 =	vld [tilespmem:s22+$0x150]  }
0x1b4: {  	v23 =	vld [tilespmem:s22+$0x160]  }
0x1b5: {  	v24 =	vld [tilespmem:s22+$0x170]  }
0x1b6: {  	v25 =	vld [tilespmem:s22+$0x180]  }
0x1b7: {  	v26 =	vld [tilespmem:s22+$0x190]  }
0x1b8: {  	v27 =	vld [tilespmem:s22+$0x1A0]  }
0x1b9: {  	v28 =	vld [tilespmem:s22+$0x1B0]  }
0x1ba: {  	v29 =	vld [tilespmem:s22+$0x1C0]  }
0x1bb: {  	v30 =	vld [tilespmem:s22+$0x1D0]  }
0x1bc: {  	v0 =	vld [tilespmem:s22+$0x1E0]  }
0x1bd: {  	[tilespmem:s22+$0x9920] =	vst.add.f32.msk $0xffff, v1  }
0x1be: {  	[tilespmem:s22+$0x9930] =	vst.add.f32.msk $0xffff, v2  }
0x1bf: {  	[tilespmem:s22+$0x9940] =	vst.add.f32.msk $0xffff, v3  }
0x1c0: {  	[tilespmem:s22+$0x9950] =	vst.add.f32.msk $0xffff, v4  }
0x1c1: {  	[tilespmem:s22+$0x9960] =	vst.add.f32.msk $0xffff, v5  }
0x1c2: {  	[tilespmem:s22+$0x9970] =	vst.add.f32.msk $0xffff, v6  }
0x1c3: {  	[tilespmem:s22+$0x9980] =	vst.add.f32.msk $0xffff, v7  }
0x1c4: {  	[tilespmem:s22+$0x9990] =	vst.add.f32.msk $0xffff, v8  }
0x1c5: {  	[tilespmem:s22+$0x99A0] =	vst.add.f32.msk $0xffff, v9  }
0x1c6: {  	[tilespmem:s22+$0x99B0] =	vst.add.f32.msk $0xffff, v10  }
0x1c7: {  	[tilespmem:s22+$0x99C0] =	vst.add.f32.msk $0xffff, v11  }
0x1c8: {  	[tilespmem:s22+$0x99D0] =	vst.add.f32.msk $0xffff, v12  }
0x1c9: {  	[tilespmem:s22+$0x99E0] =	vst.add.f32.msk $0xffff, v13  }
0x1ca: {  	[tilespmem:s22+$0x99F0] =	vst.add.f32.msk $0xffff, v14  }
0x1cb: {  	[tilespmem:s22+$0x9A00] =	vst.add.f32.msk $0xffff, v15  }
0x1cc: {  	[tilespmem:s22+$0x9A10] =	vst.add.f32.msk $0xffff, v16  }
0x1cd: {  	[tilespmem:s22+$0x9A20] =	vst.add.f32.msk $0xffff, v17  }
0x1ce: {  	[tilespmem:s22+$0x9A30] =	vst.add.f32.msk $0xffff, v18  }
0x1cf: {  	[tilespmem:s22+$0x9A40] =	vst.add.f32.msk $0xffff, v19  }
0x1d0: {  	[tilespmem:s22+$0x9A50] =	vst.add.f32.msk $0xffff, v20  }
0x1d1: {  	[tilespmem:s22+$0x9A60] =	vst.add.f32.msk $0xffff, v21  }
0x1d2: {  	[tilespmem:s22+$0x9A70] =	vst.add.f32.msk $0xffff, v22  }
0x1d3: {  	[tilespmem:s22+$0x9A80] =	vst.add.f32.msk $0xffff, v23  }
0x1d4: {  	[tilespmem:s22+$0x9A90] =	vst.add.f32.msk $0xffff, v24  }
0x1d5: {  	[tilespmem:s22+$0x9AA0] =	vst.add.f32.msk $0xffff, v25  }
.Ltmp4:
0x1d6: {  	[tilespmem:s22+$0x9AB0] =	vst.add.f32.msk $0xffff, v26;
	(pc) =	sbr.rel @p1 .LBB2_10-.Ltmp4, $4  }
0x1d7: {  	[tilespmem:s22+$0x9AC0] =	vst.add.f32.msk $0xffff, v27  }
0x1d8: {  	[tilespmem:s22+$0x9AD0] =	vst.add.f32.msk $0xffff, v28  }
0x1d9: {  	[tilespmem:s22+$0x9AE0] =	vst.add.f32.msk $0xffff, v29  }
0x1da: {  	s9 =	sadd.s32 $0x800, s9;
	[tilespmem:s22+$0x9AF0] =	vst.add.f32.msk $0xffff, v30  }
0x1db: {  	s7 =	sadd.s32 s8, s7  }
0x1dc: {  	s7 =	smul.u32 $0x640, s7;
	_ =	sdelay $0x1  }
0x1dd: {  	[tilespmem:s22+$0x9B00] =	vst.add.f32.msk $0xffff, v0;
	s7 =	sadd.s32 s4, s7  }
0x1de: {  	[hbm4b:s7+s5] =	stream.linear.scatter [tilespmem:s30], [sflag:$0xB], $0x3200, $0x38;
	[tilespmem:$0xFD20] =	vst v63  }
0x1df: {  	s7 =	sadd.s32 @p0 s16, s15  }
0x1e0: {  	_ =	swait.ge [sflag:s18], $0x3200;
	s7 =	smul.u32 @p0 $0x19, s7  }
0x1e1: {  	s9 =	simm.s32 @p0 $0x0;
	[sflag:s18] =	ssyncset.done $0x0  }
0x1e2: {  	s16 =	simm.s32 @p0 $0x3458;
	[sflag:s18] =	ssyncadd.s32 $0xFFFFCE00;
	s7 =	sadd.s32 @p0 s1, s7  }
0x1e3: {  	[tilespmem:s16], [sflag:$0x4] =	stream.linear.gather @p0 [hbm4b:s7+s9], $0xC8, $0x38;
	[tilespmem:$0xFD20] =	vst v63  }
0x1e4: {  	s7 =	simm.s32 @p0 $0xA  }
0x1e5: {  	_ =	swait.ge @p0 [sflag:s7], $0x3200  }
0x1e6: {  	[sflag:s7] =	ssyncset.done @p0 $0x0  }
0x1e7: {  	[sflag:s7] =	ssyncadd.s32 @p0 $0xFFFFCE00;
	s7 =	simm.s32 @p0 $0x2  }
0x1e8: {  	_ =	swait.ge @p0 [sflag:s7], $0xC8  }
0x1e9: {  	s9 =	simm.s32 @p0 $0x32C8;
	[sflag:s7] =	ssyncset.done @p0 $0x0  }
0x1ea: {  	s16 =	simm.s32 @p0 $0x6720;
	[sflag:s7] =	ssyncadd.s32 @p0 $0xFFFFFF38;
	s7 =	simm.s32 @p0 $0xC8  }
0x1eb: {  	[tilespmem:s16], [sflag:$0x6] =	stream.indirect.gather @p0 [hbm4b:s6+s7], $0x40, s9, s7, $0xb8;
	[tilespmem:$0xFD20] =	vst v63  }
0x1ec: {  	s7 =	simm.s32 @!p0 $0xA  }
0x1ed: {  	_ =	swait.ge @!p0 [sflag:s7], $0x3200  }
0x1ee: {  	[sflag:s7] =	ssyncset.done @!p0 $0x0  }
0x1ef: {  	[sflag:s7] =	ssyncadd.s32 @!p0 $0xFFFFCE00;
	s7 =	simm.s32 $0x0  }
0x1f0: {  	v0 =	vld [tilespmem:s7+$0x1F0]  }
0x1f1: {  	v1 =	vld [tilespmem:s7+$0x0]  }
0x1f2: {  	v2 =	vld [tilespmem:s7+$0x10]  }
0x1f3: {  	v3 =	vld [tilespmem:s7+$0x20]  }
0x1f4: {  	v4 =	vld [tilespmem:s7+$0x30]  }
0x1f5: {  	v5 =	vld [tilespmem:s7+$0x40]  }
0x1f6: {  	v6 =	vld [tilespmem:s7+$0x50]  }
0x1f7: {  	v7 =	vld [tilespmem:s7+$0x60]  }
0x1f8: {  	v8 =	vld [tilespmem:s7+$0x70]  }
0x1f9: {  	v9 =	vld [tilespmem:s7+$0x80]  }
0x1fa: {  	v10 =	vld [tilespmem:s7+$0x90]  }
0x1fb: {  	v11 =	vld [tilespmem:s7+$0xA0]  }
0x1fc: {  	v12 =	vld [tilespmem:s7+$0xB0]  }
0x1fd: {  	v13 =	vld [tilespmem:s7+$0xC0]  }
0x1fe: {  	v14 =	vld [tilespmem:s7+$0xD0]  }
0x1ff: {  	v15 =	vld [tilespmem:s7+$0xE0]  }
0x200: {  	v16 =	vld [tilespmem:s7+$0xF0]  }
0x201: {  	v17 =	vld [tilespmem:s7+$0x100]  }
0x202: {  	v18 =	vld [tilespmem:s7+$0x110]  }
0x203: {  	v19 =	vld [tilespmem:s7+$0x120]  }
0x204: {  	v20 =	vld [tilespmem:s7+$0x130]  }
0x205: {  	v21 =	vld [tilespmem:s7+$0x140]  }
0x206: {  	v22 =	vld [tilespmem:s7+$0x150]  }
0x207: {  	v23 =	vld [tilespmem:s7+$0x160]  }
0x208: {  	v24 =	vld [tilespmem:s7+$0x170]  }
0x209: {  	v25 =	vld [tilespmem:s7+$0x180]  }
0x20a: {  	v26 =	vld [tilespmem:s7+$0x190]  }
0x20b: {  	v27 =	vld [tilespmem:s7+$0x1A0]  }
0x20c: {  	v28 =	vld [tilespmem:s7+$0x1B0]  }
0x20d: {  	v29 =	vld [tilespmem:s7+$0x1C0]  }
0x20e: {  	v30 =	vld [tilespmem:s7+$0x1D0]  }
0x20f: {  	[tilespmem:s7+$0xCD10] =	vst.add.f32.msk $0xffff, v0  }
0x210: {  	v0 =	vld [tilespmem:s7+$0x1E0]  }
0x211: {  	[tilespmem:s7+$0xCB20] =	vst.add.f32.msk $0xffff, v1  }
0x212: {  	[tilespmem:s7+$0xCB30] =	vst.add.f32.msk $0xffff, v2  }
0x213: {  	[tilespmem:s7+$0xCB40] =	vst.add.f32.msk $0xffff, v3  }
0x214: {  	[tilespmem:s7+$0xCB50] =	vst.add.f32.msk $0xffff, v4  }
0x215: {  	[tilespmem:s7+$0xCB60] =	vst.add.f32.msk $0xffff, v5  }
0x216: {  	[tilespmem:s7+$0xCB70] =	vst.add.f32.msk $0xffff, v6  }
0x217: {  	[tilespmem:s7+$0xCB80] =	vst.add.f32.msk $0xffff, v7  }
0x218: {  	[tilespmem:s7+$0xCB90] =	vst.add.f32.msk $0xffff, v8  }
0x219: {  	[tilespmem:s7+$0xCBA0] =	vst.add.f32.msk $0xffff, v9  }
0x21a: {  	[tilespmem:s7+$0xCBB0] =	vst.add.f32.msk $0xffff, v10  }
0x21b: {  	[tilespmem:s7+$0xCBC0] =	vst.add.f32.msk $0xffff, v11  }
0x21c: {  	[tilespmem:s7+$0xCBD0] =	vst.add.f32.msk $0xffff, v12  }
0x21d: {  	[tilespmem:s7+$0xCBE0] =	vst.add.f32.msk $0xffff, v13  }
0x21e: {  	[tilespmem:s7+$0xCBF0] =	vst.add.f32.msk $0xffff, v14  }
0x21f: {  	[tilespmem:s7+$0xCC00] =	vst.add.f32.msk $0xffff, v15  }
0x220: {  	[tilespmem:s7+$0xCC10] =	vst.add.f32.msk $0xffff, v16  }
0x221: {  	[tilespmem:s7+$0xCC20] =	vst.add.f32.msk $0xffff, v17  }
0x222: {  	[tilespmem:s7+$0xCC30] =	vst.add.f32.msk $0xffff, v18  }
0x223: {  	[tilespmem:s7+$0xCC40] =	vst.add.f32.msk $0xffff, v19  }
0x224: {  	[tilespmem:s7+$0xCC50] =	vst.add.f32.msk $0xffff, v20  }
0x225: {  	[tilespmem:s7+$0xCC60] =	vst.add.f32.msk $0xffff, v21  }
0x226: {  	[tilespmem:s7+$0xCC70] =	vst.add.f32.msk $0xffff, v22  }
0x227: {  	[tilespmem:s7+$0xCC80] =	vst.add.f32.msk $0xffff, v23  }
0x228: {  	[tilespmem:s7+$0xCC90] =	vst.add.f32.msk $0xffff, v24  }
0x229: {  	[tilespmem:s7+$0xCCA0] =	vst.add.f32.msk $0xffff, v25  }
0x22a: {  	[tilespmem:s7+$0xCCB0] =	vst.add.f32.msk $0xffff, v26  }
0x22b: {  	[tilespmem:s7+$0xCCC0] =	vst.add.f32.msk $0xffff, v27  }
0x22c: {  	[tilespmem:s7+$0xCCD0] =	vst.add.f32.msk $0xffff, v28  }
0x22d: {  	[tilespmem:s7+$0xCCE0] =	vst.add.f32.msk $0xffff, v29  }
0x22e: {  	s16 =	simm.s32 $0x0;
	s9 =	simm.s32 $0x800;
	[tilespmem:s7+$0xCCF0] =	vst.add.f32.msk $0xffff, v30  }
.LBB2_12:
0x22f: {  	s16 =	sadd.s32 $0x4, s16;
	[tilespmem:s7+$0xCD00] =	vst.add.f32.msk $0xffff, v0;
	s7 =	sshra.s32 s9, $0x2  }
0x230: {  	v0 =	vld [tilespmem:s7+$0x1F0];
	p0 =	slt.u32 s16, $0x60  }
0x231: {  	v1 =	vld [tilespmem:s7+$0x0]  }
0x232: {  	v2 =	vld [tilespmem:s7+$0x10]  }
0x233: {  	v3 =	vld [tilespmem:s7+$0x20]  }
0x234: {  	v4 =	vld [tilespmem:s7+$0x30]  }
0x235: {  	[tilespmem:s7+$0xCD10] =	vst.add.f32.msk $0xffff, v0  }
0x236: {  	v5 =	vld [tilespmem:s7+$0x40]  }
0x237: {  	v6 =	vld [tilespmem:s7+$0x50]  }
0x238: {  	v7 =	vld [tilespmem:s7+$0x60]  }
0x239: {  	v8 =	vld [tilespmem:s7+$0x70]  }
0x23a: {  	v9 =	vld [tilespmem:s7+$0x80]  }
0x23b: {  	v10 =	vld [tilespmem:s7+$0x90]  }
0x23c: {  	v11 =	vld [tilespmem:s7+$0xA0]  }
0x23d: {  	v12 =	vld [tilespmem:s7+$0xB0]  }
0x23e: {  	v13 =	vld [tilespmem:s7+$0xC0]  }
0x23f: {  	v14 =	vld [tilespmem:s7+$0xD0]  }
0x240: {  	v15 =	vld [tilespmem:s7+$0xE0]  }
0x241: {  	v16 =	vld [tilespmem:s7+$0xF0]  }
0x242: {  	v17 =	vld [tilespmem:s7+$0x100]  }
0x243: {  	v18 =	vld [tilespmem:s7+$0x110]  }
0x244: {  	v19 =	vld [tilespmem:s7+$0x120]  }
0x245: {  	v20 =	vld [tilespmem:s7+$0x130]  }
0x246: {  	v21 =	vld [tilespmem:s7+$0x140]  }
0x247: {  	v22 =	vld [tilespmem:s7+$0x150]  }
0x248: {  	v23 =	vld [tilespmem:s7+$0x160]  }
0x249: {  	v24 =	vld [tilespmem:s7+$0x170]  }
0x24a: {  	v25 =	vld [tilespmem:s7+$0x180]  }
0x24b: {  	v26 =	vld [tilespmem:s7+$0x190]  }
0x24c: {  	v27 =	vld [tilespmem:s7+$0x1A0]  }
0x24d: {  	v28 =	vld [tilespmem:s7+$0x1B0]  }
0x24e: {  	v29 =	vld [tilespmem:s7+$0x1C0]  }
0x24f: {  	v30 =	vld [tilespmem:s7+$0x1D0]  }
0x250: {  	v0 =	vld [tilespmem:s7+$0x1E0]  }
0x251: {  	[tilespmem:s7+$0xCB20] =	vst.add.f32.msk $0xffff, v1  }
0x252: {  	[tilespmem:s7+$0xCB30] =	vst.add.f32.msk $0xffff, v2  }
0x253: {  	[tilespmem:s7+$0xCB40] =	vst.add.f32.msk $0xffff, v3  }
0x254: {  	[tilespmem:s7+$0xCB50] =	vst.add.f32.msk $0xffff, v4  }
0x255: {  	[tilespmem:s7+$0xCB60] =	vst.add.f32.msk $0xffff, v5  }
0x256: {  	[tilespmem:s7+$0xCB70] =	vst.add.f32.msk $0xffff, v6  }
0x257: {  	[tilespmem:s7+$0xCB80] =	vst.add.f32.msk $0xffff, v7  }
0x258: {  	[tilespmem:s7+$0xCB90] =	vst.add.f32.msk $0xffff, v8  }
0x259: {  	[tilespmem:s7+$0xCBA0] =	vst.add.f32.msk $0xffff, v9  }
0x25a: {  	[tilespmem:s7+$0xCBB0] =	vst.add.f32.msk $0xffff, v10  }
0x25b: {  	[tilespmem:s7+$0xCBC0] =	vst.add.f32.msk $0xffff, v11  }
0x25c: {  	[tilespmem:s7+$0xCBD0] =	vst.add.f32.msk $0xffff, v12  }
0x25d: {  	[tilespmem:s7+$0xCBE0] =	vst.add.f32.msk $0xffff, v13  }
0x25e: {  	[tilespmem:s7+$0xCBF0] =	vst.add.f32.msk $0xffff, v14  }
0x25f: {  	[tilespmem:s7+$0xCC00] =	vst.add.f32.msk $0xffff, v15  }
0x260: {  	[tilespmem:s7+$0xCC10] =	vst.add.f32.msk $0xffff, v16  }
0x261: {  	[tilespmem:s7+$0xCC20] =	vst.add.f32.msk $0xffff, v17  }
0x262: {  	[tilespmem:s7+$0xCC30] =	vst.add.f32.msk $0xffff, v18  }
0x263: {  	[tilespmem:s7+$0xCC40] =	vst.add.f32.msk $0xffff, v19  }
0x264: {  	[tilespmem:s7+$0xCC50] =	vst.add.f32.msk $0xffff, v20  }
0x265: {  	[tilespmem:s7+$0xCC60] =	vst.add.f32.msk $0xffff, v21  }
0x266: {  	[tilespmem:s7+$0xCC70] =	vst.add.f32.msk $0xffff, v22  }
0x267: {  	[tilespmem:s7+$0xCC80] =	vst.add.f32.msk $0xffff, v23  }
0x268: {  	[tilespmem:s7+$0xCC90] =	vst.add.f32.msk $0xffff, v24  }
0x269: {  	[tilespmem:s7+$0xCCA0] =	vst.add.f32.msk $0xffff, v25  }
.Ltmp5:
0x26a: {  	[tilespmem:s7+$0xCCB0] =	vst.add.f32.msk $0xffff, v26;
	(pc) =	sbr.rel @p0 .LBB2_12-.Ltmp5, $4  }
0x26b: {  	[tilespmem:s7+$0xCCC0] =	vst.add.f32.msk $0xffff, v27  }
0x26c: {  	[tilespmem:s7+$0xCCD0] =	vst.add.f32.msk $0xffff, v28  }
0x26d: {  	[tilespmem:s7+$0xCCE0] =	vst.add.f32.msk $0xffff, v29  }
0x26e: {  	s9 =	sadd.s32 $0x800, s9;
	[tilespmem:s7+$0xCCF0] =	vst.add.f32.msk $0xffff, v30  }
0x26f: {  	s11 =	sadd.s32 $0x1, s11  }
0x270: {  	p0 =	sne.s32 s11, $0x20  }
.Ltmp6:
0x271: {  	s9 =	sadd.s32 s8, s17;
	(pc) =	sbr.rel @p0 .LBB2_2-.Ltmp6, $3  }
0x272: {  	s9 =	smul.u32 $0x640, s9;
	_ =	sdelay $0x1  }
0x273: {  	[tilespmem:s7+$0xCD00] =	vst.add.f32.msk $0xffff, v0;
	s25 =	sadd.s32 s4, s9  }
0x274: {  	[hbm4b:s25+s5] =	stream.linear.scatter [tilespmem:s0], [sflag:$0xC], $0x3200, $0x38;
	[tilespmem:$0xFD20] =	vst v63  }
0x275: {  	_ =	swait.ge [sflag:s19], $0x3200  }
0x276: {  	[sflag:s19] =	ssyncset.done $0x0  }
0x277: {  	s9 =	simm.s32 $0xC;
	[sflag:s19] =	ssyncadd.s32 $0xFFFFCE00  }
0x278: {  	_ =	swait.ge [sflag:s9], $0x3200  }
0x279: {  	s10 =	sadd.s32 $0x1, s10;
	s7 =	rddreg [dreg:$0x9]  }
0x27a: {  	p0 =	sne.s32 s10, s7  }
.Ltmp7:
0x27b: {  	_ = 	snop;
	(pc) =	sbr.rel @p0 .LBB2_1-.Ltmp7, $3  }
0x27c: {  	_ =	sdelay $0x1  }
0x27d: {  	[sflag:s9] =	ssyncset.done $0x0  }
0x27e: {  	[sflag:s9] =	ssyncadd.s32 $0xFFFFCE00  }
0x27f: {  	_ =	sfence.sel $0x180000  }
0x280: {  	[bflag:$0x0] =	sbarrier.arrive $0xFFFF  }
0x281: {  	_ =	strace $0x90000047  }
0x282: {  	s0 =	stileid.u32;
	[bflag:$0x2] =	sbarrier.arrive $0xFFFF  }
0x283: {  	p0 =	sne.s32 s0, $0x0;
	s0 =	rddreg [dreg:$0x4]  }
0x284: {  	s0 =	sadd.s32 @!p0 $0x100000, s0  }
0x285: {  	[sflag:s0] =	ssyncadd.tile.s32 @!p0 $0x1;
	_ =	shalt  }
.Lfunc_end2:
_tile_overlayer_lowered:
.L_overlay_start_2:
0x286: {  	(tag) =	ssettag $0x2  }
0x287: {  	s0 =	rddreg [dreg:$0x0];
	s2 =	stileid.u32  }
0x288: {  	s1 =	rddreg [dreg:$0x1];
	p0 =	sne.s32 s2, $0x0  }
0x289: {  	s3 =	rddreg [dreg:$0x2];
	[bflag:$0x3] =	sbarrier.arrive $0xFFFF;
	s2 =	simm.s32 @!p0 $0x1C0D  }
0x28a: {  	[timem:s3], [sflag:s2] =	dma.local @!p0 [hbm:s0], s1  }
0x28b: {  	s0 =	simm.s32 @!p0 $0xD  }
0x28c: {  	_ =	swait.ge @!p0 [sflag:s0], s1  }
0x28d: {  	s1 =	ssub.s32 @!p0 $0x0, s1;
	[sflag:s0] =	ssyncset.done @!p0 $0x0  }
0x28e: {  	[sflag:s0] =	ssyncadd.s32 @!p0 s1  }
0x28f: {  	[bflag:$0x3] =	sbarrier.arrive $0xFFFF  }
0x290: {  	_ =	shalt  }

// kernel: sparse-core-data-format-call.cloned.1.call-start
scs
called_computation_lowered:
.L_overlay_start_0:
0x0: {  	s2 =	sld [smem:$0x3FD9]  }
0x1: {  	s3 =	sld [smem:$0x3FFE];
	_ =	sdelay $0x1  }
0x2: {  	s1 =	srdreg.scid  }
0x3: {  	s0 =	sand.u32 $0x1, s1  }
0x4: {  	s18 =	sshll.u32 s0, $0xA;
	s2 =	sadd.s32 s3, s2  }
0x5: {  	s2 =	sadd.s32 s2, s18  }
0x6: {  	[smem:$0x3FC5] =	sst s2  }
0x7: {  	_ = 	snop  }
0x8: {  	s2 =	sld [smem:$0x3FD0];
	(tm) =	ssettm $0x1  }
0x9: {  	s19 =	sld [smem:$0x3FFB];
	_ =	sdelay $0x3  }
0xa: {  	_ =	strace s19  }
0xb: {  	s3 =	sld [smem:$0x3FFC];
	_ =	sdelay $0x3  }
0xc: {  	_ =	strace s3  }
0xd: {  	s3 =	sld [smem:$0x3FFD];
	_ =	sdelay $0x3  }
0xe: {  	_ =	strace s3  }
0xf: {  	_ =	strace $0x8FFFFFFF  }
0x10: {  	s20 =	sld [smem:$0x3FDB];
	_ =	sdelay $0x1  }
0x11: {  	s4 =	simm.s32 $_scs_section_size  }
0x12: {  	s5 =	simm.s32 $_size__tile_overlayer_lowered;
	s6 =	simm.s32 $_tile_overlayer_lowered  }
0x13: {  	s23 =	simm.s32 $0x1BFF;
	s22 =	sshll.u32 s6, $0x1;
	s3 =	sadd.s32 s4, s20  }
0x14: {  	s7 =	simm.s32 $0x0;
	s21 =	sshll.u32 s5, $0x1;
	s5 =	sadd.s32 s22, s3  }
0x15: {  	[timem:s7], [sflag:s23] =	dma.local [hbm:s5], s21  }
0x16: {  	_ =	swait.ge [sflag:s23], s21  }
0x17: {  	s4 =	ssub.s32 $0x0, s21;
	[sflag:s23] =	ssyncset.done $0x0  }
0x18: {  	[sflag:s23] =	ssyncadd.s32 s4;
	_ =	sdelay $0x1  }
0x19: {  	s24 =	simm.s32 $0x1B8B  }
0x1a: {  	_ =	swait.ge [sflag:s24], $0x1  }
0x1b: {  	[sflag:s24] =	ssyncset.done $0x0  }
0x1c: {  	s26 =	simm.s32 $0x1B8E;
	s25 =	sld [smem:$0x3FFE];
	[sflag:s24] =	ssyncadd.s32 $0xFFFFFFFF  }
0x1d: {  	s27 =	simm.s32 $execute0_lowered;
	[smem:$0x3FD2] =	sst s26  }
0x1e: {  	s5 =	sshll.u32 s27, $0x1;
	_ =	strace $0x80000049;
	[dreg:$0x1] =	wrdreg $0xFFFFFFFF  }
0x1f: {  	s28 =	simm.s32 $_size_execute0_lowered;
	s3 =	sadd.s32 s3, s5;
	[dreg:$0x0] =	wrdreg $0x0  }
0x20: {  	s5 =	sshll.u32 s28, $0x1;
	[dreg:$0x2] =	wrdreg s3  }
0x21: {  	[dreg:$0x3] =	wrdreg s5  }
0x22: {  	[dreg:$0x4] =	wrdreg $0xC0  }
0x23: {  	_ =	task [dreg:s7], $0x5FFFF  }
0x24: {  	[dreg:$0x1] =	wrdreg $0xFFFFFFFF  }
0x25: {  	[dreg:$0x0] =	wrdreg $0x60  }
0x26: {  	[dreg:$0x2] =	wrdreg s25  }
0x27: {  	[dreg:$0x3] =	wrdreg s2  }
0x28: {  	[dreg:$0x4] =	wrdreg $0x9  }
0x29: {  	_ =	task.clear_ibuf [dreg:s7], $0x5FFFF;
	_ =	strace $0x90000049  }
0x2a: {  	s29 =	simm.s32 $0x9;
	_ =	strace $0x8000004B  }
0x2b: {  	_ =	swait.ge [sflag:s29], $0x1  }
0x2c: {  	[sflag:s29] =	ssyncadd.s32 $0xFFFFFFFF  }
0x2d: {  	_ =	strace $0x9000004B  }
0x2e: {  	_ =	sfence  }
0x2f: {  	s30 =	sld [smem:$0x0];
	_ =	sdelay $0x2  }
0x30: {  	s31 =	sshll.u32 s1, $0xD;
	s1 =	sshrl.u32 s1, $0x2  }
0x31: {  	s3 =	sand.u32 $0x4000, s31;
	s1 =	sadd.s32 s1, s30  }
0x32: {  	s0 =	sor.u32 s3, s0;
	s1 =	sshll.u32 s1, $0x11  }
0x33: {  	s0 =	sor.u32 s1, s0  }
0x34: {  	s0 =	sadd.s32 $0x8F2B, s0  }
0x35: {  	[sflag:s0] =	ssyncadd.remote.s32 $0x1  }
0x36: {  	_ =	sfence.sel $0xFFFF  }
0x37: {  	[dreg:$0x0] =	wrdreg $0xFFFFFFFF;
	(pc) =	sbr.abs _section_cstart, $3  }
0x38: {  	[dreg:$0x1] =	wrdreg $0xFFFFFFFF  }
0x39: {  	_ =	task.clear_ibuf [dreg:s7], $0x2FFFF;
	_ =	strace $0x9FFFFFFF  }
0x3a: {  	(tm) =	ssettm $0x7FFFFFFF  }
0x3b: {  	_ =	shalt  }
tec
execute0_lowered:
.L_overlay_start_1:
0x0: {  	(tag) =	ssettag $0x1  }
0x1: {  	s0 =	srdreg.scid  }
0x2: {  	s1 =	sshll.u32 s0, $0x4  }
0x3: {  	s0 =	stileid.u32;
	s1 =	sand.u32 $0x10, s1  }
0x4: {  	s1 =	sor.u32 s0, s1  }
0x5: {  	s6 =	rddreg [dreg:$0x0];
	s4 =	simm.s32 $0x1;
	s2 =	sshll.u32 s1, $0x7  }
0x6: {  	s7 =	simm.s32 $0x2;
	s12 =	simm.s32 $0x0;
	s1 =	ssub.s32 $0x1000, s2  }
0x7: {  	s8 =	simm.s32 $0x8000;
	s13 =	simm.s32 $0x0;
	s3 =	sand.u32 $0xF80, s1  }
0x8: {  	s9 =	simm.s32 $0x0;
	s5 =	sshrl.u32 s1, $0xC;
	p0 =	sne.s32 s3, $0x0  }
.Ltmp0:
0x9: {  	s1 =	rddreg [dreg:$0x2];
	s4 =	simm.s32 @!p0 $0x0;
	(pc) =	sbr.rel .LBB1_1-.Ltmp0, $4  }
0xa: {  	s11 =	simm.s32 $0x0;
	s3 =	rddreg [dreg:$0x1];
	s5 =	sadd.s32 s4, s5  }
0xb: {  	_ =	strace $0x8000004A;
	s4 =	simm.s32 $0x1;
	s5 =	smul.u32 $0xC8, s5  }
0xc: {  	s6 =	sadd.s32 $0x800, s6;
	s10 =	smov.u32 s2;
	[sflag:s4] =	ssyncpa.u1 $0x0  }
0xd: {  	p0 =	por $0x0, $0x0;
	[sflag:s7] =	ssyncpa.u1 $0x0;
	s7 =	sor.u32 $0x1, s5  }
.LBB1_4:
0xe: {  	s16 =	sshll.u32 s13, $0x3;
	s17 =	sand.u32 $0x78, s13  }
0xf: {  	s30 =	sand.u32 $0x7E00, s13;
	s12 =	sshll.u32 s12, $0xF;
	s16 =	sand.u32 $0xC00, s16  }
0x10: {  	[tilespmem:s15+$0x810 ss:$0x81] =	vst.msk $0xffff, v2;
	s31 =	sand.u32 $0x7, s13;
	s16 =	sor.u32 s17, s16;
	s17 =	sadd.s32 s3, s30  }
0x11: {  	[tilespmem:s15+$0x1020 ss:$0x81] =	vst.msk $0xffff, v0;
	s13 =	sshll.u32 s31, $0x12;
	s12 =	sadd.s32 s12, s17;
	s16 =	sshrl.u32 s16, $0x3  }
0x12: {  	[tilespmem:s15+$0x0 ss:$0x81] =	vst.msk $0xffff, v1;
	s13 =	sor.u32 $0x400, s13;
	s12 =	sadd.s32 s16, s12  }
0x13: {  	[hbm4b:s12+s13] =	stream.strided.scatter [tilespmem:s14], [sflag:$0x2], $0x2000, s8, s13, $0x20;
	[tilespmem:$0x8080] =	vst v63  }
.LBB1_5:
0x14: {  	s14 =	sadd.s32 $0x1, s9  }
0x15: {  	s12 =	sadd.s32 $0x1000, s10;
	s16 =	smov.u32 s10;
	p2 =	sgt.s32 s14, $0xC7  }
0x16: {  	s16 =	smov.u32 @p2 s12  }
0x17: {  	s14 =	simm.s32 @p2 $0x0;
	p2 =	sgt.s32 s16, $0xFFF  }
0x18: {  	s16 =	smov.u32 @p2 s2;
	p2 =	sne.s32 s11, s7  }
.Ltmp1:
0x19: {  	p1 =	slt.u32 s11, $0x2;
	(pc) =	sbr.rel @!p2 .LBB1_6-.Ltmp1, $4  }
0x1a: {  	s15 =	simm.s32 @!p1 $0x2  }
0x1b: {  	s13 =	smov.u32 s10;
	p0 =	por !p0, !p0;
	_ =	swait.ge @!p1 [sflag:s15], $0x2000  }
0x1c: {  	s12 =	smov.u32 s9;
	[sflag:s15] =	ssyncset.done @!p1 $0x0;
	s9 =	smov.u32 s14  }
0x1d: {  	s11 =	sadd.s32 $0x1, s11;
	[sflag:s15] =	ssyncadd.s32 @!p1 $0xFFFFE000;
	s10 =	smov.u32 s16  }
.LBB1_1:
0x1e: {  	p1 =	sge.u32 s11, s5  }
0x1f: {  	s14 =	sand.u32 @!p1 $0x1FFFFFF, s9  }
0x20: {  	s15 =	smulhi.u32 @!p1 $0x147AE15, s14;
	_ =	sdelay $0x1  }
0x21: {  	s15 =	smul.u32 @!p1 $0xC8, s15  }
0x22: {  	s16 =	sxor.u32 @!p1 $0xFFFFFFFF, s11;
	s17 =	smul.u32 @!p1 $0xC80, s10  }
0x23: {  	s31 =	sadd.s32 $0xFFFFFFFF, s11;
	s16 =	sshll.u32 @!p1 s16, $0xD;
	s14 =	ssub.s32 @!p1 s14, s15  }
0x24: {  	s15 =	sand.u32 @!p1 $0x2000, s16;
	s16 =	sadd.s32 @!p1 s6, s17;
	s14 =	sshll.u32 @!p1 s14, $0x4  }
0x25: {  	s17 =	simm.s32 @!p1 $0x6400;
	s14 =	sadd.s32 @!p1 s14, s16;
	s16 =	simm.s32 @!p1 $0x40  }
0x26: {  	[tilespmem:s15], [sflag:$0x1] =	stream.strided.gather @!p1 [hbm4b:s14+s16], $0x2000, s17, s16, $0x38;
	[tilespmem:$0x8080] =	vst v63  }
0x27: {  	p1 =	sge.u32 s31, s5  }
.Ltmp2:
0x28: {  	_ = 	snop;
	(pc) =	sbr.rel @p1 .LBB1_5-.Ltmp2, $1  }
0x29: {  	_ =	sdelay $0x3  }
0x2a: {  	s14 =	simm.s32 $0x1  }
0x2b: {  	_ =	swait.ge [sflag:s4], $0x2000;
	s14 =	simm.s32 @!p0 $0x0  }
0x2c: {  	[sflag:s4] =	ssyncset.done $0x0;
	s15 =	sshll.u32 s14, $0xD  }
0x2d: {  	[sflag:s4] =	ssyncadd.s32 $0xFFFFE000;
	s18 =	sor.u32 $0x20, s15  }
0x2e: {  	s14 =	smul.u32 $0x8100, s14;
	v3 =	vld [tilespmem:s18+$0x10]  }
0x2f: {  	s30 =	sand.u32 $0x1, s11;
	v2 =	vld [tilespmem:s18+$0xFFFFFFF0]  }
0x30: {  	s15 =	smul.u32 $0x8100, s30;
	s14 =	sshrl.u32 s14, $0x2;
	v0 =	vld [tilespmem:s18+$0x0]  }
0x31: {  	v1 =	vld [tilespmem:s18+$0xFFFFFFE0];
	s16 =	sor.u32 $0x4000, s14  }
0x32: {  	s31 =	sshrl.u32 s15, $0x2;
	s15 =	sadd.s32 $0x0, s16  }
0x33: {  	s17 =	simm.s32 $0x4;
	s18 =	sadd.s32 $0x40, s18;
	s14 =	sor.u32 $0x4000, s31;
	[tilespmem:s15+$0x1830 ss:$0x81] =	vst.msk $0xffff, v3  }
.LBB1_3:
0x34: {  	v3 =	vld [tilespmem:s18+$0x10];
	p1 =	sne.s32 s17, $0x1FC;
	[tilespmem:s15+$0x810 ss:$0x81] =	vst.msk $0xffff, v2;
	s19 =	smov.u32 s17;
	s17 =	sadd.s32 $0x4, s17  }
.Ltmp3:
0x35: {  	v2 =	vld [tilespmem:s18+$0xFFFFFFF0];
	[tilespmem:s15+$0x1020 ss:$0x81] =	vst.msk $0xffff, v0;
	(pc) =	sbr.rel @p1 .LBB1_3-.Ltmp3, $4  }
0x36: {  	v0 =	vld [tilespmem:s18+$0x0];
	[tilespmem:s15+$0x0 ss:$0x81] =	vst.msk $0xffff, v1  }
0x37: {  	s15 =	sshra.s32 s19, $0x2;
	v1 =	vld [tilespmem:s18+$0xFFFFFFE0]  }
0x38: {  	s15 =	sadd.s32 s15, s16  }
0x39: {  	s18 =	sadd.s32 $0x40, s18;
	[tilespmem:s15+$0x1830 ss:$0x81] =	vst.msk $0xffff, v3  }
.Ltmp4:
0x3a: {  	_ = 	snop;
	(pc) =	sbr.rel .LBB1_4-.Ltmp4, $1  }
0x3b: {  	_ =	sdelay $0x3  }
.LBB1_6:
0x3c: {  	_ =	sfence.sel $0x180000  }
0x3d: {  	s2 =	simm.s32 $0x1;
	[bflag:$0x0] =	sbarrier.arrive $0xFFFF  }
0x3e: {  	s31 =	simm.s32 $0x2;
	[sflag:s2] =	ssyncpa.u1 $0x1  }
0x3f: {  	[sflag:s31] =	ssyncpa.u1 $0x1  }
0x40: {  	p0 =	sne.s32 s0, $0x0;
	_ =	strace $0x9000004A  }
0x41: {  	s0 =	sadd.s32 @!p0 $0x100000, s1;
	[bflag:$0x2] =	sbarrier.arrive $0xFFFF  }
0x42: {  	[sflag:s0] =	ssyncadd.tile.s32 @!p0 $0x1;
	_ =	shalt  }
.Lfunc_end1:
_tile_overlayer_lowered:
.L_overlay_start_2:
0x43: {  	(tag) =	ssettag $0x2  }
0x44: {  	s0 =	rddreg [dreg:$0x0];
	s2 =	stileid.u32  }
0x45: {  	s1 =	rddreg [dreg:$0x1];
	p0 =	sne.s32 s2, $0x0  }
0x46: {  	s3 =	rddreg [dreg:$0x2];
	[bflag:$0x3] =	sbarrier.arrive $0xFFFF;
	s2 =	simm.s32 @!p0 $0x1C01  }
0x47: {  	[timem:s3], [sflag:s2] =	dma.local @!p0 [hbm:s0], s1  }
0x48: {  	s0 =	simm.s32 @!p0 $0x1  }
0x49: {  	_ =	swait.ge @!p0 [sflag:s0], s1  }
0x4a: {  	s1 =	ssub.s32 @!p0 $0x0, s1;
	[sflag:s0] =	ssyncset.done @!p0 $0x0  }
0x4b: {  	[sflag:s0] =	ssyncadd.s32 @!p0 s1  }
0x4c: {  	[bflag:$0x3] =	sbarrier.arrive $0xFFFF  }
0x4d: {  	_ =	shalt  }

</sc_bundles>
